<compile_context>
chip_gen: v7x
topology: tpu7x:2x2x1
jax: 0.10.2.dev20260603
libtpu: 0.0.44.dev20260713+nightly
codegen_flags: <defaults>
</compile_context>

<pallas_src>
import functools

import jax
import jax.numpy as jnp
from jax import lax
from jax.experimental import pallas as pl
from jax.experimental.pallas import tpu as pltpu
from jax.experimental.pallas import tpu_sc as plsc

NUM_EMBEDDINGS = 1000000
DIM = 64
BATCH = 16384
SEQ = 50
SEQ_PAD = 56
DIM_PAD = 128
NUM_WORKERS = 32
ROWS_PER_WORKER = BATCH // NUM_WORKERS
SLAB = 8
NUM_SLABS = ROWS_PER_WORKER // SLAB

_mesh = plsc.VectorSubcoreMesh(core_axis_name="c", subcore_axis_name="s")

@functools.partial(
    pl.kernel,
    mesh=_mesh,
    out_type=jax.ShapeDtypeStruct((BATCH, SEQ_PAD, DIM_PAD), jnp.float32),
    scratch_types=[
        pltpu.VMEM((ROWS_PER_WORKER, SEQ), jnp.int32),
        pltpu.VMEM((SLAB, SEQ, DIM), jnp.float32),
        pltpu.VMEM((SLAB, SEQ, DIM), jnp.float32),
        pltpu.VMEM((SLAB, SEQ, DIM), jnp.float32),
        pltpu.SemaphoreType.DMA,
        pltpu.SemaphoreType.DMA,
        pltpu.SemaphoreType.DMA,
        pltpu.SemaphoreType.DMA,
        pltpu.SemaphoreType.DMA,
        pltpu.SemaphoreType.DMA,
    ],
    compiler_params=pltpu.CompilerParams(use_tc_tiling_on_sc=False),
)
def _gather_kernel(table_hbm, idx_hbm, out_hbm,
                   idx_v, rows0, rows1, rows2,
                   sg0, sg1, sg2, ss0, ss1, ss2):
    wid = lax.axis_index("s") * 2 + lax.axis_index("c")
    base = wid * ROWS_PER_WORKER
    pltpu.sync_copy(idx_hbm.at[pl.ds(base, ROWS_PER_WORKER)], idx_v)

    def start_gathers(k, buf, sem):
        for b in range(SLAB):
            pltpu.async_copy(
                table_hbm.at[idx_v.at[k * SLAB + b]], buf.at[b], sem)

    def wait_gathers(buf, sem):
        for b in range(SLAB):
            pltpu.make_async_copy(
                table_hbm.at[idx_v.at[0]], buf.at[b], sem).wait()

    def out_window(k):
        return out_hbm.at[pl.ds(base + k * SLAB, SLAB),
                          pl.ds(0, SEQ), pl.ds(0, DIM)]

    def start_store(k, buf, sem):
        pltpu.async_copy(buf, out_window(k), sem)

    def wait_store(buf, sem):
        pltpu.make_async_copy(buf, out_window(0), sem).wait()

    bufs = ((rows0, sg0, ss0), (rows1, sg1, ss1), (rows2, sg2, ss2))

    start_gathers(0, rows0, sg0)
    start_gathers(1, rows1, sg1)
    wait_gathers(rows0, sg0)
    start_store(0, rows0, ss0)
    start_gathers(2, rows2, sg2)

    def body(g, carry):
        for j in range(3):
            k = 3 * g + 1 + j
            buf, sg, ss = bufs[(1 + j) % 3]
            nbuf, nsg, nss = bufs[j]
            wait_gathers(buf, sg)
            start_store(k, buf, ss)
            wait_store(nbuf, nss)
            start_gathers(k + 2, nbuf, nsg)
        return carry

    lax.fori_loop(0, (NUM_SLABS - 4) // 3, body, 0)

    wait_store(rows0, ss0)
    start_gathers(NUM_SLABS - 1, rows0, sg0)
    for k in (NUM_SLABS - 3, NUM_SLABS - 2, NUM_SLABS - 1):
        buf, sg, ss = bufs[k % 3]
        wait_gathers(buf, sg)
        start_store(k, buf, ss)
    for buf, _, ss in bufs:
        wait_store(buf, ss)


def kernel(x, table):
    out = _gather_kernel(table, x.astype(jnp.int32))
    return out[:, :SEQ, :DIM]

# --- scband reference (transcript-rebuilt; emitter-appended) ---
"""Pipeline reference for scband-word-embedding-62277025792504 (READ-ONLY COPY).

The authoritative reference and input builder live on the scoring server;
editing this copy changes nothing except your own understanding.
"""

import jax, jax.numpy as jnp
import numpy as np

NUM_EMBEDDINGS = 1000000
EMBEDDING_DIM = 64
BATCH = 16384
SEQ = 50


def setup_inputs(seed: int = 0) -> dict:
    key = jax.random.key(seed)
    k_idx, k_tab = jax.random.split(key)
    x = jax.random.randint(k_idx, (BATCH, SEQ), 0, NUM_EMBEDDINGS, dtype=jnp.int64 if jax.config.jax_enable_x64 else jnp.int32)
    table = jax.random.normal(k_tab, (NUM_EMBEDDINGS, EMBEDDING_DIM), dtype=jnp.float32) * 0.02
    return {"x": x, "table": table}


def reference(x, table):
    # nn.Embedding forward: row gather from the embedding table
    return jnp.take(table, x, axis=0)

if __name__ == "__main__":
    import jax
    _d = setup_inputs()
    print(jax.jit(kernel)(*tuple(_d.values())))

</pallas_src>

<mosaic_0001>
#map = affine_map<(d0, d1) -> (0, 0)>
#map1 = affine_map<(d0, d1) -> (0, 0, 0)>
module attributes {stable_mosaic.version = 14 : i64} {
  func.func @_gather_kernel(%arg0: i32, %arg1: i32, %arg2: memref<1000000x64xf32, #tpu.memory_space<hbm>>, %arg3: memref<16384x50xi32, #tpu.memory_space<hbm>>, %arg4: memref<16384x56x128xf32, #tpu.memory_space<hbm>>, %arg5: memref<512x50xi32, #tpu.memory_space<vmem>>, %arg6: memref<8x50x64xf32, #tpu.memory_space<vmem>>, %arg7: memref<8x50x64xf32, #tpu.memory_space<vmem>>, %arg8: memref<8x50x64xf32, #tpu.memory_space<vmem>>, %arg9: memref<!tpu.dma_semaphore, #tpu.memory_space<semaphore_mem>>, %arg10: memref<!tpu.dma_semaphore, #tpu.memory_space<semaphore_mem>>, %arg11: memref<!tpu.dma_semaphore, #tpu.memory_space<semaphore_mem>>, %arg12: memref<!tpu.dma_semaphore, #tpu.memory_space<semaphore_mem>>, %arg13: memref<!tpu.dma_semaphore, #tpu.memory_space<semaphore_mem>>, %arg14: memref<!tpu.dma_semaphore, #tpu.memory_space<semaphore_mem>>) attributes {dimension_semantics = [#tpu.dimension_semantics<core_parallel>, #tpu.dimension_semantics<subcore_parallel>], iteration_bounds = array<i64: 2, 16>, scalar_prefetch = 0 : i64, scratch_operands = 10 : i64, tpu.core_type = #tpu.core_type<sc_vector_subcore>, window_params = [{transform_indices = #map}, {transform_indices = #map}, {transform_indices = #map1}]} {
    %mul3A = arith.constant 2 : i32
    %mul3A_0 = arith.muli %arg1, %mul3A : i32
    %add3A = arith.addi %mul3A_0, %arg0 : i32
    %mul3A_1 = arith.constant 512 : i32
    %mul3A_2 = arith.muli %add3A, %mul3A_1 : i32
    "tpu.region"() ({
      %run_scoped3A = tpu.sem_alloc : memref<!tpu.dma_semaphore, #tpu.memory_space<semaphore_mem>>
      %dma_start3A_838 = arith.constant 0 : i32
      %dma_start3A_839 = tpu.memref_slice %arg3[%mul3A_2, %dma_start3A_838] : memref<16384x50xi32, #tpu.memory_space<hbm>> -> memref<512x50xi32, #tpu.memory_space<hbm>>
      %dma_start3A_840 = arith.constant 0 : i32
      %dma_start3A_841 = tpu.memref_slice %arg3[%mul3A_2, %dma_start3A_840] : memref<16384x50xi32, #tpu.memory_space<hbm>> -> memref<512x50xi32, #tpu.memory_space<hbm>>
      tpu.enqueue_dma source(%dma_start3A_841 : memref<512x50xi32, #tpu.memory_space<hbm>>) target(%arg5 : memref<512x50xi32, #tpu.memory_space<vmem>>) target_semaphore(%run_scoped3A : memref<!tpu.dma_semaphore, #tpu.memory_space<semaphore_mem>>)
      %dma_wait3A_842 = arith.constant 0 : i32
      %dma_wait3A_843 = tpu.memref_slice %arg3[%mul3A_2, %dma_wait3A_842] : memref<16384x50xi32, #tpu.memory_space<hbm>> -> memref<512x50xi32, #tpu.memory_space<hbm>>
      %dma_wait3A_844 = arith.constant 0 : i32
      %dma_wait3A_845 = tpu.memref_slice %arg3[%mul3A_2, %dma_wait3A_844] : memref<16384x50xi32, #tpu.memory_space<hbm>> -> memref<512x50xi32, #tpu.memory_space<hbm>>
      tpu.wait_dma2 semaphore(%run_scoped3A : memref<!tpu.dma_semaphore, #tpu.memory_space<semaphore_mem>>) src(%dma_wait3A_845 : memref<512x50xi32, #tpu.memory_space<hbm>>) dst(%arg5 : memref<512x50xi32, #tpu.memory_space<vmem>>)
      tpu.yield
    }) : () -> ()
    %dma_start3A = arith.constant 0 : i32
    %dma_start3A_3 = arith.constant 0 : i32
    %dma_start3A_4 = arith.constant 0 : i32
    %dma_start3A_5 = arith.constant 0 : i32
    %dma_start3A_6 = tpu.memref_slice %arg6[%dma_start3A_3, %dma_start3A_4, %dma_start3A_5] : memref<8x50x64xf32, #tpu.memory_space<vmem>> -> memref<1x50x64xf32, #tpu.memory_space<vmem>>
    %dma_start3A_7 = tpu.memref_squeeze %dma_start3A_6 : memref<1x50x64xf32, #tpu.memory_space<vmem>> -> memref<50x64xf32, #tpu.memory_space<vmem>>
    %dma_start3A_8 = arith.constant 0 : i32
    %dma_start3A_9 = tpu.memref_slice %arg5[%dma_start3A, %dma_start3A_8] : memref<512x50xi32, #tpu.memory_space<vmem>> -> memref<1x50xi32, #tpu.memory_space<vmem>>
    %dma_start3A_10 = tpu.memref_squeeze %dma_start3A_9 : memref<1x50xi32, #tpu.memory_space<vmem>> -> memref<50xi32, #tpu.memory_space<vmem>>
    %dma_start3A_11 = arith.constant 0 : i32
    %dma_start3A_12 = arith.constant 0 : i32
    %dma_start3A_13 = tpu.memref_slice %arg2[%dma_start3A_11, %dma_start3A_12] : memref<1000000x64xf32, #tpu.memory_space<hbm>> -> memref<1000000x64xf32, #tpu.memory_space<hbm>>
    tpu.enqueue_indirect_dma source(%dma_start3A_13 : memref<1000000x64xf32, #tpu.memory_space<hbm>>) target(%dma_start3A_7 : memref<50x64xf32, #tpu.memory_space<vmem>>) offsets(%dma_start3A_10 : memref<50xi32, #tpu.memory_space<vmem>>) semaphore(%arg9 : memref<!tpu.dma_semaphore, #tpu.memory_space<semaphore_mem>>)
    %dma_start3A_14 = arith.constant 1 : i32
    %dma_start3A_15 = arith.constant 1 : i32
    %dma_start3A_16 = arith.constant 0 : i32
    %dma_start3A_17 = arith.constant 0 : i32
    %dma_start3A_18 = tpu.memref_slice %arg6[%dma_start3A_15, %dma_start3A_16, %dma_start3A_17] : memref<8x50x64xf32, #tpu.memory_space<vmem>> -> memref<1x50x64xf32, #tpu.memory_space<vmem>>
    %dma_start3A_19 = tpu.memref_squeeze %dma_start3A_18 : memref<1x50x64xf32, #tpu.memory_space<vmem>> -> memref<50x64xf32, #tpu.memory_space<vmem>>
    %dma_start3A_20 = arith.constant 0 : i32
    %dma_start3A_21 = tpu.memref_slice %arg5[%dma_start3A_14, %dma_start3A_20] : memref<512x50xi32, #tpu.memory_space<vmem>> -> memref<1x50xi32, #tpu.memory_space<vmem>>
    %dma_start3A_22 = tpu.memref_squeeze %dma_start3A_21 : memref<1x50xi32, #tpu.memory_space<vmem>> -> memref<50xi32, #tpu.memory_space<vmem>>
    %dma_start3A_23 = arith.constant 0 : i32
    %dma_start3A_24 = arith.constant 0 : i32
    %dma_start3A_25 = tpu.memref_slice %arg2[%dma_start3A_23, %dma_start3A_24] : memref<1000000x64xf32, #tpu.memory_space<hbm>> -> memref<1000000x64xf32, #tpu.memory_space<hbm>>
    tpu.enqueue_indirect_dma source(%dma_start3A_25 : memref<1000000x64xf32, #tpu.memory_space<hbm>>) target(%dma_start3A_19 : memref<50x64xf32, #tpu.memory_space<vmem>>) offsets(%dma_start3A_22 : memref<50xi32, #tpu.memory_space<vmem>>) semaphore(%arg9 : memref<!tpu.dma_semaphore, #tpu.memory_space<semaphore_mem>>)
    %dma_start3A_26 = arith.constant 2 : i32
    %dma_start3A_27 = arith.constant 2 : i32
    %dma_start3A_28 = arith.constant 0 : i32
    %dma_start3A_29 = arith.constant 0 : i32
    %dma_start3A_30 = tpu.memref_slice %arg6[%dma_start3A_27, %dma_start3A_28, %dma_start3A_29] : memref<8x50x64xf32, #tpu.memory_space<vmem>> -> memref<1x50x64xf32, #tpu.memory_space<vmem>>
    %dma_start3A_31 = tpu.memref_squeeze %dma_start3A_30 : memref<1x50x64xf32, #tpu.memory_space<vmem>> -> memref<50x64xf32, #tpu.memory_space<vmem>>
    %dma_start3A_32 = arith.constant 0 : i32
    %dma_start3A_33 = tpu.memref_slice %arg5[%dma_start3A_26, %dma_start3A_32] : memref<512x50xi32, #tpu.memory_space<vmem>> -> memref<1x50xi32, #tpu.memory_space<vmem>>
    %dma_start3A_34 = tpu.memref_squeeze %dma_start3A_33 : memref<1x50xi32, #tpu.memory_space<vmem>> -> memref<50xi32, #tpu.memory_space<vmem>>
    %dma_start3A_35 = arith.constant 0 : i32
    %dma_start3A_36 = arith.constant 0 : i32
    %dma_start3A_37 = tpu.memref_slice %arg2[%dma_start3A_35, %dma_start3A_36] : memref<1000000x64xf32, #tpu.memory_space<hbm>> -> memref<1000000x64xf32, #tpu.memory_space<hbm>>
    tpu.enqueue_indirect_dma source(%dma_start3A_37 : memref<1000000x64xf32, #tpu.memory_space<hbm>>) target(%dma_start3A_31 : memref<50x64xf32, #tpu.memory_space<vmem>>) offsets(%dma_start3A_34 : memref<50xi32, #tpu.memory_space<vmem>>) semaphore(%arg9 : memref<!tpu.dma_semaphore, #tpu.memory_space<semaphore_mem>>)
    %dma_start3A_38 = arith.constant 3 : i32
    %dma_start3A_39 = arith.constant 3 : i32
    %dma_start3A_40 = arith.constant 0 : i32
    %dma_start3A_41 = arith.constant 0 : i32
    %dma_start3A_42 = tpu.memref_slice %arg6[%dma_start3A_39, %dma_start3A_40, %dma_start3A_41] : memref<8x50x64xf32, #tpu.memory_space<vmem>> -> memref<1x50x64xf32, #tpu.memory_space<vmem>>
    %dma_start3A_43 = tpu.memref_squeeze %dma_start3A_42 : memref<1x50x64xf32, #tpu.memory_space<vmem>> -> memref<50x64xf32, #tpu.memory_space<vmem>>
    %dma_start3A_44 = arith.constant 0 : i32
    %dma_start3A_45 = tpu.memref_slice %arg5[%dma_start3A_38, %dma_start3A_44] : memref<512x50xi32, #tpu.memory_space<vmem>> -> memref<1x50xi32, #tpu.memory_space<vmem>>
    %dma_start3A_46 = tpu.memref_squeeze %dma_start3A_45 : memref<1x50xi32, #tpu.memory_space<vmem>> -> memref<50xi32, #tpu.memory_space<vmem>>
    %dma_start3A_47 = arith.constant 0 : i32
    %dma_start3A_48 = arith.constant 0 : i32
    %dma_start3A_49 = tpu.memref_slice %arg2[%dma_start3A_47, %dma_start3A_48] : memref<1000000x64xf32, #tpu.memory_space<hbm>> -> memref<1000000x64xf32, #tpu.memory_space<hbm>>
    tpu.enqueue_indirect_dma source(%dma_start3A_49 : memref<1000000x64xf32, #tpu.memory_space<hbm>>) target(%dma_start3A_43 : memref<50x64xf32, #tpu.memory_space<vmem>>) offsets(%dma_start3A_46 : memref<50xi32, #tpu.memory_space<vmem>>) semaphore(%arg9 : memref<!tpu.dma_semaphore, #tpu.memory_space<semaphore_mem>>)
    %dma_start3A_50 = arith.constant 4 : i32
    %dma_start3A_51 = arith.constant 4 : i32
    %dma_start3A_52 = arith.constant 0 : i32
    %dma_start3A_53 = arith.constant 0 : i32
    %dma_start3A_54 = tpu.memref_slice %arg6[%dma_start3A_51, %dma_start3A_52, %dma_start3A_53] : memref<8x50x64xf32, #tpu.memory_space<vmem>> -> memref<1x50x64xf32, #tpu.memory_space<vmem>>
    %dma_start3A_55 = tpu.memref_squeeze %dma_start3A_54 : memref<1x50x64xf32, #tpu.memory_space<vmem>> -> memref<50x64xf32, #tpu.memory_space<vmem>>
    %dma_start3A_56 = arith.constant 0 : i32
    %dma_start3A_57 = tpu.memref_slice %arg5[%dma_start3A_50, %dma_start3A_56] : memref<512x50xi32, #tpu.memory_space<vmem>> -> memref<1x50xi32, #tpu.memory_space<vmem>>
    %dma_start3A_58 = tpu.memref_squeeze %dma_start3A_57 : memref<1x50xi32, #tpu.memory_space<vmem>> -> memref<50xi32, #tpu.memory_space<vmem>>
    %dma_start3A_59 = arith.constant 0 : i32
    %dma_start3A_60 = arith.constant 0 : i32
    %dma_start3A_61 = tpu.memref_slice %arg2[%dma_start3A_59, %dma_start3A_60] : memref<1000000x64xf32, #tpu.memory_space<hbm>> -> memref<1000000x64xf32, #tpu.memory_space<hbm>>
    tpu.enqueue_indirect_dma source(%dma_start3A_61 : memref<1000000x64xf32, #tpu.memory_space<hbm>>) target(%dma_start3A_55 : memref<50x64xf32, #tpu.memory_space<vmem>>) offsets(%dma_start3A_58 : memref<50xi32, #tpu.memory_space<vmem>>) semaphore(%arg9 : memref<!tpu.dma_semaphore, #tpu.memory_space<semaphore_mem>>)
    %dma_start3A_62 = arith.constant 5 : i32
    %dma_start3A_63 = arith.constant 5 : i32
    %dma_start3A_64 = arith.constant 0 : i32
    %dma_start3A_65 = arith.constant 0 : i32
    %dma_start3A_66 = tpu.memref_slice %arg6[%dma_start3A_63, %dma_start3A_64, %dma_start3A_65] : memref<8x50x64xf32, #tpu.memory_space<vmem>> -> memref<1x50x64xf32, #tpu.memory_space<vmem>>
    %dma_start3A_67 = tpu.memref_squeeze %dma_start3A_66 : memref<1x50x64xf32, #tpu.memory_space<vmem>> -> memref<50x64xf32, #tpu.memory_space<vmem>>
    %dma_start3A_68 = arith.constant 0 : i32
    %dma_start3A_69 = tpu.memref_slice %arg5[%dma_start3A_62, %dma_start3A_68] : memref<512x50xi32, #tpu.memory_space<vmem>> -> memref<1x50xi32, #tpu.memory_space<vmem>>
    %dma_start3A_70 = tpu.memref_squeeze %dma_start3A_69 : memref<1x50xi32, #tpu.memory_space<vmem>> -> memref<50xi32, #tpu.memory_space<vmem>>
    %dma_start3A_71 = arith.constant 0 : i32
    %dma_start3A_72 = arith.constant 0 : i32
    %dma_start3A_73 = tpu.memref_slice %arg2[%dma_start3A_71, %dma_start3A_72] : memref<1000000x64xf32, #tpu.memory_space<hbm>> -> memref<1000000x64xf32, #tpu.memory_space<hbm>>
    tpu.enqueue_indirect_dma source(%dma_start3A_73 : memref<1000000x64xf32, #tpu.memory_space<hbm>>) target(%dma_start3A_67 : memref<50x64xf32, #tpu.memory_space<vmem>>) offsets(%dma_start3A_70 : memref<50xi32, #tpu.memory_space<vmem>>) semaphore(%arg9 : memref<!tpu.dma_semaphore, #tpu.memory_space<semaphore_mem>>)
    %dma_start3A_74 = arith.constant 6 : i32
    %dma_start3A_75 = arith.constant 6 : i32
    %dma_start3A_76 = arith.constant 0 : i32
    %dma_start3A_77 = arith.constant 0 : i32
    %dma_start3A_78 = tpu.memref_slice %arg6[%dma_start3A_75, %dma_start3A_76, %dma_start3A_77] : memref<8x50x64xf32, #tpu.memory_space<vmem>> -> memref<1x50x64xf32, #tpu.memory_space<vmem>>
    %dma_start3A_79 = tpu.memref_squeeze %dma_start3A_78 : memref<1x50x64xf32, #tpu.memory_space<vmem>> -> memref<50x64xf32, #tpu.memory_space<vmem>>
    %dma_start3A_80 = arith.constant 0 : i32
    %dma_start3A_81 = tpu.memref_slice %arg5[%dma_start3A_74, %dma_start3A_80] : memref<512x50xi32, #tpu.memory_space<vmem>> -> memref<1x50xi32, #tpu.memory_space<vmem>>
    %dma_start3A_82 = tpu.memref_squeeze %dma_start3A_81 : memref<1x50xi32, #tpu.memory_space<vmem>> -> memref<50xi32, #tpu.memory_space<vmem>>
    %dma_start3A_83 = arith.constant 0 : i32
    %dma_start3A_84 = arith.constant 0 : i32
    %dma_start3A_85 = tpu.memref_slice %arg2[%dma_start3A_83, %dma_start3A_84] : memref<1000000x64xf32, #tpu.memory_space<hbm>> -> memref<1000000x64xf32, #tpu.memory_space<hbm>>
    tpu.enqueue_indirect_dma source(%dma_start3A_85 : memref<1000000x64xf32, #tpu.memory_space<hbm>>) target(%dma_start3A_79 : memref<50x64xf32, #tpu.memory_space<vmem>>) offsets(%dma_start3A_82 : memref<50xi32, #tpu.memory_space<vmem>>) semaphore(%arg9 : memref<!tpu.dma_semaphore, #tpu.memory_space<semaphore_mem>>)
    %dma_start3A_86 = arith.constant 7 : i32
    %dma_start3A_87 = arith.constant 7 : i32
    %dma_start3A_88 = arith.constant 0 : i32
    %dma_start3A_89 = arith.constant 0 : i32
    %dma_start3A_90 = tpu.memref_slice %arg6[%dma_start3A_87, %dma_start3A_88, %dma_start3A_89] : memref<8x50x64xf32, #tpu.memory_space<vmem>> -> memref<1x50x64xf32, #tpu.memory_space<vmem>>
    %dma_start3A_91 = tpu.memref_squeeze %dma_start3A_90 : memref<1x50x64xf32, #tpu.memory_space<vmem>> -> memref<50x64xf32, #tpu.memory_space<vmem>>
    %dma_start3A_92 = arith.constant 0 : i32
    %dma_start3A_93 = tpu.memref_slice %arg5[%dma_start3A_86, %dma_start3A_92] : memref<512x50xi32, #tpu.memory_space<vmem>> -> memref<1x50xi32, #tpu.memory_space<vmem>>
    %dma_start3A_94 = tpu.memref_squeeze %dma_start3A_93 : memref<1x50xi32, #tpu.memory_space<vmem>> -> memref<50xi32, #tpu.memory_space<vmem>>
    %dma_start3A_95 = arith.constant 0 : i32
    %dma_start3A_96 = arith.constant 0 : i32
    %dma_start3A_97 = tpu.memref_slice %arg2[%dma_start3A_95, %dma_start3A_96] : memref<1000000x64xf32, #tpu.memory_space<hbm>> -> memref<1000000x64xf32, #tpu.memory_space<hbm>>
    tpu.enqueue_indirect_dma source(%dma_start3A_97 : memref<1000000x64xf32, #tpu.memory_space<hbm>>) target(%dma_start3A_91 : memref<50x64xf32, #tpu.memory_space<vmem>>) offsets(%dma_start3A_94 : memref<50xi32, #tpu.memory_space<vmem>>) semaphore(%arg9 : memref<!tpu.dma_semaphore, #tpu.memory_space<semaphore_mem>>)
    %dma_start3A_98 = arith.constant 8 : i32
    %dma_start3A_99 = arith.constant 0 : i32
    %dma_start3A_100 = arith.constant 0 : i32
    %dma_start3A_101 = arith.constant 0 : i32
    %dma_start3A_102 = tpu.memref_slice %arg7[%dma_start3A_99, %dma_start3A_100, %dma_start3A_101] : memref<8x50x64xf32, #tpu.memory_space<vmem>> -> memref<1x50x64xf32, #tpu.memory_space<vmem>>
    %dma_start3A_103 = tpu.memref_squeeze %dma_start3A_102 : memref<1x50x64xf32, #tpu.memory_space<vmem>> -> memref<50x64xf32, #tpu.memory_space<vmem>>
    %dma_start3A_104 = arith.constant 0 : i32
    %dma_start3A_105 = tpu.memref_slice %arg5[%dma_start3A_98, %dma_start3A_104] : memref<512x50xi32, #tpu.memory_space<vmem>> -> memref<1x50xi32, #tpu.memory_space<vmem>>
    %dma_start3A_106 = tpu.memref_squeeze %dma_start3A_105 : memref<1x50xi32, #tpu.memory_space<vmem>> -> memref<50xi32, #tpu.memory_space<vmem>>
    %dma_start3A_107 = arith.constant 0 : i32
    %dma_start3A_108 = arith.constant 0 : i32
    %dma_start3A_109 = tpu.memref_slice %arg2[%dma_start3A_107, %dma_start3A_108] : memref<1000000x64xf32, #tpu.memory_space<hbm>> -> memref<1000000x64xf32, #tpu.memory_space<hbm>>
    tpu.enqueue_indirect_dma source(%dma_start3A_109 : memref<1000000x64xf32, #tpu.memory_space<hbm>>) target(%dma_start3A_103 : memref<50x64xf32, #tpu.memory_space<vmem>>) offsets(%dma_start3A_106 : memref<50xi32, #tpu.memory_space<vmem>>) semaphore(%arg10 : memref<!tpu.dma_semaphore, #tpu.memory_space<semaphore_mem>>)
    %dma_start3A_110 = arith.constant 9 : i32
    %dma_start3A_111 = arith.constant 1 : i32
    %dma_start3A_112 = arith.constant 0 : i32
    %dma_start3A_113 = arith.constant 0 : i32
    %dma_start3A_114 = tpu.memref_slice %arg7[%dma_start3A_111, %dma_start3A_112, %dma_start3A_113] : memref<8x50x64xf32, #tpu.memory_space<vmem>> -> memref<1x50x64xf32, #tpu.memory_space<vmem>>
    %dma_start3A_115 = tpu.memref_squeeze %dma_start3A_114 : memref<1x50x64xf32, #tpu.memory_space<vmem>> -> memref<50x64xf32, #tpu.memory_space<vmem>>
    %dma_start3A_116 = arith.constant 0 : i32
    %dma_start3A_117 = tpu.memref_slice %arg5[%dma_start3A_110, %dma_start3A_116] : memref<512x50xi32, #tpu.memory_space<vmem>> -> memref<1x50xi32, #tpu.memory_space<vmem>>
    %dma_start3A_118 = tpu.memref_squeeze %dma_start3A_117 : memref<1x50xi32, #tpu.memory_space<vmem>> -> memref<50xi32, #tpu.memory_space<vmem>>
    %dma_start3A_119 = arith.constant 0 : i32
    %dma_start3A_120 = arith.constant 0 : i32
    %dma_start3A_121 = tpu.memref_slice %arg2[%dma_start3A_119, %dma_start3A_120] : memref<1000000x64xf32, #tpu.memory_space<hbm>> -> memref<1000000x64xf32, #tpu.memory_space<hbm>>
    tpu.enqueue_indirect_dma source(%dma_start3A_121 : memref<1000000x64xf32, #tpu.memory_space<hbm>>) target(%dma_start3A_115 : memref<50x64xf32, #tpu.memory_space<vmem>>) offsets(%dma_start3A_118 : memref<50xi32, #tpu.memory_space<vmem>>) semaphore(%arg10 : memref<!tpu.dma_semaphore, #tpu.memory_space<semaphore_mem>>)
    %dma_start3A_122 = arith.constant 10 : i32
    %dma_start3A_123 = arith.constant 2 : i32
    %dma_start3A_124 = arith.constant 0 : i32
    %dma_start3A_125 = arith.constant 0 : i32
    %dma_start3A_126 = tpu.memref_slice %arg7[%dma_start3A_123, %dma_start3A_124, %dma_start3A_125] : memref<8x50x64xf32, #tpu.memory_space<vmem>> -> memref<1x50x64xf32, #tpu.memory_space<vmem>>
    %dma_start3A_127 = tpu.memref_squeeze %dma_start3A_126 : memref<1x50x64xf32, #tpu.memory_space<vmem>> -> memref<50x64xf32, #tpu.memory_space<vmem>>
    %dma_start3A_128 = arith.constant 0 : i32
    %dma_start3A_129 = tpu.memref_slice %arg5[%dma_start3A_122, %dma_start3A_128] : memref<512x50xi32, #tpu.memory_space<vmem>> -> memref<1x50xi32, #tpu.memory_space<vmem>>
    %dma_start3A_130 = tpu.memref_squeeze %dma_start3A_129 : memref<1x50xi32, #tpu.memory_space<vmem>> -> memref<50xi32, #tpu.memory_space<vmem>>
    %dma_start3A_131 = arith.constant 0 : i32
    %dma_start3A_132 = arith.constant 0 : i32
    %dma_start3A_133 = tpu.memref_slice %arg2[%dma_start3A_131, %dma_start3A_132] : memref<1000000x64xf32, #tpu.memory_space<hbm>> -> memref<1000000x64xf32, #tpu.memory_space<hbm>>
    tpu.enqueue_indirect_dma source(%dma_start3A_133 : memref<1000000x64xf32, #tpu.memory_space<hbm>>) target(%dma_start3A_127 : memref<50x64xf32, #tpu.memory_space<vmem>>) offsets(%dma_start3A_130 : memref<50xi32, #tpu.memory_space<vmem>>) semaphore(%arg10 : memref<!tpu.dma_semaphore, #tpu.memory_space<semaphore_mem>>)
    %dma_start3A_134 = arith.constant 11 : i32
    %dma_start3A_135 = arith.constant 3 : i32
    %dma_start3A_136 = arith.constant 0 : i32
    %dma_start3A_137 = arith.constant 0 : i32
    %dma_start3A_138 = tpu.memref_slice %arg7[%dma_start3A_135, %dma_start3A_136, %dma_start3A_137] : memref<8x50x64xf32, #tpu.memory_space<vmem>> -> memref<1x50x64xf32, #tpu.memory_space<vmem>>
    %dma_start3A_139 = tpu.memref_squeeze %dma_start3A_138 : memref<1x50x64xf32, #tpu.memory_space<vmem>> -> memref<50x64xf32, #tpu.memory_space<vmem>>
    %dma_start3A_140 = arith.constant 0 : i32
    %dma_start3A_141 = tpu.memref_slice %arg5[%dma_start3A_134, %dma_start3A_140] : memref<512x50xi32, #tpu.memory_space<vmem>> -> memref<1x50xi32, #tpu.memory_space<vmem>>
    %dma_start3A_142 = tpu.memref_squeeze %dma_start3A_141 : memref<1x50xi32, #tpu.memory_space<vmem>> -> memref<50xi32, #tpu.memory_space<vmem>>
    %dma_start3A_143 = arith.constant 0 : i32
    %dma_start3A_144 = arith.constant 0 : i32
    %dma_start3A_145 = tpu.memref_slice %arg2[%dma_start3A_143, %dma_start3A_144] : memref<1000000x64xf32, #tpu.memory_space<hbm>> -> memref<1000000x64xf32, #tpu.memory_space<hbm>>
    tpu.enqueue_indirect_dma source(%dma_start3A_145 : memref<1000000x64xf32, #tpu.memory_space<hbm>>) target(%dma_start3A_139 : memref<50x64xf32, #tpu.memory_space<vmem>>) offsets(%dma_start3A_142 : memref<50xi32, #tpu.memory_space<vmem>>) semaphore(%arg10 : memref<!tpu.dma_semaphore, #tpu.memory_space<semaphore_mem>>)
    %dma_start3A_146 = arith.constant 12 : i32
    %dma_start3A_147 = arith.constant 4 : i32
    %dma_start3A_148 = arith.constant 0 : i32
    %dma_start3A_149 = arith.constant 0 : i32
    %dma_start3A_150 = tpu.memref_slice %arg7[%dma_start3A_147, %dma_start3A_148, %dma_start3A_149] : memref<8x50x64xf32, #tpu.memory_space<vmem>> -> memref<1x50x64xf32, #tpu.memory_space<vmem>>
    %dma_start3A_151 = tpu.memref_squeeze %dma_start3A_150 : memref<1x50x64xf32, #tpu.memory_space<vmem>> -> memref<50x64xf32, #tpu.memory_space<vmem>>
    %dma_start3A_152 = arith.constant 0 : i32
    %dma_start3A_153 = tpu.memref_slice %arg5[%dma_start3A_146, %dma_start3A_152] : memref<512x50xi32, #tpu.memory_space<vmem>> -> memref<1x50xi32, #tpu.memory_space<vmem>>
    %dma_start3A_154 = tpu.memref_squeeze %dma_start3A_153 : memref<1x50xi32, #tpu.memory_space<vmem>> -> memref<50xi32, #tpu.memory_space<vmem>>
    %dma_start3A_155 = arith.constant 0 : i32
    %dma_start3A_156 = arith.constant 0 : i32
    %dma_start3A_157 = tpu.memref_slice %arg2[%dma_start3A_155, %dma_start3A_156] : memref<1000000x64xf32, #tpu.memory_space<hbm>> -> memref<1000000x64xf32, #tpu.memory_space<hbm>>
    tpu.enqueue_indirect_dma source(%dma_start3A_157 : memref<1000000x64xf32, #tpu.memory_space<hbm>>) target(%dma_start3A_151 : memref<50x64xf32, #tpu.memory_space<vmem>>) offsets(%dma_start3A_154 : memref<50xi32, #tpu.memory_space<vmem>>) semaphore(%arg10 : memref<!tpu.dma_semaphore, #tpu.memory_space<semaphore_mem>>)
    %dma_start3A_158 = arith.constant 13 : i32
    %dma_start3A_159 = arith.constant 5 : i32
    %dma_start3A_160 = arith.constant 0 : i32
    %dma_start3A_161 = arith.constant 0 : i32
    %dma_start3A_162 = tpu.memref_slice %arg7[%dma_start3A_159, %dma_start3A_160, %dma_start3A_161] : memref<8x50x64xf32, #tpu.memory_space<vmem>> -> memref<1x50x64xf32, #tpu.memory_space<vmem>>
    %dma_start3A_163 = tpu.memref_squeeze %dma_start3A_162 : memref<1x50x64xf32, #tpu.memory_space<vmem>> -> memref<50x64xf32, #tpu.memory_space<vmem>>
    %dma_start3A_164 = arith.constant 0 : i32
    %dma_start3A_165 = tpu.memref_slice %arg5[%dma_start3A_158, %dma_start3A_164] : memref<512x50xi32, #tpu.memory_space<vmem>> -> memref<1x50xi32, #tpu.memory_space<vmem>>
    %dma_start3A_166 = tpu.memref_squeeze %dma_start3A_165 : memref<1x50xi32, #tpu.memory_space<vmem>> -> memref<50xi32, #tpu.memory_space<vmem>>
    %dma_start3A_167 = arith.constant 0 : i32
    %dma_start3A_168 = arith.constant 0 : i32
    %dma_start3A_169 = tpu.memref_slice %arg2[%dma_start3A_167, %dma_start3A_168] : memref<1000000x64xf32, #tpu.memory_space<hbm>> -> memref<1000000x64xf32, #tpu.memory_space<hbm>>
    tpu.enqueue_indirect_dma source(%dma_start3A_169 : memref<1000000x64xf32, #tpu.memory_space<hbm>>) target(%dma_start3A_163 : memref<50x64xf32, #tpu.memory_space<vmem>>) offsets(%dma_start3A_166 : memref<50xi32, #tpu.memory_space<vmem>>) semaphore(%arg10 : memref<!tpu.dma_semaphore, #tpu.memory_space<semaphore_mem>>)
    %dma_start3A_170 = arith.constant 14 : i32
    %dma_start3A_171 = arith.constant 6 : i32
    %dma_start3A_172 = arith.constant 0 : i32
    %dma_start3A_173 = arith.constant 0 : i32
    %dma_start3A_174 = tpu.memref_slice %arg7[%dma_start3A_171, %dma_start3A_172, %dma_start3A_173] : memref<8x50x64xf32, #tpu.memory_space<vmem>> -> memref<1x50x64xf32, #tpu.memory_space<vmem>>
    %dma_start3A_175 = tpu.memref_squeeze %dma_start3A_174 : memref<1x50x64xf32, #tpu.memory_space<vmem>> -> memref<50x64xf32, #tpu.memory_space<vmem>>
    %dma_start3A_176 = arith.constant 0 : i32
    %dma_start3A_177 = tpu.memref_slice %arg5[%dma_start3A_170, %dma_start3A_176] : memref<512x50xi32, #tpu.memory_space<vmem>> -> memref<1x50xi32, #tpu.memory_space<vmem>>
    %dma_start3A_178 = tpu.memref_squeeze %dma_start3A_177 : memref<1x50xi32, #tpu.memory_space<vmem>> -> memref<50xi32, #tpu.memory_space<vmem>>
    %dma_start3A_179 = arith.constant 0 : i32
    %dma_start3A_180 = arith.constant 0 : i32
    %dma_start3A_181 = tpu.memref_slice %arg2[%dma_start3A_179, %dma_start3A_180] : memref<1000000x64xf32, #tpu.memory_space<hbm>> -> memref<1000000x64xf32, #tpu.memory_space<hbm>>
    tpu.enqueue_indirect_dma source(%dma_start3A_181 : memref<1000000x64xf32, #tpu.memory_space<hbm>>) target(%dma_start3A_175 : memref<50x64xf32, #tpu.memory_space<vmem>>) offsets(%dma_start3A_178 : memref<50xi32, #tpu.memory_space<vmem>>) semaphore(%arg10 : memref<!tpu.dma_semaphore, #tpu.memory_space<semaphore_mem>>)
    %dma_start3A_182 = arith.constant 15 : i32
    %dma_start3A_183 = arith.constant 7 : i32
    %dma_start3A_184 = arith.constant 0 : i32
    %dma_start3A_185 = arith.constant 0 : i32
    %dma_start3A_186 = tpu.memref_slice %arg7[%dma_start3A_183, %dma_start3A_184, %dma_start3A_185] : memref<8x50x64xf32, #tpu.memory_space<vmem>> -> memref<1x50x64xf32, #tpu.memory_space<vmem>>
    %dma_start3A_187 = tpu.memref_squeeze %dma_start3A_186 : memref<1x50x64xf32, #tpu.memory_space<vmem>> -> memref<50x64xf32, #tpu.memory_space<vmem>>
    %dma_start3A_188 = arith.constant 0 : i32
    %dma_start3A_189 = tpu.memref_slice %arg5[%dma_start3A_182, %dma_start3A_188] : memref<512x50xi32, #tpu.memory_space<vmem>> -> memref<1x50xi32, #tpu.memory_space<vmem>>
    %dma_start3A_190 = tpu.memref_squeeze %dma_start3A_189 : memref<1x50xi32, #tpu.memory_space<vmem>> -> memref<50xi32, #tpu.memory_space<vmem>>
    %dma_start3A_191 = arith.constant 0 : i32
    %dma_start3A_192 = arith.constant 0 : i32
    %dma_start3A_193 = tpu.memref_slice %arg2[%dma_start3A_191, %dma_start3A_192] : memref<1000000x64xf32, #tpu.memory_space<hbm>> -> memref<1000000x64xf32, #tpu.memory_space<hbm>>
    tpu.enqueue_indirect_dma source(%dma_start3A_193 : memref<1000000x64xf32, #tpu.memory_space<hbm>>) target(%dma_start3A_187 : memref<50x64xf32, #tpu.memory_space<vmem>>) offsets(%dma_start3A_190 : memref<50xi32, #tpu.memory_space<vmem>>) semaphore(%arg10 : memref<!tpu.dma_semaphore, #tpu.memory_space<semaphore_mem>>)
    %dma_wait3A = arith.constant 0 : i32
    %dma_wait3A_194 = arith.constant 0 : i32
    %dma_wait3A_195 = arith.constant 0 : i32
    %dma_wait3A_196 = arith.constant 0 : i32
    %dma_wait3A_197 = tpu.memref_slice %arg6[%dma_wait3A_194, %dma_wait3A_195, %dma_wait3A_196] : memref<8x50x64xf32, #tpu.memory_space<vmem>> -> memref<1x50x64xf32, #tpu.memory_space<vmem>>
    %dma_wait3A_198 = tpu.memref_squeeze %dma_wait3A_197 : memref<1x50x64xf32, #tpu.memory_space<vmem>> -> memref<50x64xf32, #tpu.memory_space<vmem>>
    %dma_wait3A_199 = arith.constant 0 : i32
    %dma_wait3A_200 = tpu.memref_slice %arg5[%dma_wait3A, %dma_wait3A_199] : memref<512x50xi32, #tpu.memory_space<vmem>> -> memref<1x50xi32, #tpu.memory_space<vmem>>
    %dma_wait3A_201 = tpu.memref_squeeze %dma_wait3A_200 : memref<1x50xi32, #tpu.memory_space<vmem>> -> memref<50xi32, #tpu.memory_space<vmem>>
    %dma_wait3A_202 = arith.constant 0 : i32
    %dma_wait3A_203 = arith.constant 0 : i32
    %dma_wait3A_204 = tpu.memref_slice %arg2[%dma_wait3A_202, %dma_wait3A_203] : memref<1000000x64xf32, #tpu.memory_space<hbm>> -> memref<1000000x64xf32, #tpu.memory_space<hbm>>
    tpu.wait_indirect_dma semaphore(%arg9 : memref<!tpu.dma_semaphore, #tpu.memory_space<semaphore_mem>>) src(%dma_wait3A_204 : memref<1000000x64xf32, #tpu.memory_space<hbm>>) dst(%dma_wait3A_198 : memref<50x64xf32, #tpu.memory_space<vmem>>)
    %dma_wait3A_205 = arith.constant 0 : i32
    %dma_wait3A_206 = arith.constant 1 : i32
    %dma_wait3A_207 = arith.constant 0 : i32
    %dma_wait3A_208 = arith.constant 0 : i32
    %dma_wait3A_209 = tpu.memref_slice %arg6[%dma_wait3A_206, %dma_wait3A_207, %dma_wait3A_208] : memref<8x50x64xf32, #tpu.memory_space<vmem>> -> memref<1x50x64xf32, #tpu.memory_space<vmem>>
    %dma_wait3A_210 = tpu.memref_squeeze %dma_wait3A_209 : memref<1x50x64xf32, #tpu.memory_space<vmem>> -> memref<50x64xf32, #tpu.memory_space<vmem>>
    %dma_wait3A_211 = arith.constant 0 : i32
    %dma_wait3A_212 = tpu.memref_slice %arg5[%dma_wait3A_205, %dma_wait3A_211] : memref<512x50xi32, #tpu.memory_space<vmem>> -> memref<1x50xi32, #tpu.memory_space<vmem>>
    %dma_wait3A_213 = tpu.memref_squeeze %dma_wait3A_212 : memref<1x50xi32, #tpu.memory_space<vmem>> -> memref<50xi32, #tpu.memory_space<vmem>>
    %dma_wait3A_214 = arith.constant 0 : i32
    %dma_wait3A_215 = arith.constant 0 : i32
    %dma_wait3A_216 = tpu.memref_slice %arg2[%dma_wait3A_214, %dma_wait3A_215] : memref<1000000x64xf32, #tpu.memory_space<hbm>> -> memref<1000000x64xf32, #tpu.memory_space<hbm>>
    tpu.wait_indirect_dma semaphore(%arg9 : memref<!tpu.dma_semaphore, #tpu.memory_space<semaphore_mem>>) src(%dma_wait3A_216 : memref<1000000x64xf32, #tpu.memory_space<hbm>>) dst(%dma_wait3A_210 : memref<50x64xf32, #tpu.memory_space<vmem>>)
    %dma_wait3A_217 = arith.constant 0 : i32
    %dma_wait3A_218 = arith.constant 2 : i32
    %dma_wait3A_219 = arith.constant 0 : i32
    %dma_wait3A_220 = arith.constant 0 : i32
    %dma_wait3A_221 = tpu.memref_slice %arg6[%dma_wait3A_218, %dma_wait3A_219, %dma_wait3A_220] : memref<8x50x64xf32, #tpu.memory_space<vmem>> -> memref<1x50x64xf32, #tpu.memory_space<vmem>>
    %dma_wait3A_222 = tpu.memref_squeeze %dma_wait3A_221 : memref<1x50x64xf32, #tpu.memory_space<vmem>> -> memref<50x64xf32, #tpu.memory_space<vmem>>
    %dma_wait3A_223 = arith.constant 0 : i32
    %dma_wait3A_224 = tpu.memref_slice %arg5[%dma_wait3A_217, %dma_wait3A_223] : memref<512x50xi32, #tpu.memory_space<vmem>> -> memref<1x50xi32, #tpu.memory_space<vmem>>
    %dma_wait3A_225 = tpu.memref_squeeze %dma_wait3A_224 : memref<1x50xi32, #tpu.memory_space<vmem>> -> memref<50xi32, #tpu.memory_space<vmem>>
    %dma_wait3A_226 = arith.constant 0 : i32
    %dma_wait3A_227 = arith.constant 0 : i32
    %dma_wait3A_228 = tpu.memref_slice %arg2[%dma_wait3A_226, %dma_wait3A_227] : memref<1000000x64xf32, #tpu.memory_space<hbm>> -> memref<1000000x64xf32, #tpu.memory_space<hbm>>
    tpu.wait_indirect_dma semaphore(%arg9 : memref<!tpu.dma_semaphore, #tpu.memory_space<semaphore_mem>>) src(%dma_wait3A_228 : memref<1000000x64xf32, #tpu.memory_space<hbm>>) dst(%dma_wait3A_222 : memref<50x64xf32, #tpu.memory_space<vmem>>)
    %dma_wait3A_229 = arith.constant 0 : i32
    %dma_wait3A_230 = arith.constant 3 : i32
    %dma_wait3A_231 = arith.constant 0 : i32
    %dma_wait3A_232 = arith.constant 0 : i32
    %dma_wait3A_233 = tpu.memref_slice %arg6[%dma_wait3A_230, %dma_wait3A_231, %dma_wait3A_232] : memref<8x50x64xf32, #tpu.memory_space<vmem>> -> memref<1x50x64xf32, #tpu.memory_space<vmem>>
    %dma_wait3A_234 = tpu.memref_squeeze %dma_wait3A_233 : memref<1x50x64xf32, #tpu.memory_space<vmem>> -> memref<50x64xf32, #tpu.memory_space<vmem>>
    %dma_wait3A_235 = arith.constant 0 : i32
    %dma_wait3A_236 = tpu.memref_slice %arg5[%dma_wait3A_229, %dma_wait3A_235] : memref<512x50xi32, #tpu.memory_space<vmem>> -> memref<1x50xi32, #tpu.memory_space<vmem>>
    %dma_wait3A_237 = tpu.memref_squeeze %dma_wait3A_236 : memref<1x50xi32, #tpu.memory_space<vmem>> -> memref<50xi32, #tpu.memory_space<vmem>>
    %dma_wait3A_238 = arith.constant 0 : i32
    %dma_wait3A_239 = arith.constant 0 : i32
    %dma_wait3A_240 = tpu.memref_slice %arg2[%dma_wait3A_238, %dma_wait3A_239] : memref<1000000x64xf32, #tpu.memory_space<hbm>> -> memref<1000000x64xf32, #tpu.memory_space<hbm>>
    tpu.wait_indirect_dma semaphore(%arg9 : memref<!tpu.dma_semaphore, #tpu.memory_space<semaphore_mem>>) src(%dma_wait3A_240 : memref<1000000x64xf32, #tpu.memory_space<hbm>>) dst(%dma_wait3A_234 : memref<50x64xf32, #tpu.memory_space<vmem>>)
    %dma_wait3A_241 = arith.constant 0 : i32
    %dma_wait3A_242 = arith.constant 4 : i32
    %dma_wait3A_243 = arith.constant 0 : i32
    %dma_wait3A_244 = arith.constant 0 : i32
    %dma_wait3A_245 = tpu.memref_slice %arg6[%dma_wait3A_242, %dma_wait3A_243, %dma_wait3A_244] : memref<8x50x64xf32, #tpu.memory_space<vmem>> -> memref<1x50x64xf32, #tpu.memory_space<vmem>>
    %dma_wait3A_246 = tpu.memref_squeeze %dma_wait3A_245 : memref<1x50x64xf32, #tpu.memory_space<vmem>> -> memref<50x64xf32, #tpu.memory_space<vmem>>
    %dma_wait3A_247 = arith.constant 0 : i32
    %dma_wait3A_248 = tpu.memref_slice %arg5[%dma_wait3A_241, %dma_wait3A_247] : memref<512x50xi32, #tpu.memory_space<vmem>> -> memref<1x50xi32, #tpu.memory_space<vmem>>
    %dma_wait3A_249 = tpu.memref_squeeze %dma_wait3A_248 : memref<1x50xi32, #tpu.memory_space<vmem>> -> memref<50xi32, #tpu.memory_space<vmem>>
    %dma_wait3A_250 = arith.constant 0 : i32
    %dma_wait3A_251 = arith.constant 0 : i32
    %dma_wait3A_252 = tpu.memref_slice %arg2[%dma_wait3A_250, %dma_wait3A_251] : memref<1000000x64xf32, #tpu.memory_space<hbm>> -> memref<1000000x64xf32, #tpu.memory_space<hbm>>
    tpu.wait_indirect_dma semaphore(%arg9 : memref<!tpu.dma_semaphore, #tpu.memory_space<semaphore_mem>>) src(%dma_wait3A_252 : memref<1000000x64xf32, #tpu.memory_space<hbm>>) dst(%dma_wait3A_246 : memref<50x64xf32, #tpu.memory_space<vmem>>)
    %dma_wait3A_253 = arith.constant 0 : i32
    %dma_wait3A_254 = arith.constant 5 : i32
    %dma_wait3A_255 = arith.constant 0 : i32
    %dma_wait3A_256 = arith.constant 0 : i32
    %dma_wait3A_257 = tpu.memref_slice %arg6[%dma_wait3A_254, %dma_wait3A_255, %dma_wait3A_256] : memref<8x50x64xf32, #tpu.memory_space<vmem>> -> memref<1x50x64xf32, #tpu.memory_space<vmem>>
    %dma_wait3A_258 = tpu.memref_squeeze %dma_wait3A_257 : memref<1x50x64xf32, #tpu.memory_space<vmem>> -> memref<50x64xf32, #tpu.memory_space<vmem>>
    %dma_wait3A_259 = arith.constant 0 : i32
    %dma_wait3A_260 = tpu.memref_slice %arg5[%dma_wait3A_253, %dma_wait3A_259] : memref<512x50xi32, #tpu.memory_space<vmem>> -> memref<1x50xi32, #tpu.memory_space<vmem>>
    %dma_wait3A_261 = tpu.memref_squeeze %dma_wait3A_260 : memref<1x50xi32, #tpu.memory_space<vmem>> -> memref<50xi32, #tpu.memory_space<vmem>>
    %dma_wait3A_262 = arith.constant 0 : i32
    %dma_wait3A_263 = arith.constant 0 : i32
    %dma_wait3A_264 = tpu.memref_slice %arg2[%dma_wait3A_262, %dma_wait3A_263] : memref<1000000x64xf32, #tpu.memory_space<hbm>> -> memref<1000000x64xf32, #tpu.memory_space<hbm>>
    tpu.wait_indirect_dma semaphore(%arg9 : memref<!tpu.dma_semaphore, #tpu.memory_space<semaphore_mem>>) src(%dma_wait3A_264 : memref<1000000x64xf32, #tpu.memory_space<hbm>>) dst(%dma_wait3A_258 : memref<50x64xf32, #tpu.memory_space<vmem>>)
    %dma_wait3A_265 = arith.constant 0 : i32
    %dma_wait3A_266 = arith.constant 6 : i32
    %dma_wait3A_267 = arith.constant 0 : i32
    %dma_wait3A_268 = arith.constant 0 : i32
    %dma_wait3A_269 = tpu.memref_slice %arg6[%dma_wait3A_266, %dma_wait3A_267, %dma_wait3A_268] : memref<8x50x64xf32, #tpu.memory_space<vmem>> -> memref<1x50x64xf32, #tpu.memory_space<vmem>>
    %dma_wait3A_270 = tpu.memref_squeeze %dma_wait3A_269 : memref<1x50x64xf32, #tpu.memory_space<vmem>> -> memref<50x64xf32, #tpu.memory_space<vmem>>
    %dma_wait3A_271 = arith.constant 0 : i32
    %dma_wait3A_272 = tpu.memref_slice %arg5[%dma_wait3A_265, %dma_wait3A_271] : memref<512x50xi32, #tpu.memory_space<vmem>> -> memref<1x50xi32, #tpu.memory_space<vmem>>
    %dma_wait3A_273 = tpu.memref_squeeze %dma_wait3A_272 : memref<1x50xi32, #tpu.memory_space<vmem>> -> memref<50xi32, #tpu.memory_space<vmem>>
    %dma_wait3A_274 = arith.constant 0 : i32
    %dma_wait3A_275 = arith.constant 0 : i32
    %dma_wait3A_276 = tpu.memref_slice %arg2[%dma_wait3A_274, %dma_wait3A_275] : memref<1000000x64xf32, #tpu.memory_space<hbm>> -> memref<1000000x64xf32, #tpu.memory_space<hbm>>
    tpu.wait_indirect_dma semaphore(%arg9 : memref<!tpu.dma_semaphore, #tpu.memory_space<semaphore_mem>>) src(%dma_wait3A_276 : memref<1000000x64xf32, #tpu.memory_space<hbm>>) dst(%dma_wait3A_270 : memref<50x64xf32, #tpu.memory_space<vmem>>)
    %dma_wait3A_277 = arith.constant 0 : i32
    %dma_wait3A_278 = arith.constant 7 : i32
    %dma_wait3A_279 = arith.constant 0 : i32
    %dma_wait3A_280 = arith.constant 0 : i32
    %dma_wait3A_281 = tpu.memref_slice %arg6[%dma_wait3A_278, %dma_wait3A_279, %dma_wait3A_280] : memref<8x50x64xf32, #tpu.memory_space<vmem>> -> memref<1x50x64xf32, #tpu.memory_space<vmem>>
    %dma_wait3A_282 = tpu.memref_squeeze %dma_wait3A_281 : memref<1x50x64xf32, #tpu.memory_space<vmem>> -> memref<50x64xf32, #tpu.memory_space<vmem>>
    %dma_wait3A_283 = arith.constant 0 : i32
    %dma_wait3A_284 = tpu.memref_slice %arg5[%dma_wait3A_277, %dma_wait3A_283] : memref<512x50xi32, #tpu.memory_space<vmem>> -> memref<1x50xi32, #tpu.memory_space<vmem>>
    %dma_wait3A_285 = tpu.memref_squeeze %dma_wait3A_284 : memref<1x50xi32, #tpu.memory_space<vmem>> -> memref<50xi32, #tpu.memory_space<vmem>>
    %dma_wait3A_286 = arith.constant 0 : i32
    %dma_wait3A_287 = arith.constant 0 : i32
    %dma_wait3A_288 = tpu.memref_slice %arg2[%dma_wait3A_286, %dma_wait3A_287] : memref<1000000x64xf32, #tpu.memory_space<hbm>> -> memref<1000000x64xf32, #tpu.memory_space<hbm>>
    tpu.wait_indirect_dma semaphore(%arg9 : memref<!tpu.dma_semaphore, #tpu.memory_space<semaphore_mem>>) src(%dma_wait3A_288 : memref<1000000x64xf32, #tpu.memory_space<hbm>>) dst(%dma_wait3A_282 : memref<50x64xf32, #tpu.memory_space<vmem>>)
    %add3A_289 = arith.constant 0 : i32
    %add3A_290 = arith.addi %mul3A_2, %add3A_289 : i32
    %dma_start3A_291 = arith.constant 0 : i32
    %dma_start3A_292 = arith.constant 0 : i32
    %dma_start3A_293 = tpu.memref_slice %arg4[%add3A_290, %dma_start3A_291, %dma_start3A_292] : memref<16384x56x128xf32, #tpu.memory_space<hbm>> -> memref<8x50x64xf32, #tpu.memory_space<hbm>>
    %dma_start3A_294 = arith.constant 0 : i32
    %dma_start3A_295 = arith.constant 0 : i32
    %dma_start3A_296 = tpu.memref_slice %arg4[%add3A_290, %dma_start3A_294, %dma_start3A_295] : memref<16384x56x128xf32, #tpu.memory_space<hbm>> -> memref<8x50x64xf32, #tpu.memory_space<hbm>>
    tpu.enqueue_dma source(%arg6 : memref<8x50x64xf32, #tpu.memory_space<vmem>>) target(%dma_start3A_296 : memref<8x50x64xf32, #tpu.memory_space<hbm>>) target_semaphore(%arg12 : memref<!tpu.dma_semaphore, #tpu.memory_space<semaphore_mem>>)
    %dma_start3A_297 = arith.constant 16 : i32
    %dma_start3A_298 = arith.constant 0 : i32
    %dma_start3A_299 = arith.constant 0 : i32
    %dma_start3A_300 = arith.constant 0 : i32
    %dma_start3A_301 = tpu.memref_slice %arg8[%dma_start3A_298, %dma_start3A_299, %dma_start3A_300] : memref<8x50x64xf32, #tpu.memory_space<vmem>> -> memref<1x50x64xf32, #tpu.memory_space<vmem>>
    %dma_start3A_302 = tpu.memref_squeeze %dma_start3A_301 : memref<1x50x64xf32, #tpu.memory_space<vmem>> -> memref<50x64xf32, #tpu.memory_space<vmem>>
    %dma_start3A_303 = arith.constant 0 : i32
    %dma_start3A_304 = tpu.memref_slice %arg5[%dma_start3A_297, %dma_start3A_303] : memref<512x50xi32, #tpu.memory_space<vmem>> -> memref<1x50xi32, #tpu.memory_space<vmem>>
    %dma_start3A_305 = tpu.memref_squeeze %dma_start3A_304 : memref<1x50xi32, #tpu.memory_space<vmem>> -> memref<50xi32, #tpu.memory_space<vmem>>
    %dma_start3A_306 = arith.constant 0 : i32
    %dma_start3A_307 = arith.constant 0 : i32
    %dma_start3A_308 = tpu.memref_slice %arg2[%dma_start3A_306, %dma_start3A_307] : memref<1000000x64xf32, #tpu.memory_space<hbm>> -> memref<1000000x64xf32, #tpu.memory_space<hbm>>
    tpu.enqueue_indirect_dma source(%dma_start3A_308 : memref<1000000x64xf32, #tpu.memory_space<hbm>>) target(%dma_start3A_302 : memref<50x64xf32, #tpu.memory_space<vmem>>) offsets(%dma_start3A_305 : memref<50xi32, #tpu.memory_space<vmem>>) semaphore(%arg11 : memref<!tpu.dma_semaphore, #tpu.memory_space<semaphore_mem>>)
    %dma_start3A_309 = arith.constant 17 : i32
    %dma_start3A_310 = arith.constant 1 : i32
    %dma_start3A_311 = arith.constant 0 : i32
    %dma_start3A_312 = arith.constant 0 : i32
    %dma_start3A_313 = tpu.memref_slice %arg8[%dma_start3A_310, %dma_start3A_311, %dma_start3A_312] : memref<8x50x64xf32, #tpu.memory_space<vmem>> -> memref<1x50x64xf32, #tpu.memory_space<vmem>>
    %dma_start3A_314 = tpu.memref_squeeze %dma_start3A_313 : memref<1x50x64xf32, #tpu.memory_space<vmem>> -> memref<50x64xf32, #tpu.memory_space<vmem>>
    %dma_start3A_315 = arith.constant 0 : i32
    %dma_start3A_316 = tpu.memref_slice %arg5[%dma_start3A_309, %dma_start3A_315] : memref<512x50xi32, #tpu.memory_space<vmem>> -> memref<1x50xi32, #tpu.memory_space<vmem>>
    %dma_start3A_317 = tpu.memref_squeeze %dma_start3A_316 : memref<1x50xi32, #tpu.memory_space<vmem>> -> memref<50xi32, #tpu.memory_space<vmem>>
    %dma_start3A_318 = arith.constant 0 : i32
    %dma_start3A_319 = arith.constant 0 : i32
    %dma_start3A_320 = tpu.memref_slice %arg2[%dma_start3A_318, %dma_start3A_319] : memref<1000000x64xf32, #tpu.memory_space<hbm>> -> memref<1000000x64xf32, #tpu.memory_space<hbm>>
    tpu.enqueue_indirect_dma source(%dma_start3A_320 : memref<1000000x64xf32, #tpu.memory_space<hbm>>) target(%dma_start3A_314 : memref<50x64xf32, #tpu.memory_space<vmem>>) offsets(%dma_start3A_317 : memref<50xi32, #tpu.memory_space<vmem>>) semaphore(%arg11 : memref<!tpu.dma_semaphore, #tpu.memory_space<semaphore_mem>>)
    %dma_start3A_321 = arith.constant 18 : i32
    %dma_start3A_322 = arith.constant 2 : i32
    %dma_start3A_323 = arith.constant 0 : i32
    %dma_start3A_324 = arith.constant 0 : i32
    %dma_start3A_325 = tpu.memref_slice %arg8[%dma_start3A_322, %dma_start3A_323, %dma_start3A_324] : memref<8x50x64xf32, #tpu.memory_space<vmem>> -> memref<1x50x64xf32, #tpu.memory_space<vmem>>
    %dma_start3A_326 = tpu.memref_squeeze %dma_start3A_325 : memref<1x50x64xf32, #tpu.memory_space<vmem>> -> memref<50x64xf32, #tpu.memory_space<vmem>>
    %dma_start3A_327 = arith.constant 0 : i32
    %dma_start3A_328 = tpu.memref_slice %arg5[%dma_start3A_321, %dma_start3A_327] : memref<512x50xi32, #tpu.memory_space<vmem>> -> memref<1x50xi32, #tpu.memory_space<vmem>>
    %dma_start3A_329 = tpu.memref_squeeze %dma_start3A_328 : memref<1x50xi32, #tpu.memory_space<vmem>> -> memref<50xi32, #tpu.memory_space<vmem>>
    %dma_start3A_330 = arith.constant 0 : i32
    %dma_start3A_331 = arith.constant 0 : i32
    %dma_start3A_332 = tpu.memref_slice %arg2[%dma_start3A_330, %dma_start3A_331] : memref<1000000x64xf32, #tpu.memory_space<hbm>> -> memref<1000000x64xf32, #tpu.memory_space<hbm>>
    tpu.enqueue_indirect_dma source(%dma_start3A_332 : memref<1000000x64xf32, #tpu.memory_space<hbm>>) target(%dma_start3A_326 : memref<50x64xf32, #tpu.memory_space<vmem>>) offsets(%dma_start3A_329 : memref<50xi32, #tpu.memory_space<vmem>>) semaphore(%arg11 : memref<!tpu.dma_semaphore, #tpu.memory_space<semaphore_mem>>)
    %dma_start3A_333 = arith.constant 19 : i32
    %dma_start3A_334 = arith.constant 3 : i32
    %dma_start3A_335 = arith.constant 0 : i32
    %dma_start3A_336 = arith.constant 0 : i32
    %dma_start3A_337 = tpu.memref_slice %arg8[%dma_start3A_334, %dma_start3A_335, %dma_start3A_336] : memref<8x50x64xf32, #tpu.memory_space<vmem>> -> memref<1x50x64xf32, #tpu.memory_space<vmem>>
    %dma_start3A_338 = tpu.memref_squeeze %dma_start3A_337 : memref<1x50x64xf32, #tpu.memory_space<vmem>> -> memref<50x64xf32, #tpu.memory_space<vmem>>
    %dma_start3A_339 = arith.constant 0 : i32
    %dma_start3A_340 = tpu.memref_slice %arg5[%dma_start3A_333, %dma_start3A_339] : memref<512x50xi32, #tpu.memory_space<vmem>> -> memref<1x50xi32, #tpu.memory_space<vmem>>
    %dma_start3A_341 = tpu.memref_squeeze %dma_start3A_340 : memref<1x50xi32, #tpu.memory_space<vmem>> -> memref<50xi32, #tpu.memory_space<vmem>>
    %dma_start3A_342 = arith.constant 0 : i32
    %dma_start3A_343 = arith.constant 0 : i32
    %dma_start3A_344 = tpu.memref_slice %arg2[%dma_start3A_342, %dma_start3A_343] : memref<1000000x64xf32, #tpu.memory_space<hbm>> -> memref<1000000x64xf32, #tpu.memory_space<hbm>>
    tpu.enqueue_indirect_dma source(%dma_start3A_344 : memref<1000000x64xf32, #tpu.memory_space<hbm>>) target(%dma_start3A_338 : memref<50x64xf32, #tpu.memory_space<vmem>>) offsets(%dma_start3A_341 : memref<50xi32, #tpu.memory_space<vmem>>) semaphore(%arg11 : memref<!tpu.dma_semaphore, #tpu.memory_space<semaphore_mem>>)
    %dma_start3A_345 = arith.constant 20 : i32
    %dma_start3A_346 = arith.constant 4 : i32
    %dma_start3A_347 = arith.constant 0 : i32
    %dma_start3A_348 = arith.constant 0 : i32
    %dma_start3A_349 = tpu.memref_slice %arg8[%dma_start3A_346, %dma_start3A_347, %dma_start3A_348] : memref<8x50x64xf32, #tpu.memory_space<vmem>> -> memref<1x50x64xf32, #tpu.memory_space<vmem>>
    %dma_start3A_350 = tpu.memref_squeeze %dma_start3A_349 : memref<1x50x64xf32, #tpu.memory_space<vmem>> -> memref<50x64xf32, #tpu.memory_space<vmem>>
    %dma_start3A_351 = arith.constant 0 : i32
    %dma_start3A_352 = tpu.memref_slice %arg5[%dma_start3A_345, %dma_start3A_351] : memref<512x50xi32, #tpu.memory_space<vmem>> -> memref<1x50xi32, #tpu.memory_space<vmem>>
    %dma_start3A_353 = tpu.memref_squeeze %dma_start3A_352 : memref<1x50xi32, #tpu.memory_space<vmem>> -> memref<50xi32, #tpu.memory_space<vmem>>
    %dma_start3A_354 = arith.constant 0 : i32
    %dma_start3A_355 = arith.constant 0 : i32
    %dma_start3A_356 = tpu.memref_slice %arg2[%dma_start3A_354, %dma_start3A_355] : memref<1000000x64xf32, #tpu.memory_space<hbm>> -> memref<1000000x64xf32, #tpu.memory_space<hbm>>
    tpu.enqueue_indirect_dma source(%dma_start3A_356 : memref<1000000x64xf32, #tpu.memory_space<hbm>>) target(%dma_start3A_350 : memref<50x64xf32, #tpu.memory_space<vmem>>) offsets(%dma_start3A_353 : memref<50xi32, #tpu.memory_space<vmem>>) semaphore(%arg11 : memref<!tpu.dma_semaphore, #tpu.memory_space<semaphore_mem>>)
    %dma_start3A_357 = arith.constant 21 : i32
    %dma_start3A_358 = arith.constant 5 : i32
    %dma_start3A_359 = arith.constant 0 : i32
    %dma_start3A_360 = arith.constant 0 : i32
    %dma_start3A_361 = tpu.memref_slice %arg8[%dma_start3A_358, %dma_start3A_359, %dma_start3A_360] : memref<8x50x64xf32, #tpu.memory_space<vmem>> -> memref<1x50x64xf32, #tpu.memory_space<vmem>>
    %dma_start3A_362 = tpu.memref_squeeze %dma_start3A_361 : memref<1x50x64xf32, #tpu.memory_space<vmem>> -> memref<50x64xf32, #tpu.memory_space<vmem>>
    %dma_start3A_363 = arith.constant 0 : i32
    %dma_start3A_364 = tpu.memref_slice %arg5[%dma_start3A_357, %dma_start3A_363] : memref<512x50xi32, #tpu.memory_space<vmem>> -> memref<1x50xi32, #tpu.memory_space<vmem>>
    %dma_start3A_365 = tpu.memref_squeeze %dma_start3A_364 : memref<1x50xi32, #tpu.memory_space<vmem>> -> memref<50xi32, #tpu.memory_space<vmem>>
    %dma_start3A_366 = arith.constant 0 : i32
    %dma_start3A_367 = arith.constant 0 : i32
    %dma_start3A_368 = tpu.memref_slice %arg2[%dma_start3A_366, %dma_start3A_367] : memref<1000000x64xf32, #tpu.memory_space<hbm>> -> memref<1000000x64xf32, #tpu.memory_space<hbm>>
    tpu.enqueue_indirect_dma source(%dma_start3A_368 : memref<1000000x64xf32, #tpu.memory_space<hbm>>) target(%dma_start3A_362 : memref<50x64xf32, #tpu.memory_space<vmem>>) offsets(%dma_start3A_365 : memref<50xi32, #tpu.memory_space<vmem>>) semaphore(%arg11 : memref<!tpu.dma_semaphore, #tpu.memory_space<semaphore_mem>>)
    %dma_start3A_369 = arith.constant 22 : i32
    %dma_start3A_370 = arith.constant 6 : i32
    %dma_start3A_371 = arith.constant 0 : i32
    %dma_start3A_372 = arith.constant 0 : i32
    %dma_start3A_373 = tpu.memref_slice %arg8[%dma_start3A_370, %dma_start3A_371, %dma_start3A_372] : memref<8x50x64xf32, #tpu.memory_space<vmem>> -> memref<1x50x64xf32, #tpu.memory_space<vmem>>
    %dma_start3A_374 = tpu.memref_squeeze %dma_start3A_373 : memref<1x50x64xf32, #tpu.memory_space<vmem>> -> memref<50x64xf32, #tpu.memory_space<vmem>>
    %dma_start3A_375 = arith.constant 0 : i32
    %dma_start3A_376 = tpu.memref_slice %arg5[%dma_start3A_369, %dma_start3A_375] : memref<512x50xi32, #tpu.memory_space<vmem>> -> memref<1x50xi32, #tpu.memory_space<vmem>>
    %dma_start3A_377 = tpu.memref_squeeze %dma_start3A_376 : memref<1x50xi32, #tpu.memory_space<vmem>> -> memref<50xi32, #tpu.memory_space<vmem>>
    %dma_start3A_378 = arith.constant 0 : i32
    %dma_start3A_379 = arith.constant 0 : i32
    %dma_start3A_380 = tpu.memref_slice %arg2[%dma_start3A_378, %dma_start3A_379] : memref<1000000x64xf32, #tpu.memory_space<hbm>> -> memref<1000000x64xf32, #tpu.memory_space<hbm>>
    tpu.enqueue_indirect_dma source(%dma_start3A_380 : memref<1000000x64xf32, #tpu.memory_space<hbm>>) target(%dma_start3A_374 : memref<50x64xf32, #tpu.memory_space<vmem>>) offsets(%dma_start3A_377 : memref<50xi32, #tpu.memory_space<vmem>>) semaphore(%arg11 : memref<!tpu.dma_semaphore, #tpu.memory_space<semaphore_mem>>)
    %dma_start3A_381 = arith.constant 23 : i32
    %dma_start3A_382 = arith.constant 7 : i32
    %dma_start3A_383 = arith.constant 0 : i32
    %dma_start3A_384 = arith.constant 0 : i32
    %dma_start3A_385 = tpu.memref_slice %arg8[%dma_start3A_382, %dma_start3A_383, %dma_start3A_384] : memref<8x50x64xf32, #tpu.memory_space<vmem>> -> memref<1x50x64xf32, #tpu.memory_space<vmem>>
    %dma_start3A_386 = tpu.memref_squeeze %dma_start3A_385 : memref<1x50x64xf32, #tpu.memory_space<vmem>> -> memref<50x64xf32, #tpu.memory_space<vmem>>
    %dma_start3A_387 = arith.constant 0 : i32
    %dma_start3A_388 = tpu.memref_slice %arg5[%dma_start3A_381, %dma_start3A_387] : memref<512x50xi32, #tpu.memory_space<vmem>> -> memref<1x50xi32, #tpu.memory_space<vmem>>
    %dma_start3A_389 = tpu.memref_squeeze %dma_start3A_388 : memref<1x50xi32, #tpu.memory_space<vmem>> -> memref<50xi32, #tpu.memory_space<vmem>>
    %dma_start3A_390 = arith.constant 0 : i32
    %dma_start3A_391 = arith.constant 0 : i32
    %dma_start3A_392 = tpu.memref_slice %arg2[%dma_start3A_390, %dma_start3A_391] : memref<1000000x64xf32, #tpu.memory_space<hbm>> -> memref<1000000x64xf32, #tpu.memory_space<hbm>>
    tpu.enqueue_indirect_dma source(%dma_start3A_392 : memref<1000000x64xf32, #tpu.memory_space<hbm>>) target(%dma_start3A_386 : memref<50x64xf32, #tpu.memory_space<vmem>>) offsets(%dma_start3A_389 : memref<50xi32, #tpu.memory_space<vmem>>) semaphore(%arg11 : memref<!tpu.dma_semaphore, #tpu.memory_space<semaphore_mem>>)
    %scan3A = arith.constant 0 : i32
    %scan3A_393 = arith.constant 0 : i32
    %scan3A_394 = arith.constant 20 : i32
    %scan3A_395 = arith.addi %scan3A_393, %scan3A_394 : i32
    %scan3A_396 = arith.constant 1 : i32
    scf.for %scan3A_838 = %scan3A_393 to %scan3A_395 step %scan3A_396  : i32 {
      %mul3A_839 = arith.constant 3 : i32
      %mul3A_840 = arith.muli %mul3A_839, %scan3A_838 : i32
      %add3A_841 = arith.constant 1 : i32
      %add3A_842 = arith.addi %mul3A_840, %add3A_841 : i32
      %add3A_843 = arith.constant 0 : i32
      %add3A_844 = arith.addi %add3A_842, %add3A_843 : i32
      %dma_wait3A_845 = arith.constant 0 : i32
      %dma_wait3A_846 = arith.constant 0 : i32
      %dma_wait3A_847 = arith.constant 0 : i32
      %dma_wait3A_848 = arith.constant 0 : i32
      %dma_wait3A_849 = tpu.memref_slice %arg7[%dma_wait3A_846, %dma_wait3A_847, %dma_wait3A_848] : memref<8x50x64xf32, #tpu.memory_space<vmem>> -> memref<1x50x64xf32, #tpu.memory_space<vmem>>
      %dma_wait3A_850 = tpu.memref_squeeze %dma_wait3A_849 : memref<1x50x64xf32, #tpu.memory_space<vmem>> -> memref<50x64xf32, #tpu.memory_space<vmem>>
      %dma_wait3A_851 = arith.constant 0 : i32
      %dma_wait3A_852 = tpu.memref_slice %arg5[%dma_wait3A_845, %dma_wait3A_851] : memref<512x50xi32, #tpu.memory_space<vmem>> -> memref<1x50xi32, #tpu.memory_space<vmem>>
      %dma_wait3A_853 = tpu.memref_squeeze %dma_wait3A_852 : memref<1x50xi32, #tpu.memory_space<vmem>> -> memref<50xi32, #tpu.memory_space<vmem>>
      %dma_wait3A_854 = arith.constant 0 : i32
      %dma_wait3A_855 = arith.constant 0 : i32
      %dma_wait3A_856 = tpu.memref_slice %arg2[%dma_wait3A_854, %dma_wait3A_855] : memref<1000000x64xf32, #tpu.memory_space<hbm>> -> memref<1000000x64xf32, #tpu.memory_space<hbm>>
      tpu.wait_indirect_dma semaphore(%arg10 : memref<!tpu.dma_semaphore, #tpu.memory_space<semaphore_mem>>) src(%dma_wait3A_856 : memref<1000000x64xf32, #tpu.memory_space<hbm>>) dst(%dma_wait3A_850 : memref<50x64xf32, #tpu.memory_space<vmem>>)
      %dma_wait3A_857 = arith.constant 0 : i32
      %dma_wait3A_858 = arith.constant 1 : i32
      %dma_wait3A_859 = arith.constant 0 : i32
      %dma_wait3A_860 = arith.constant 0 : i32
      %dma_wait3A_861 = tpu.memref_slice %arg7[%dma_wait3A_858, %dma_wait3A_859, %dma_wait3A_860] : memref<8x50x64xf32, #tpu.memory_space<vmem>> -> memref<1x50x64xf32, #tpu.memory_space<vmem>>
      %dma_wait3A_862 = tpu.memref_squeeze %dma_wait3A_861 : memref<1x50x64xf32, #tpu.memory_space<vmem>> -> memref<50x64xf32, #tpu.memory_space<vmem>>
      %dma_wait3A_863 = arith.constant 0 : i32
      %dma_wait3A_864 = tpu.memref_slice %arg5[%dma_wait3A_857, %dma_wait3A_863] : memref<512x50xi32, #tpu.memory_space<vmem>> -> memref<1x50xi32, #tpu.memory_space<vmem>>
      %dma_wait3A_865 = tpu.memref_squeeze %dma_wait3A_864 : memref<1x50xi32, #tpu.memory_space<vmem>> -> memref<50xi32, #tpu.memory_space<vmem>>
      %dma_wait3A_866 = arith.constant 0 : i32
      %dma_wait3A_867 = arith.constant 0 : i32
      %dma_wait3A_868 = tpu.memref_slice %arg2[%dma_wait3A_866, %dma_wait3A_867] : memref<1000000x64xf32, #tpu.memory_space<hbm>> -> memref<1000000x64xf32, #tpu.memory_space<hbm>>
      tpu.wait_indirect_dma semaphore(%arg10 : memref<!tpu.dma_semaphore, #tpu.memory_space<semaphore_mem>>) src(%dma_wait3A_868 : memref<1000000x64xf32, #tpu.memory_space<hbm>>) dst(%dma_wait3A_862 : memref<50x64xf32, #tpu.memory_space<vmem>>)
      %dma_wait3A_869 = arith.constant 0 : i32
      %dma_wait3A_870 = arith.constant 2 : i32
      %dma_wait3A_871 = arith.constant 0 : i32
      %dma_wait3A_872 = arith.constant 0 : i32
      %dma_wait3A_873 = tpu.memref_slice %arg7[%dma_wait3A_870, %dma_wait3A_871, %dma_wait3A_872] : memref<8x50x64xf32, #tpu.memory_space<vmem>> -> memref<1x50x64xf32, #tpu.memory_space<vmem>>
      %dma_wait3A_874 = tpu.memref_squeeze %dma_wait3A_873 : memref<1x50x64xf32, #tpu.memory_space<vmem>> -> memref<50x64xf32, #tpu.memory_space<vmem>>
      %dma_wait3A_875 = arith.constant 0 : i32
      %dma_wait3A_876 = tpu.memref_slice %arg5[%dma_wait3A_869, %dma_wait3A_875] : memref<512x50xi32, #tpu.memory_space<vmem>> -> memref<1x50xi32, #tpu.memory_space<vmem>>
      %dma_wait3A_877 = tpu.memref_squeeze %dma_wait3A_876 : memref<1x50xi32, #tpu.memory_space<vmem>> -> memref<50xi32, #tpu.memory_space<vmem>>
      %dma_wait3A_878 = arith.constant 0 : i32
      %dma_wait3A_879 = arith.constant 0 : i32
      %dma_wait3A_880 = tpu.memref_slice %arg2[%dma_wait3A_878, %dma_wait3A_879] : memref<1000000x64xf32, #tpu.memory_space<hbm>> -> memref<1000000x64xf32, #tpu.memory_space<hbm>>
      tpu.wait_indirect_dma semaphore(%arg10 : memref<!tpu.dma_semaphore, #tpu.memory_space<semaphore_mem>>) src(%dma_wait3A_880 : memref<1000000x64xf32, #tpu.memory_space<hbm>>) dst(%dma_wait3A_874 : memref<50x64xf32, #tpu.memory_space<vmem>>)
      %dma_wait3A_881 = arith.constant 0 : i32
      %dma_wait3A_882 = arith.constant 3 : i32
      %dma_wait3A_883 = arith.constant 0 : i32
      %dma_wait3A_884 = arith.constant 0 : i32
      %dma_wait3A_885 = tpu.memref_slice %arg7[%dma_wait3A_882, %dma_wait3A_883, %dma_wait3A_884] : memref<8x50x64xf32, #tpu.memory_space<vmem>> -> memref<1x50x64xf32, #tpu.memory_space<vmem>>
      %dma_wait3A_886 = tpu.memref_squeeze %dma_wait3A_885 : memref<1x50x64xf32, #tpu.memory_space<vmem>> -> memref<50x64xf32, #tpu.memory_space<vmem>>
      %dma_wait3A_887 = arith.constant 0 : i32
      %dma_wait3A_888 = tpu.memref_slice %arg5[%dma_wait3A_881, %dma_wait3A_887] : memref<512x50xi32, #tpu.memory_space<vmem>> -> memref<1x50xi32, #tpu.memory_space<vmem>>
      %dma_wait3A_889 = tpu.memref_squeeze %dma_wait3A_888 : memref<1x50xi32, #tpu.memory_space<vmem>> -> memref<50xi32, #tpu.memory_space<vmem>>
      %dma_wait3A_890 = arith.constant 0 : i32
      %dma_wait3A_891 = arith.constant 0 : i32
      %dma_wait3A_892 = tpu.memref_slice %arg2[%dma_wait3A_890, %dma_wait3A_891] : memref<1000000x64xf32, #tpu.memory_space<hbm>> -> memref<1000000x64xf32, #tpu.memory_space<hbm>>
      tpu.wait_indirect_dma semaphore(%arg10 : memref<!tpu.dma_semaphore, #tpu.memory_space<semaphore_mem>>) src(%dma_wait3A_892 : memref<1000000x64xf32, #tpu.memory_space<hbm>>) dst(%dma_wait3A_886 : memref<50x64xf32, #tpu.memory_space<vmem>>)
      %dma_wait3A_893 = arith.constant 0 : i32
      %dma_wait3A_894 = arith.constant 4 : i32
      %dma_wait3A_895 = arith.constant 0 : i32
      %dma_wait3A_896 = arith.constant 0 : i32
      %dma_wait3A_897 = tpu.memref_slice %arg7[%dma_wait3A_894, %dma_wait3A_895, %dma_wait3A_896] : memref<8x50x64xf32, #tpu.memory_space<vmem>> -> memref<1x50x64xf32, #tpu.memory_space<vmem>>
      %dma_wait3A_898 = tpu.memref_squeeze %dma_wait3A_897 : memref<1x50x64xf32, #tpu.memory_space<vmem>> -> memref<50x64xf32, #tpu.memory_space<vmem>>
      %dma_wait3A_899 = arith.constant 0 : i32
      %dma_wait3A_900 = tpu.memref_slice %arg5[%dma_wait3A_893, %dma_wait3A_899] : memref<512x50xi32, #tpu.memory_space<vmem>> -> memref<1x50xi32, #tpu.memory_space<vmem>>
      %dma_wait3A_901 = tpu.memref_squeeze %dma_wait3A_900 : memref<1x50xi32, #tpu.memory_space<vmem>> -> memref<50xi32, #tpu.memory_space<vmem>>
      %dma_wait3A_902 = arith.constant 0 : i32
      %dma_wait3A_903 = arith.constant 0 : i32
      %dma_wait3A_904 = tpu.memref_slice %arg2[%dma_wait3A_902, %dma_wait3A_903] : memref<1000000x64xf32, #tpu.memory_space<hbm>> -> memref<1000000x64xf32, #tpu.memory_space<hbm>>
      tpu.wait_indirect_dma semaphore(%arg10 : memref<!tpu.dma_semaphore, #tpu.memory_space<semaphore_mem>>) src(%dma_wait3A_904 : memref<1000000x64xf32, #tpu.memory_space<hbm>>) dst(%dma_wait3A_898 : memref<50x64xf32, #tpu.memory_space<vmem>>)
      %dma_wait3A_905 = arith.constant 0 : i32
      %dma_wait3A_906 = arith.constant 5 : i32
      %dma_wait3A_907 = arith.constant 0 : i32
      %dma_wait3A_908 = arith.constant 0 : i32
      %dma_wait3A_909 = tpu.memref_slice %arg7[%dma_wait3A_906, %dma_wait3A_907, %dma_wait3A_908] : memref<8x50x64xf32, #tpu.memory_space<vmem>> -> memref<1x50x64xf32, #tpu.memory_space<vmem>>
      %dma_wait3A_910 = tpu.memref_squeeze %dma_wait3A_909 : memref<1x50x64xf32, #tpu.memory_space<vmem>> -> memref<50x64xf32, #tpu.memory_space<vmem>>
      %dma_wait3A_911 = arith.constant 0 : i32
      %dma_wait3A_912 = tpu.memref_slice %arg5[%dma_wait3A_905, %dma_wait3A_911] : memref<512x50xi32, #tpu.memory_space<vmem>> -> memref<1x50xi32, #tpu.memory_space<vmem>>
      %dma_wait3A_913 = tpu.memref_squeeze %dma_wait3A_912 : memref<1x50xi32, #tpu.memory_space<vmem>> -> memref<50xi32, #tpu.memory_space<vmem>>
      %dma_wait3A_914 = arith.constant 0 : i32
      %dma_wait3A_915 = arith.constant 0 : i32
      %dma_wait3A_916 = tpu.memref_slice %arg2[%dma_wait3A_914, %dma_wait3A_915] : memref<1000000x64xf32, #tpu.memory_space<hbm>> -> memref<1000000x64xf32, #tpu.memory_space<hbm>>
      tpu.wait_indirect_dma semaphore(%arg10 : memref<!tpu.dma_semaphore, #tpu.memory_space<semaphore_mem>>) src(%dma_wait3A_916 : memref<1000000x64xf32, #tpu.memory_space<hbm>>) dst(%dma_wait3A_910 : memref<50x64xf32, #tpu.memory_space<vmem>>)
      %dma_wait3A_917 = arith.constant 0 : i32
      %dma_wait3A_918 = arith.constant 6 : i32
      %dma_wait3A_919 = arith.constant 0 : i32
      %dma_wait3A_920 = arith.constant 0 : i32
      %dma_wait3A_921 = tpu.memref_slice %arg7[%dma_wait3A_918, %dma_wait3A_919, %dma_wait3A_920] : memref<8x50x64xf32, #tpu.memory_space<vmem>> -> memref<1x50x64xf32, #tpu.memory_space<vmem>>
      %dma_wait3A_922 = tpu.memref_squeeze %dma_wait3A_921 : memref<1x50x64xf32, #tpu.memory_space<vmem>> -> memref<50x64xf32, #tpu.memory_space<vmem>>
      %dma_wait3A_923 = arith.constant 0 : i32
      %dma_wait3A_924 = tpu.memref_slice %arg5[%dma_wait3A_917, %dma_wait3A_923] : memref<512x50xi32, #tpu.memory_space<vmem>> -> memref<1x50xi32, #tpu.memory_space<vmem>>
      %dma_wait3A_925 = tpu.memref_squeeze %dma_wait3A_924 : memref<1x50xi32, #tpu.memory_space<vmem>> -> memref<50xi32, #tpu.memory_space<vmem>>
      %dma_wait3A_926 = arith.constant 0 : i32
      %dma_wait3A_927 = arith.constant 0 : i32
      %dma_wait3A_928 = tpu.memref_slice %arg2[%dma_wait3A_926, %dma_wait3A_927] : memref<1000000x64xf32, #tpu.memory_space<hbm>> -> memref<1000000x64xf32, #tpu.memory_space<hbm>>
      tpu.wait_indirect_dma semaphore(%arg10 : memref<!tpu.dma_semaphore, #tpu.memory_space<semaphore_mem>>) src(%dma_wait3A_928 : memref<1000000x64xf32, #tpu.memory_space<hbm>>) dst(%dma_wait3A_922 : memref<50x64xf32, #tpu.memory_space<vmem>>)
      %dma_wait3A_929 = arith.constant 0 : i32
      %dma_wait3A_930 = arith.constant 7 : i32
      %dma_wait3A_931 = arith.constant 0 : i32
      %dma_wait3A_932 = arith.constant 0 : i32
      %dma_wait3A_933 = tpu.memref_slice %arg7[%dma_wait3A_930, %dma_wait3A_931, %dma_wait3A_932] : memref<8x50x64xf32, #tpu.memory_space<vmem>> -> memref<1x50x64xf32, #tpu.memory_space<vmem>>
      %dma_wait3A_934 = tpu.memref_squeeze %dma_wait3A_933 : memref<1x50x64xf32, #tpu.memory_space<vmem>> -> memref<50x64xf32, #tpu.memory_space<vmem>>
      %dma_wait3A_935 = arith.constant 0 : i32
      %dma_wait3A_936 = tpu.memref_slice %arg5[%dma_wait3A_929, %dma_wait3A_935] : memref<512x50xi32, #tpu.memory_space<vmem>> -> memref<1x50xi32, #tpu.memory_space<vmem>>
      %dma_wait3A_937 = tpu.memref_squeeze %dma_wait3A_936 : memref<1x50xi32, #tpu.memory_space<vmem>> -> memref<50xi32, #tpu.memory_space<vmem>>
      %dma_wait3A_938 = arith.constant 0 : i32
      %dma_wait3A_939 = arith.constant 0 : i32
      %dma_wait3A_940 = tpu.memref_slice %arg2[%dma_wait3A_938, %dma_wait3A_939] : memref<1000000x64xf32, #tpu.memory_space<hbm>> -> memref<1000000x64xf32, #tpu.memory_space<hbm>>
      tpu.wait_indirect_dma semaphore(%arg10 : memref<!tpu.dma_semaphore, #tpu.memory_space<semaphore_mem>>) src(%dma_wait3A_940 : memref<1000000x64xf32, #tpu.memory_space<hbm>>) dst(%dma_wait3A_934 : memref<50x64xf32, #tpu.memory_space<vmem>>)
      %mul3A_941 = arith.constant 8 : i32
      %mul3A_942 = arith.muli %add3A_844, %mul3A_941 : i32
      %add3A_943 = arith.addi %mul3A_2, %mul3A_942 : i32
      %dma_start3A_944 = arith.constant 0 : i32
      %dma_start3A_945 = arith.constant 0 : i32
      %dma_start3A_946 = tpu.memref_slice %arg4[%add3A_943, %dma_start3A_944, %dma_start3A_945] : memref<16384x56x128xf32, #tpu.memory_space<hbm>> -> memref<8x50x64xf32, #tpu.memory_space<hbm>>
      %dma_start3A_947 = arith.constant 0 : i32
      %dma_start3A_948 = arith.constant 0 : i32
      %dma_start3A_949 = tpu.memref_slice %arg4[%add3A_943, %dma_start3A_947, %dma_start3A_948] : memref<16384x56x128xf32, #tpu.memory_space<hbm>> -> memref<8x50x64xf32, #tpu.memory_space<hbm>>
      tpu.enqueue_dma source(%arg7 : memref<8x50x64xf32, #tpu.memory_space<vmem>>) target(%dma_start3A_949 : memref<8x50x64xf32, #tpu.memory_space<hbm>>) target_semaphore(%arg13 : memref<!tpu.dma_semaphore, #tpu.memory_space<semaphore_mem>>)
      %add3A_950 = arith.constant 0 : i32
      %add3A_951 = arith.addi %mul3A_2, %add3A_950 : i32
      %dma_wait3A_952 = arith.constant 0 : i32
      %dma_wait3A_953 = arith.constant 0 : i32
      %dma_wait3A_954 = tpu.memref_slice %arg4[%add3A_951, %dma_wait3A_952, %dma_wait3A_953] : memref<16384x56x128xf32, #tpu.memory_space<hbm>> -> memref<8x50x64xf32, #tpu.memory_space<hbm>>
      %dma_wait3A_955 = arith.constant 0 : i32
      %dma_wait3A_956 = arith.constant 0 : i32
      %dma_wait3A_957 = tpu.memref_slice %arg4[%add3A_951, %dma_wait3A_955, %dma_wait3A_956] : memref<16384x56x128xf32, #tpu.memory_space<hbm>> -> memref<8x50x64xf32, #tpu.memory_space<hbm>>
      tpu.wait_dma2 semaphore(%arg12 : memref<!tpu.dma_semaphore, #tpu.memory_space<semaphore_mem>>) src(%arg6 : memref<8x50x64xf32, #tpu.memory_space<vmem>>) dst(%dma_wait3A_957 : memref<8x50x64xf32, #tpu.memory_space<hbm>>)
      %add3A_958 = arith.constant 2 : i32
      %add3A_959 = arith.addi %add3A_844, %add3A_958 : i32
      %mul3A_960 = arith.constant 8 : i32
      %mul3A_961 = arith.muli %add3A_959, %mul3A_960 : i32
      %add3A_962 = arith.constant 0 : i32
      %add3A_963 = arith.addi %mul3A_961, %add3A_962 : i32
      %dma_start3A_964 = arith.constant 0 : i32
      %dma_start3A_965 = arith.constant 0 : i32
      %dma_start3A_966 = arith.constant 0 : i32
      %dma_start3A_967 = tpu.memref_slice %arg6[%dma_start3A_964, %dma_start3A_965, %dma_start3A_966] : memref<8x50x64xf32, #tpu.memory_space<vmem>> -> memref<1x50x64xf32, #tpu.memory_space<vmem>>
      %dma_start3A_968 = tpu.memref_squeeze %dma_start3A_967 : memref<1x50x64xf32, #tpu.memory_space<vmem>> -> memref<50x64xf32, #tpu.memory_space<vmem>>
      %dma_start3A_969 = arith.constant 0 : i32
      %dma_start3A_970 = tpu.memref_slice %arg5[%add3A_963, %dma_start3A_969] : memref<512x50xi32, #tpu.memory_space<vmem>> -> memref<1x50xi32, #tpu.memory_space<vmem>>
      %dma_start3A_971 = tpu.memref_squeeze %dma_start3A_970 : memref<1x50xi32, #tpu.memory_space<vmem>> -> memref<50xi32, #tpu.memory_space<vmem>>
      %dma_start3A_972 = arith.constant 0 : i32
      %dma_start3A_973 = arith.constant 0 : i32
      %dma_start3A_974 = tpu.memref_slice %arg2[%dma_start3A_972, %dma_start3A_973] : memref<1000000x64xf32, #tpu.memory_space<hbm>> -> memref<1000000x64xf32, #tpu.memory_space<hbm>>
      tpu.enqueue_indirect_dma source(%dma_start3A_974 : memref<1000000x64xf32, #tpu.memory_space<hbm>>) target(%dma_start3A_968 : memref<50x64xf32, #tpu.memory_space<vmem>>) offsets(%dma_start3A_971 : memref<50xi32, #tpu.memory_space<vmem>>) semaphore(%arg9 : memref<!tpu.dma_semaphore, #tpu.memory_space<semaphore_mem>>)
      %mul3A_975 = arith.constant 8 : i32
      %mul3A_976 = arith.muli %add3A_959, %mul3A_975 : i32
      %add3A_977 = arith.constant 1 : i32
      %add3A_978 = arith.addi %mul3A_976, %add3A_977 : i32
      %dma_start3A_979 = arith.constant 1 : i32
      %dma_start3A_980 = arith.constant 0 : i32
      %dma_start3A_981 = arith.constant 0 : i32
      %dma_start3A_982 = tpu.memref_slice %arg6[%dma_start3A_979, %dma_start3A_980, %dma_start3A_981] : memref<8x50x64xf32, #tpu.memory_space<vmem>> -> memref<1x50x64xf32, #tpu.memory_space<vmem>>
      %dma_start3A_983 = tpu.memref_squeeze %dma_start3A_982 : memref<1x50x64xf32, #tpu.memory_space<vmem>> -> memref<50x64xf32, #tpu.memory_space<vmem>>
      %dma_start3A_984 = arith.constant 0 : i32
      %dma_start3A_985 = tpu.memref_slice %arg5[%add3A_978, %dma_start3A_984] : memref<512x50xi32, #tpu.memory_space<vmem>> -> memref<1x50xi32, #tpu.memory_space<vmem>>
      %dma_start3A_986 = tpu.memref_squeeze %dma_start3A_985 : memref<1x50xi32, #tpu.memory_space<vmem>> -> memref<50xi32, #tpu.memory_space<vmem>>
      %dma_start3A_987 = arith.constant 0 : i32
      %dma_start3A_988 = arith.constant 0 : i32
      %dma_start3A_989 = tpu.memref_slice %arg2[%dma_start3A_987, %dma_start3A_988] : memref<1000000x64xf32, #tpu.memory_space<hbm>> -> memref<1000000x64xf32, #tpu.memory_space<hbm>>
      tpu.enqueue_indirect_dma source(%dma_start3A_989 : memref<1000000x64xf32, #tpu.memory_space<hbm>>) target(%dma_start3A_983 : memref<50x64xf32, #tpu.memory_space<vmem>>) offsets(%dma_start3A_986 : memref<50xi32, #tpu.memory_space<vmem>>) semaphore(%arg9 : memref<!tpu.dma_semaphore, #tpu.memory_space<semaphore_mem>>)
      %mul3A_990 = arith.constant 8 : i32
      %mul3A_991 = arith.muli %add3A_959, %mul3A_990 : i32
      %add3A_992 = arith.constant 2 : i32
      %add3A_993 = arith.addi %mul3A_991, %add3A_992 : i32
      %dma_start3A_994 = arith.constant 2 : i32
      %dma_start3A_995 = arith.constant 0 : i32
      %dma_start3A_996 = arith.constant 0 : i32
      %dma_start3A_997 = tpu.memref_slice %arg6[%dma_start3A_994, %dma_start3A_995, %dma_start3A_996] : memref<8x50x64xf32, #tpu.memory_space<vmem>> -> memref<1x50x64xf32, #tpu.memory_space<vmem>>
      %dma_start3A_998 = tpu.memref_squeeze %dma_start3A_997 : memref<1x50x64xf32, #tpu.memory_space<vmem>> -> memref<50x64xf32, #tpu.memory_space<vmem>>
      %dma_start3A_999 = arith.constant 0 : i32
      %dma_start3A_1000 = tpu.memref_slice %arg5[%add3A_993, %dma_start3A_999] : memref<512x50xi32, #tpu.memory_space<vmem>> -> memref<1x50xi32, #tpu.memory_space<vmem>>
      %dma_start3A_1001 = tpu.memref_squeeze %dma_start3A_1000 : memref<1x50xi32, #tpu.memory_space<vmem>> -> memref<50xi32, #tpu.memory_space<vmem>>
      %dma_start3A_1002 = arith.constant 0 : i32
      %dma_start3A_1003 = arith.constant 0 : i32
      %dma_start3A_1004 = tpu.memref_slice %arg2[%dma_start3A_1002, %dma_start3A_1003] : memref<1000000x64xf32, #tpu.memory_space<hbm>> -> memref<1000000x64xf32, #tpu.memory_space<hbm>>
      tpu.enqueue_indirect_dma source(%dma_start3A_1004 : memref<1000000x64xf32, #tpu.memory_space<hbm>>) target(%dma_start3A_998 : memref<50x64xf32, #tpu.memory_space<vmem>>) offsets(%dma_start3A_1001 : memref<50xi32, #tpu.memory_space<vmem>>) semaphore(%arg9 : memref<!tpu.dma_semaphore, #tpu.memory_space<semaphore_mem>>)
      %mul3A_1005 = arith.constant 8 : i32
      %mul3A_1006 = arith.muli %add3A_959, %mul3A_1005 : i32
      %add3A_1007 = arith.constant 3 : i32
      %add3A_1008 = arith.addi %mul3A_1006, %add3A_1007 : i32
      %dma_start3A_1009 = arith.constant 3 : i32
      %dma_start3A_1010 = arith.constant 0 : i32
      %dma_start3A_1011 = arith.constant 0 : i32
      %dma_start3A_1012 = tpu.memref_slice %arg6[%dma_start3A_1009, %dma_start3A_1010, %dma_start3A_1011] : memref<8x50x64xf32, #tpu.memory_space<vmem>> -> memref<1x50x64xf32, #tpu.memory_space<vmem>>
      %dma_start3A_1013 = tpu.memref_squeeze %dma_start3A_1012 : memref<1x50x64xf32, #tpu.memory_space<vmem>> -> memref<50x64xf32, #tpu.memory_space<vmem>>
      %dma_start3A_1014 = arith.constant 0 : i32
      %dma_start3A_1015 = tpu.memref_slice %arg5[%add3A_1008, %dma_start3A_1014] : memref<512x50xi32, #tpu.memory_space<vmem>> -> memref<1x50xi32, #tpu.memory_space<vmem>>
      %dma_start3A_1016 = tpu.memref_squeeze %dma_start3A_1015 : memref<1x50xi32, #tpu.memory_space<vmem>> -> memref<50xi32, #tpu.memory_space<vmem>>
      %dma_start3A_1017 = arith.constant 0 : i32
      %dma_start3A_1018 = arith.constant 0 : i32
      %dma_start3A_1019 = tpu.memref_slice %arg2[%dma_start3A_1017, %dma_start3A_1018] : memref<1000000x64xf32, #tpu.memory_space<hbm>> -> memref<1000000x64xf32, #tpu.memory_space<hbm>>
      tpu.enqueue_indirect_dma source(%dma_start3A_1019 : memref<1000000x64xf32, #tpu.memory_space<hbm>>) target(%dma_start3A_1013 : memref<50x64xf32, #tpu.memory_space<vmem>>) offsets(%dma_start3A_1016 : memref<50xi32, #tpu.memory_space<vmem>>) semaphore(%arg9 : memref<!tpu.dma_semaphore, #tpu.memory_space<semaphore_mem>>)
      %mul3A_1020 = arith.constant 8 : i32
      %mul3A_1021 = arith.muli %add3A_959, %mul3A_1020 : i32
      %add3A_1022 = arith.constant 4 : i32
      %add3A_1023 = arith.addi %mul3A_1021, %add3A_1022 : i32
      %dma_start3A_1024 = arith.constant 4 : i32
      %dma_start3A_1025 = arith.constant 0 : i32
      %dma_start3A_1026 = arith.constant 0 : i32
      %dma_start3A_1027 = tpu.memref_slice %arg6[%dma_start3A_1024, %dma_start3A_1025, %dma_start3A_1026] : memref<8x50x64xf32, #tpu.memory_space<vmem>> -> memref<1x50x64xf32, #tpu.memory_space<vmem>>
      %dma_start3A_1028 = tpu.memref_squeeze %dma_start3A_1027 : memref<1x50x64xf32, #tpu.memory_space<vmem>> -> memref<50x64xf32, #tpu.memory_space<vmem>>
      %dma_start3A_1029 = arith.constant 0 : i32
      %dma_start3A_1030 = tpu.memref_slice %arg5[%add3A_1023, %dma_start3A_1029] : memref<512x50xi32, #tpu.memory_space<vmem>> -> memref<1x50xi32, #tpu.memory_space<vmem>>
      %dma_start3A_1031 = tpu.memref_squeeze %dma_start3A_1030 : memref<1x50xi32, #tpu.memory_space<vmem>> -> memref<50xi32, #tpu.memory_space<vmem>>
      %dma_start3A_1032 = arith.constant 0 : i32
      %dma_start3A_1033 = arith.constant 0 : i32
      %dma_start3A_1034 = tpu.memref_slice %arg2[%dma_start3A_1032, %dma_start3A_1033] : memref<1000000x64xf32, #tpu.memory_space<hbm>> -> memref<1000000x64xf32, #tpu.memory_space<hbm>>
      tpu.enqueue_indirect_dma source(%dma_start3A_1034 : memref<1000000x64xf32, #tpu.memory_space<hbm>>) target(%dma_start3A_1028 : memref<50x64xf32, #tpu.memory_space<vmem>>) offsets(%dma_start3A_1031 : memref<50xi32, #tpu.memory_space<vmem>>) semaphore(%arg9 : memref<!tpu.dma_semaphore, #tpu.memory_space<semaphore_mem>>)
      %mul3A_1035 = arith.constant 8 : i32
      %mul3A_1036 = arith.muli %add3A_959, %mul3A_1035 : i32
      %add3A_1037 = arith.constant 5 : i32
      %add3A_1038 = arith.addi %mul3A_1036, %add3A_1037 : i32
      %dma_start3A_1039 = arith.constant 5 : i32
      %dma_start3A_1040 = arith.constant 0 : i32
      %dma_start3A_1041 = arith.constant 0 : i32
      %dma_start3A_1042 = tpu.memref_slice %arg6[%dma_start3A_1039, %dma_start3A_1040, %dma_start3A_1041] : memref<8x50x64xf32, #tpu.memory_space<vmem>> -> memref<1x50x64xf32, #tpu.memory_space<vmem>>
      %dma_start3A_1043 = tpu.memref_squeeze %dma_start3A_1042 : memref<1x50x64xf32, #tpu.memory_space<vmem>> -> memref<50x64xf32, #tpu.memory_space<vmem>>
      %dma_start3A_1044 = arith.constant 0 : i32
      %dma_start3A_1045 = tpu.memref_slice %arg5[%add3A_1038, %dma_start3A_1044] : memref<512x50xi32, #tpu.memory_space<vmem>> -> memref<1x50xi32, #tpu.memory_space<vmem>>
      %dma_start3A_1046 = tpu.memref_squeeze %dma_start3A_1045 : memref<1x50xi32, #tpu.memory_space<vmem>> -> memref<50xi32, #tpu.memory_space<vmem>>
      %dma_start3A_1047 = arith.constant 0 : i32
      %dma_start3A_1048 = arith.constant 0 : i32
      %dma_start3A_1049 = tpu.memref_slice %arg2[%dma_start3A_1047, %dma_start3A_1048] : memref<1000000x64xf32, #tpu.memory_space<hbm>> -> memref<1000000x64xf32, #tpu.memory_space<hbm>>
      tpu.enqueue_indirect_dma source(%dma_start3A_1049 : memref<1000000x64xf32, #tpu.memory_space<hbm>>) target(%dma_start3A_1043 : memref<50x64xf32, #tpu.memory_space<vmem>>) offsets(%dma_start3A_1046 : memref<50xi32, #tpu.memory_space<vmem>>) semaphore(%arg9 : memref<!tpu.dma_semaphore, #tpu.memory_space<semaphore_mem>>)
      %mul3A_1050 = arith.constant 8 : i32
      %mul3A_1051 = arith.muli %add3A_959, %mul3A_1050 : i32
      %add3A_1052 = arith.constant 6 : i32
      %add3A_1053 = arith.addi %mul3A_1051, %add3A_1052 : i32
      %dma_start3A_1054 = arith.constant 6 : i32
      %dma_start3A_1055 = arith.constant 0 : i32
      %dma_start3A_1056 = arith.constant 0 : i32
      %dma_start3A_1057 = tpu.memref_slice %arg6[%dma_start3A_1054, %dma_start3A_1055, %dma_start3A_1056] : memref<8x50x64xf32, #tpu.memory_space<vmem>> -> memref<1x50x64xf32, #tpu.memory_space<vmem>>
      %dma_start3A_1058 = tpu.memref_squeeze %dma_start3A_1057 : memref<1x50x64xf32, #tpu.memory_space<vmem>> -> memref<50x64xf32, #tpu.memory_space<vmem>>
      %dma_start3A_1059 = arith.constant 0 : i32
      %dma_start3A_1060 = tpu.memref_slice %arg5[%add3A_1053, %dma_start3A_1059] : memref<512x50xi32, #tpu.memory_space<vmem>> -> memref<1x50xi32, #tpu.memory_space<vmem>>
      %dma_start3A_1061 = tpu.memref_squeeze %dma_start3A_1060 : memref<1x50xi32, #tpu.memory_space<vmem>> -> memref<50xi32, #tpu.memory_space<vmem>>
      %dma_start3A_1062 = arith.constant 0 : i32
      %dma_start3A_1063 = arith.constant 0 : i32
      %dma_start3A_1064 = tpu.memref_slice %arg2[%dma_start3A_1062, %dma_start3A_1063] : memref<1000000x64xf32, #tpu.memory_space<hbm>> -> memref<1000000x64xf32, #tpu.memory_space<hbm>>
      tpu.enqueue_indirect_dma source(%dma_start3A_1064 : memref<1000000x64xf32, #tpu.memory_space<hbm>>) target(%dma_start3A_1058 : memref<50x64xf32, #tpu.memory_space<vmem>>) offsets(%dma_start3A_1061 : memref<50xi32, #tpu.memory_space<vmem>>) semaphore(%arg9 : memref<!tpu.dma_semaphore, #tpu.memory_space<semaphore_mem>>)
      %mul3A_1065 = arith.constant 8 : i32
      %mul3A_1066 = arith.muli %add3A_959, %mul3A_1065 : i32
      %add3A_1067 = arith.constant 7 : i32
      %add3A_1068 = arith.addi %mul3A_1066, %add3A_1067 : i32
      %dma_start3A_1069 = arith.constant 7 : i32
      %dma_start3A_1070 = arith.constant 0 : i32
      %dma_start3A_1071 = arith.constant 0 : i32
      %dma_start3A_1072 = tpu.memref_slice %arg6[%dma_start3A_1069, %dma_start3A_1070, %dma_start3A_1071] : memref<8x50x64xf32, #tpu.memory_space<vmem>> -> memref<1x50x64xf32, #tpu.memory_space<vmem>>
      %dma_start3A_1073 = tpu.memref_squeeze %dma_start3A_1072 : memref<1x50x64xf32, #tpu.memory_space<vmem>> -> memref<50x64xf32, #tpu.memory_space<vmem>>
      %dma_start3A_1074 = arith.constant 0 : i32
      %dma_start3A_1075 = tpu.memref_slice %arg5[%add3A_1068, %dma_start3A_1074] : memref<512x50xi32, #tpu.memory_space<vmem>> -> memref<1x50xi32, #tpu.memory_space<vmem>>
      %dma_start3A_1076 = tpu.memref_squeeze %dma_start3A_1075 : memref<1x50xi32, #tpu.memory_space<vmem>> -> memref<50xi32, #tpu.memory_space<vmem>>
      %dma_start3A_1077 = arith.constant 0 : i32
      %dma_start3A_1078 = arith.constant 0 : i32
      %dma_start3A_1079 = tpu.memref_slice %arg2[%dma_start3A_1077, %dma_start3A_1078] : memref<1000000x64xf32, #tpu.memory_space<hbm>> -> memref<1000000x64xf32, #tpu.memory_space<hbm>>
      tpu.enqueue_indirect_dma source(%dma_start3A_1079 : memref<1000000x64xf32, #tpu.memory_space<hbm>>) target(%dma_start3A_1073 : memref<50x64xf32, #tpu.memory_space<vmem>>) offsets(%dma_start3A_1076 : memref<50xi32, #tpu.memory_space<vmem>>) semaphore(%arg9 : memref<!tpu.dma_semaphore, #tpu.memory_space<semaphore_mem>>)
      %mul3A_1080 = arith.constant 3 : i32
      %mul3A_1081 = arith.muli %mul3A_1080, %scan3A_838 : i32
      %add3A_1082 = arith.constant 1 : i32
      %add3A_1083 = arith.addi %mul3A_1081, %add3A_1082 : i32
      %add3A_1084 = arith.constant 1 : i32
      %add3A_1085 = arith.addi %add3A_1083, %add3A_1084 : i32
      %dma_wait3A_1086 = arith.constant 0 : i32
      %dma_wait3A_1087 = arith.constant 0 : i32
      %dma_wait3A_1088 = arith.constant 0 : i32
      %dma_wait3A_1089 = arith.constant 0 : i32
      %dma_wait3A_1090 = tpu.memref_slice %arg8[%dma_wait3A_1087, %dma_wait3A_1088, %dma_wait3A_1089] : memref<8x50x64xf32, #tpu.memory_space<vmem>> -> memref<1x50x64xf32, #tpu.memory_space<vmem>>
      %dma_wait3A_1091 = tpu.memref_squeeze %dma_wait3A_1090 : memref<1x50x64xf32, #tpu.memory_space<vmem>> -> memref<50x64xf32, #tpu.memory_space<vmem>>
      %dma_wait3A_1092 = arith.constant 0 : i32
      %dma_wait3A_1093 = tpu.memref_slice %arg5[%dma_wait3A_1086, %dma_wait3A_1092] : memref<512x50xi32, #tpu.memory_space<vmem>> -> memref<1x50xi32, #tpu.memory_space<vmem>>
      %dma_wait3A_1094 = tpu.memref_squeeze %dma_wait3A_1093 : memref<1x50xi32, #tpu.memory_space<vmem>> -> memref<50xi32, #tpu.memory_space<vmem>>
      %dma_wait3A_1095 = arith.constant 0 : i32
      %dma_wait3A_1096 = arith.constant 0 : i32
      %dma_wait3A_1097 = tpu.memref_slice %arg2[%dma_wait3A_1095, %dma_wait3A_1096] : memref<1000000x64xf32, #tpu.memory_space<hbm>> -> memref<1000000x64xf32, #tpu.memory_space<hbm>>
      tpu.wait_indirect_dma semaphore(%arg11 : memref<!tpu.dma_semaphore, #tpu.memory_space<semaphore_mem>>) src(%dma_wait3A_1097 : memref<1000000x64xf32, #tpu.memory_space<hbm>>) dst(%dma_wait3A_1091 : memref<50x64xf32, #tpu.memory_space<vmem>>)
      %dma_wait3A_1098 = arith.constant 0 : i32
      %dma_wait3A_1099 = arith.constant 1 : i32
      %dma_wait3A_1100 = arith.constant 0 : i32
      %dma_wait3A_1101 = arith.constant 0 : i32
      %dma_wait3A_1102 = tpu.memref_slice %arg8[%dma_wait3A_1099, %dma_wait3A_1100, %dma_wait3A_1101] : memref<8x50x64xf32, #tpu.memory_space<vmem>> -> memref<1x50x64xf32, #tpu.memory_space<vmem>>
      %dma_wait3A_1103 = tpu.memref_squeeze %dma_wait3A_1102 : memref<1x50x64xf32, #tpu.memory_space<vmem>> -> memref<50x64xf32, #tpu.memory_space<vmem>>
      %dma_wait3A_1104 = arith.constant 0 : i32
      %dma_wait3A_1105 = tpu.memref_slice %arg5[%dma_wait3A_1098, %dma_wait3A_1104] : memref<512x50xi32, #tpu.memory_space<vmem>> -> memref<1x50xi32, #tpu.memory_space<vmem>>
      %dma_wait3A_1106 = tpu.memref_squeeze %dma_wait3A_1105 : memref<1x50xi32, #tpu.memory_space<vmem>> -> memref<50xi32, #tpu.memory_space<vmem>>
      %dma_wait3A_1107 = arith.constant 0 : i32
      %dma_wait3A_1108 = arith.constant 0 : i32
      %dma_wait3A_1109 = tpu.memref_slice %arg2[%dma_wait3A_1107, %dma_wait3A_1108] : memref<1000000x64xf32, #tpu.memory_space<hbm>> -> memref<1000000x64xf32, #tpu.memory_space<hbm>>
      tpu.wait_indirect_dma semaphore(%arg11 : memref<!tpu.dma_semaphore, #tpu.memory_space<semaphore_mem>>) src(%dma_wait3A_1109 : memref<1000000x64xf32, #tpu.memory_space<hbm>>) dst(%dma_wait3A_1103 : memref<50x64xf32, #tpu.memory_space<vmem>>)
      %dma_wait3A_1110 = arith.constant 0 : i32
      %dma_wait3A_1111 = arith.constant 2 : i32
      %dma_wait3A_1112 = arith.constant 0 : i32
      %dma_wait3A_1113 = arith.constant 0 : i32
      %dma_wait3A_1114 = tpu.memref_slice %arg8[%dma_wait3A_1111, %dma_wait3A_1112, %dma_wait3A_1113] : memref<8x50x64xf32, #tpu.memory_space<vmem>> -> memref<1x50x64xf32, #tpu.memory_space<vmem>>
      %dma_wait3A_1115 = tpu.memref_squeeze %dma_wait3A_1114 : memref<1x50x64xf32, #tpu.memory_space<vmem>> -> memref<50x64xf32, #tpu.memory_space<vmem>>
      %dma_wait3A_1116 = arith.constant 0 : i32
      %dma_wait3A_1117 = tpu.memref_slice %arg5[%dma_wait3A_1110, %dma_wait3A_1116] : memref<512x50xi32, #tpu.memory_space<vmem>> -> memref<1x50xi32, #tpu.memory_space<vmem>>
      %dma_wait3A_1118 = tpu.memref_squeeze %dma_wait3A_1117 : memref<1x50xi32, #tpu.memory_space<vmem>> -> memref<50xi32, #tpu.memory_space<vmem>>
      %dma_wait3A_1119 = arith.constant 0 : i32
      %dma_wait3A_1120 = arith.constant 0 : i32
      %dma_wait3A_1121 = tpu.memref_slice %arg2[%dma_wait3A_1119, %dma_wait3A_1120] : memref<1000000x64xf32, #tpu.memory_space<hbm>> -> memref<1000000x64xf32, #tpu.memory_space<hbm>>
      tpu.wait_indirect_dma semaphore(%arg11 : memref<!tpu.dma_semaphore, #tpu.memory_space<semaphore_mem>>) src(%dma_wait3A_1121 : memref<1000000x64xf32, #tpu.memory_space<hbm>>) dst(%dma_wait3A_1115 : memref<50x64xf32, #tpu.memory_space<vmem>>)
      %dma_wait3A_1122 = arith.constant 0 : i32
      %dma_wait3A_1123 = arith.constant 3 : i32
      %dma_wait3A_1124 = arith.constant 0 : i32
      %dma_wait3A_1125 = arith.constant 0 : i32
      %dma_wait3A_1126 = tpu.memref_slice %arg8[%dma_wait3A_1123, %dma_wait3A_1124, %dma_wait3A_1125] : memref<8x50x64xf32, #tpu.memory_space<vmem>> -> memref<1x50x64xf32, #tpu.memory_space<vmem>>
      %dma_wait3A_1127 = tpu.memref_squeeze %dma_wait3A_1126 : memref<1x50x64xf32, #tpu.memory_space<vmem>> -> memref<50x64xf32, #tpu.memory_space<vmem>>
      %dma_wait3A_1128 = arith.constant 0 : i32
      %dma_wait3A_1129 = tpu.memref_slice %arg5[%dma_wait3A_1122, %dma_wait3A_1128] : memref<512x50xi32, #tpu.memory_space<vmem>> -> memref<1x50xi32, #tpu.memory_space<vmem>>
      %dma_wait3A_1130 = tpu.memref_squeeze %dma_wait3A_1129 : memref<1x50xi32, #tpu.memory_space<vmem>> -> memref<50xi32, #tpu.memory_space<vmem>>
      %dma_wait3A_1131 = arith.constant 0 : i32
      %dma_wait3A_1132 = arith.constant 0 : i32
      %dma_wait3A_1133 = tpu.memref_slice %arg2[%dma_wait3A_1131, %dma_wait3A_1132] : memref<1000000x64xf32, #tpu.memory_space<hbm>> -> memref<1000000x64xf32, #tpu.memory_space<hbm>>
      tpu.wait_indirect_dma semaphore(%arg11 : memref<!tpu.dma_semaphore, #tpu.memory_space<semaphore_mem>>) src(%dma_wait3A_1133 : memref<1000000x64xf32, #tpu.memory_space<hbm>>) dst(%dma_wait3A_1127 : memref<50x64xf32, #tpu.memory_space<vmem>>)
      %dma_wait3A_1134 = arith.constant 0 : i32
      %dma_wait3A_1135 = arith.constant 4 : i32
      %dma_wait3A_1136 = arith.constant 0 : i32
      %dma_wait3A_1137 = arith.constant 0 : i32
      %dma_wait3A_1138 = tpu.memref_slice %arg8[%dma_wait3A_1135, %dma_wait3A_1136, %dma_wait3A_1137] : memref<8x50x64xf32, #tpu.memory_space<vmem>> -> memref<1x50x64xf32, #tpu.memory_space<vmem>>
      %dma_wait3A_1139 = tpu.memref_squeeze %dma_wait3A_1138 : memref<1x50x64xf32, #tpu.memory_space<vmem>> -> memref<50x64xf32, #tpu.memory_space<vmem>>
      %dma_wait3A_1140 = arith.constant 0 : i32
      %dma_wait3A_1141 = tpu.memref_slice %arg5[%dma_wait3A_1134, %dma_wait3A_1140] : memref<512x50xi32, #tpu.memory_space<vmem>> -> memref<1x50xi32, #tpu.memory_space<vmem>>
      %dma_wait3A_1142 = tpu.memref_squeeze %dma_wait3A_1141 : memref<1x50xi32, #tpu.memory_space<vmem>> -> memref<50xi32, #tpu.memory_space<vmem>>
      %dma_wait3A_1143 = arith.constant 0 : i32
      %dma_wait3A_1144 = arith.constant 0 : i32
      %dma_wait3A_1145 = tpu.memref_slice %arg2[%dma_wait3A_1143, %dma_wait3A_1144] : memref<1000000x64xf32, #tpu.memory_space<hbm>> -> memref<1000000x64xf32, #tpu.memory_space<hbm>>
      tpu.wait_indirect_dma semaphore(%arg11 : memref<!tpu.dma_semaphore, #tpu.memory_space<semaphore_mem>>) src(%dma_wait3A_1145 : memref<1000000x64xf32, #tpu.memory_space<hbm>>) dst(%dma_wait3A_1139 : memref<50x64xf32, #tpu.memory_space<vmem>>)
      %dma_wait3A_1146 = arith.constant 0 : i32
      %dma_wait3A_1147 = arith.constant 5 : i32
      %dma_wait3A_1148 = arith.constant 0 : i32
      %dma_wait3A_1149 = arith.constant 0 : i32
      %dma_wait3A_1150 = tpu.memref_slice %arg8[%dma_wait3A_1147, %dma_wait3A_1148, %dma_wait3A_1149] : memref<8x50x64xf32, #tpu.memory_space<vmem>> -> memref<1x50x64xf32, #tpu.memory_space<vmem>>
      %dma_wait3A_1151 = tpu.memref_squeeze %dma_wait3A_1150 : memref<1x50x64xf32, #tpu.memory_space<vmem>> -> memref<50x64xf32, #tpu.memory_space<vmem>>
      %dma_wait3A_1152 = arith.constant 0 : i32
      %dma_wait3A_1153 = tpu.memref_slice %arg5[%dma_wait3A_1146, %dma_wait3A_1152] : memref<512x50xi32, #tpu.memory_space<vmem>> -> memref<1x50xi32, #tpu.memory_space<vmem>>
      %dma_wait3A_1154 = tpu.memref_squeeze %dma_wait3A_1153 : memref<1x50xi32, #tpu.memory_space<vmem>> -> memref<50xi32, #tpu.memory_space<vmem>>
      %dma_wait3A_1155 = arith.constant 0 : i32
      %dma_wait3A_1156 = arith.constant 0 : i32
      %dma_wait3A_1157 = tpu.memref_slice %arg2[%dma_wait3A_1155, %dma_wait3A_1156] : memref<1000000x64xf32, #tpu.memory_space<hbm>> -> memref<1000000x64xf32, #tpu.memory_space<hbm>>
      tpu.wait_indirect_dma semaphore(%arg11 : memref<!tpu.dma_semaphore, #tpu.memory_space<semaphore_mem>>) src(%dma_wait3A_1157 : memref<1000000x64xf32, #tpu.memory_space<hbm>>) dst(%dma_wait3A_1151 : memref<50x64xf32, #tpu.memory_space<vmem>>)
      %dma_wait3A_1158 = arith.constant 0 : i32
      %dma_wait3A_1159 = arith.constant 6 : i32
      %dma_wait3A_1160 = arith.constant 0 : i32
      %dma_wait3A_1161 = arith.constant 0 : i32
      %dma_wait3A_1162 = tpu.memref_slice %arg8[%dma_wait3A_1159, %dma_wait3A_1160, %dma_wait3A_1161] : memref<8x50x64xf32, #tpu.memory_space<vmem>> -> memref<1x50x64xf32, #tpu.memory_space<vmem>>
      %dma_wait3A_1163 = tpu.memref_squeeze %dma_wait3A_1162 : memref<1x50x64xf32, #tpu.memory_space<vmem>> -> memref<50x64xf32, #tpu.memory_space<vmem>>
      %dma_wait3A_1164 = arith.constant 0 : i32
      %dma_wait3A_1165 = tpu.memref_slice %arg5[%dma_wait3A_1158, %dma_wait3A_1164] : memref<512x50xi32, #tpu.memory_space<vmem>> -> memref<1x50xi32, #tpu.memory_space<vmem>>
      %dma_wait3A_1166 = tpu.memref_squeeze %dma_wait3A_1165 : memref<1x50xi32, #tpu.memory_space<vmem>> -> memref<50xi32, #tpu.memory_space<vmem>>
      %dma_wait3A_1167 = arith.constant 0 : i32
      %dma_wait3A_1168 = arith.constant 0 : i32
      %dma_wait3A_1169 = tpu.memref_slice %arg2[%dma_wait3A_1167, %dma_wait3A_1168] : memref<1000000x64xf32, #tpu.memory_space<hbm>> -> memref<1000000x64xf32, #tpu.memory_space<hbm>>
      tpu.wait_indirect_dma semaphore(%arg11 : memref<!tpu.dma_semaphore, #tpu.memory_space<semaphore_mem>>) src(%dma_wait3A_1169 : memref<1000000x64xf32, #tpu.memory_space<hbm>>) dst(%dma_wait3A_1163 : memref<50x64xf32, #tpu.memory_space<vmem>>)
      %dma_wait3A_1170 = arith.constant 0 : i32
      %dma_wait3A_1171 = arith.constant 7 : i32
      %dma_wait3A_1172 = arith.constant 0 : i32
      %dma_wait3A_1173 = arith.constant 0 : i32
      %dma_wait3A_1174 = tpu.memref_slice %arg8[%dma_wait3A_1171, %dma_wait3A_1172, %dma_wait3A_1173] : memref<8x50x64xf32, #tpu.memory_space<vmem>> -> memref<1x50x64xf32, #tpu.memory_space<vmem>>
      %dma_wait3A_1175 = tpu.memref_squeeze %dma_wait3A_1174 : memref<1x50x64xf32, #tpu.memory_space<vmem>> -> memref<50x64xf32, #tpu.memory_space<vmem>>
      %dma_wait3A_1176 = arith.constant 0 : i32
      %dma_wait3A_1177 = tpu.memref_slice %arg5[%dma_wait3A_1170, %dma_wait3A_1176] : memref<512x50xi32, #tpu.memory_space<vmem>> -> memref<1x50xi32, #tpu.memory_space<vmem>>
      %dma_wait3A_1178 = tpu.memref_squeeze %dma_wait3A_1177 : memref<1x50xi32, #tpu.memory_space<vmem>> -> memref<50xi32, #tpu.memory_space<vmem>>
      %dma_wait3A_1179 = arith.constant 0 : i32
      %dma_wait3A_1180 = arith.constant 0 : i32
      %dma_wait3A_1181 = tpu.memref_slice %arg2[%dma_wait3A_1179, %dma_wait3A_1180] : memref<1000000x64xf32, #tpu.memory_space<hbm>> -> memref<1000000x64xf32, #tpu.memory_space<hbm>>
      tpu.wait_indirect_dma semaphore(%arg11 : memref<!tpu.dma_semaphore, #tpu.memory_space<semaphore_mem>>) src(%dma_wait3A_1181 : memref<1000000x64xf32, #tpu.memory_space<hbm>>) dst(%dma_wait3A_1175 : memref<50x64xf32, #tpu.memory_space<vmem>>)
      %mul3A_1182 = arith.constant 8 : i32
      %mul3A_1183 = arith.muli %add3A_1085, %mul3A_1182 : i32
      %add3A_1184 = arith.addi %mul3A_2, %mul3A_1183 : i32
      %dma_start3A_1185 = arith.constant 0 : i32
      %dma_start3A_1186 = arith.constant 0 : i32
      %dma_start3A_1187 = tpu.memref_slice %arg4[%add3A_1184, %dma_start3A_1185, %dma_start3A_1186] : memref<16384x56x128xf32, #tpu.memory_space<hbm>> -> memref<8x50x64xf32, #tpu.memory_space<hbm>>
      %dma_start3A_1188 = arith.constant 0 : i32
      %dma_start3A_1189 = arith.constant 0 : i32
      %dma_start3A_1190 = tpu.memref_slice %arg4[%add3A_1184, %dma_start3A_1188, %dma_start3A_1189] : memref<16384x56x128xf32, #tpu.memory_space<hbm>> -> memref<8x50x64xf32, #tpu.memory_space<hbm>>
      tpu.enqueue_dma source(%arg8 : memref<8x50x64xf32, #tpu.memory_space<vmem>>) target(%dma_start3A_1190 : memref<8x50x64xf32, #tpu.memory_space<hbm>>) target_semaphore(%arg14 : memref<!tpu.dma_semaphore, #tpu.memory_space<semaphore_mem>>)
      %add3A_1191 = arith.constant 0 : i32
      %add3A_1192 = arith.addi %mul3A_2, %add3A_1191 : i32
      %dma_wait3A_1193 = arith.constant 0 : i32
      %dma_wait3A_1194 = arith.constant 0 : i32
      %dma_wait3A_1195 = tpu.memref_slice %arg4[%add3A_1192, %dma_wait3A_1193, %dma_wait3A_1194] : memref<16384x56x128xf32, #tpu.memory_space<hbm>> -> memref<8x50x64xf32, #tpu.memory_space<hbm>>
      %dma_wait3A_1196 = arith.constant 0 : i32
      %dma_wait3A_1197 = arith.constant 0 : i32
      %dma_wait3A_1198 = tpu.memref_slice %arg4[%add3A_1192, %dma_wait3A_1196, %dma_wait3A_1197] : memref<16384x56x128xf32, #tpu.memory_space<hbm>> -> memref<8x50x64xf32, #tpu.memory_space<hbm>>
      tpu.wait_dma2 semaphore(%arg13 : memref<!tpu.dma_semaphore, #tpu.memory_space<semaphore_mem>>) src(%arg7 : memref<8x50x64xf32, #tpu.memory_space<vmem>>) dst(%dma_wait3A_1198 : memref<8x50x64xf32, #tpu.memory_space<hbm>>)
      %add3A_1199 = arith.constant 2 : i32
      %add3A_1200 = arith.addi %add3A_1085, %add3A_1199 : i32
      %mul3A_1201 = arith.constant 8 : i32
      %mul3A_1202 = arith.muli %add3A_1200, %mul3A_1201 : i32
      %add3A_1203 = arith.constant 0 : i32
      %add3A_1204 = arith.addi %mul3A_1202, %add3A_1203 : i32
      %dma_start3A_1205 = arith.constant 0 : i32
      %dma_start3A_1206 = arith.constant 0 : i32
      %dma_start3A_1207 = arith.constant 0 : i32
      %dma_start3A_1208 = tpu.memref_slice %arg7[%dma_start3A_1205, %dma_start3A_1206, %dma_start3A_1207] : memref<8x50x64xf32, #tpu.memory_space<vmem>> -> memref<1x50x64xf32, #tpu.memory_space<vmem>>
      %dma_start3A_1209 = tpu.memref_squeeze %dma_start3A_1208 : memref<1x50x64xf32, #tpu.memory_space<vmem>> -> memref<50x64xf32, #tpu.memory_space<vmem>>
      %dma_start3A_1210 = arith.constant 0 : i32
      %dma_start3A_1211 = tpu.memref_slice %arg5[%add3A_1204, %dma_start3A_1210] : memref<512x50xi32, #tpu.memory_space<vmem>> -> memref<1x50xi32, #tpu.memory_space<vmem>>
      %dma_start3A_1212 = tpu.memref_squeeze %dma_start3A_1211 : memref<1x50xi32, #tpu.memory_space<vmem>> -> memref<50xi32, #tpu.memory_space<vmem>>
      %dma_start3A_1213 = arith.constant 0 : i32
      %dma_start3A_1214 = arith.constant 0 : i32
      %dma_start3A_1215 = tpu.memref_slice %arg2[%dma_start3A_1213, %dma_start3A_1214] : memref<1000000x64xf32, #tpu.memory_space<hbm>> -> memref<1000000x64xf32, #tpu.memory_space<hbm>>
      tpu.enqueue_indirect_dma source(%dma_start3A_1215 : memref<1000000x64xf32, #tpu.memory_space<hbm>>) target(%dma_start3A_1209 : memref<50x64xf32, #tpu.memory_space<vmem>>) offsets(%dma_start3A_1212 : memref<50xi32, #tpu.memory_space<vmem>>) semaphore(%arg10 : memref<!tpu.dma_semaphore, #tpu.memory_space<semaphore_mem>>)
      %mul3A_1216 = arith.constant 8 : i32
      %mul3A_1217 = arith.muli %add3A_1200, %mul3A_1216 : i32
      %add3A_1218 = arith.constant 1 : i32
      %add3A_1219 = arith.addi %mul3A_1217, %add3A_1218 : i32
      %dma_start3A_1220 = arith.constant 1 : i32
      %dma_start3A_1221 = arith.constant 0 : i32
      %dma_start3A_1222 = arith.constant 0 : i32
      %dma_start3A_1223 = tpu.memref_slice %arg7[%dma_start3A_1220, %dma_start3A_1221, %dma_start3A_1222] : memref<8x50x64xf32, #tpu.memory_space<vmem>> -> memref<1x50x64xf32, #tpu.memory_space<vmem>>
      %dma_start3A_1224 = tpu.memref_squeeze %dma_start3A_1223 : memref<1x50x64xf32, #tpu.memory_space<vmem>> -> memref<50x64xf32, #tpu.memory_space<vmem>>
      %dma_start3A_1225 = arith.constant 0 : i32
      %dma_start3A_1226 = tpu.memref_slice %arg5[%add3A_1219, %dma_start3A_1225] : memref<512x50xi32, #tpu.memory_space<vmem>> -> memref<1x50xi32, #tpu.memory_space<vmem>>
      %dma_start3A_1227 = tpu.memref_squeeze %dma_start3A_1226 : memref<1x50xi32, #tpu.memory_space<vmem>> -> memref<50xi32, #tpu.memory_space<vmem>>
      %dma_start3A_1228 = arith.constant 0 : i32
      %dma_start3A_1229 = arith.constant 0 : i32
      %dma_start3A_1230 = tpu.memref_slice %arg2[%dma_start3A_1228, %dma_start3A_1229] : memref<1000000x64xf32, #tpu.memory_space<hbm>> -> memref<1000000x64xf32, #tpu.memory_space<hbm>>
      tpu.enqueue_indirect_dma source(%dma_start3A_1230 : memref<1000000x64xf32, #tpu.memory_space<hbm>>) target(%dma_start3A_1224 : memref<50x64xf32, #tpu.memory_space<vmem>>) offsets(%dma_start3A_1227 : memref<50xi32, #tpu.memory_space<vmem>>) semaphore(%arg10 : memref<!tpu.dma_semaphore, #tpu.memory_space<semaphore_mem>>)
      %mul3A_1231 = arith.constant 8 : i32
      %mul3A_1232 = arith.muli %add3A_1200, %mul3A_1231 : i32
      %add3A_1233 = arith.constant 2 : i32
      %add3A_1234 = arith.addi %mul3A_1232, %add3A_1233 : i32
      %dma_start3A_1235 = arith.constant 2 : i32
      %dma_start3A_1236 = arith.constant 0 : i32
      %dma_start3A_1237 = arith.constant 0 : i32
      %dma_start3A_1238 = tpu.memref_slice %arg7[%dma_start3A_1235, %dma_start3A_1236, %dma_start3A_1237] : memref<8x50x64xf32, #tpu.memory_space<vmem>> -> memref<1x50x64xf32, #tpu.memory_space<vmem>>
      %dma_start3A_1239 = tpu.memref_squeeze %dma_start3A_1238 : memref<1x50x64xf32, #tpu.memory_space<vmem>> -> memref<50x64xf32, #tpu.memory_space<vmem>>
      %dma_start3A_1240 = arith.constant 0 : i32
      %dma_start3A_1241 = tpu.memref_slice %arg5[%add3A_1234, %dma_start3A_1240] : memref<512x50xi32, #tpu.memory_space<vmem>> -> memref<1x50xi32, #tpu.memory_space<vmem>>
      %dma_start3A_1242 = tpu.memref_squeeze %dma_start3A_1241 : memref<1x50xi32, #tpu.memory_space<vmem>> -> memref<50xi32, #tpu.memory_space<vmem>>
      %dma_start3A_1243 = arith.constant 0 : i32
      %dma_start3A_1244 = arith.constant 0 : i32
      %dma_start3A_1245 = tpu.memref_slice %arg2[%dma_start3A_1243, %dma_start3A_1244] : memref<1000000x64xf32, #tpu.memory_space<hbm>> -> memref<1000000x64xf32, #tpu.memory_space<hbm>>
      tpu.enqueue_indirect_dma source(%dma_start3A_1245 : memref<1000000x64xf32, #tpu.memory_space<hbm>>) target(%dma_start3A_1239 : memref<50x64xf32, #tpu.memory_space<vmem>>) offsets(%dma_start3A_1242 : memref<50xi32, #tpu.memory_space<vmem>>) semaphore(%arg10 : memref<!tpu.dma_semaphore, #tpu.memory_space<semaphore_mem>>)
      %mul3A_1246 = arith.constant 8 : i32
      %mul3A_1247 = arith.muli %add3A_1200, %mul3A_1246 : i32
      %add3A_1248 = arith.constant 3 : i32
      %add3A_1249 = arith.addi %mul3A_1247, %add3A_1248 : i32
      %dma_start3A_1250 = arith.constant 3 : i32
      %dma_start3A_1251 = arith.constant 0 : i32
      %dma_start3A_1252 = arith.constant 0 : i32
      %dma_start3A_1253 = tpu.memref_slice %arg7[%dma_start3A_1250, %dma_start3A_1251, %dma_start3A_1252] : memref<8x50x64xf32, #tpu.memory_space<vmem>> -> memref<1x50x64xf32, #tpu.memory_space<vmem>>
      %dma_start3A_1254 = tpu.memref_squeeze %dma_start3A_1253 : memref<1x50x64xf32, #tpu.memory_space<vmem>> -> memref<50x64xf32, #tpu.memory_space<vmem>>
      %dma_start3A_1255 = arith.constant 0 : i32
      %dma_start3A_1256 = tpu.memref_slice %arg5[%add3A_1249, %dma_start3A_1255] : memref<512x50xi32, #tpu.memory_space<vmem>> -> memref<1x50xi32, #tpu.memory_space<vmem>>
      %dma_start3A_1257 = tpu.memref_squeeze %dma_start3A_1256 : memref<1x50xi32, #tpu.memory_space<vmem>> -> memref<50xi32, #tpu.memory_space<vmem>>
      %dma_start3A_1258 = arith.constant 0 : i32
      %dma_start3A_1259 = arith.constant 0 : i32
      %dma_start3A_1260 = tpu.memref_slice %arg2[%dma_start3A_1258, %dma_start3A_1259] : memref<1000000x64xf32, #tpu.memory_space<hbm>> -> memref<1000000x64xf32, #tpu.memory_space<hbm>>
      tpu.enqueue_indirect_dma source(%dma_start3A_1260 : memref<1000000x64xf32, #tpu.memory_space<hbm>>) target(%dma_start3A_1254 : memref<50x64xf32, #tpu.memory_space<vmem>>) offsets(%dma_start3A_1257 : memref<50xi32, #tpu.memory_space<vmem>>) semaphore(%arg10 : memref<!tpu.dma_semaphore, #tpu.memory_space<semaphore_mem>>)
      %mul3A_1261 = arith.constant 8 : i32
      %mul3A_1262 = arith.muli %add3A_1200, %mul3A_1261 : i32
      %add3A_1263 = arith.constant 4 : i32
      %add3A_1264 = arith.addi %mul3A_1262, %add3A_1263 : i32
      %dma_start3A_1265 = arith.constant 4 : i32
      %dma_start3A_1266 = arith.constant 0 : i32
      %dma_start3A_1267 = arith.constant 0 : i32
      %dma_start3A_1268 = tpu.memref_slice %arg7[%dma_start3A_1265, %dma_start3A_1266, %dma_start3A_1267] : memref<8x50x64xf32, #tpu.memory_space<vmem>> -> memref<1x50x64xf32, #tpu.memory_space<vmem>>
      %dma_start3A_1269 = tpu.memref_squeeze %dma_start3A_1268 : memref<1x50x64xf32, #tpu.memory_space<vmem>> -> memref<50x64xf32, #tpu.memory_space<vmem>>
      %dma_start3A_1270 = arith.constant 0 : i32
      %dma_start3A_1271 = tpu.memref_slice %arg5[%add3A_1264, %dma_start3A_1270] : memref<512x50xi32, #tpu.memory_space<vmem>> -> memref<1x50xi32, #tpu.memory_space<vmem>>
      %dma_start3A_1272 = tpu.memref_squeeze %dma_start3A_1271 : memref<1x50xi32, #tpu.memory_space<vmem>> -> memref<50xi32, #tpu.memory_space<vmem>>
      %dma_start3A_1273 = arith.constant 0 : i32
      %dma_start3A_1274 = arith.constant 0 : i32
      %dma_start3A_1275 = tpu.memref_slice %arg2[%dma_start3A_1273, %dma_start3A_1274] : memref<1000000x64xf32, #tpu.memory_space<hbm>> -> memref<1000000x64xf32, #tpu.memory_space<hbm>>
      tpu.enqueue_indirect_dma source(%dma_start3A_1275 : memref<1000000x64xf32, #tpu.memory_space<hbm>>) target(%dma_start3A_1269 : memref<50x64xf32, #tpu.memory_space<vmem>>) offsets(%dma_start3A_1272 : memref<50xi32, #tpu.memory_space<vmem>>) semaphore(%arg10 : memref<!tpu.dma_semaphore, #tpu.memory_space<semaphore_mem>>)
      %mul3A_1276 = arith.constant 8 : i32
      %mul3A_1277 = arith.muli %add3A_1200, %mul3A_1276 : i32
      %add3A_1278 = arith.constant 5 : i32
      %add3A_1279 = arith.addi %mul3A_1277, %add3A_1278 : i32
      %dma_start3A_1280 = arith.constant 5 : i32
      %dma_start3A_1281 = arith.constant 0 : i32
      %dma_start3A_1282 = arith.constant 0 : i32
      %dma_start3A_1283 = tpu.memref_slice %arg7[%dma_start3A_1280, %dma_start3A_1281, %dma_start3A_1282] : memref<8x50x64xf32, #tpu.memory_space<vmem>> -> memref<1x50x64xf32, #tpu.memory_space<vmem>>
      %dma_start3A_1284 = tpu.memref_squeeze %dma_start3A_1283 : memref<1x50x64xf32, #tpu.memory_space<vmem>> -> memref<50x64xf32, #tpu.memory_space<vmem>>
      %dma_start3A_1285 = arith.constant 0 : i32
      %dma_start3A_1286 = tpu.memref_slice %arg5[%add3A_1279, %dma_start3A_1285] : memref<512x50xi32, #tpu.memory_space<vmem>> -> memref<1x50xi32, #tpu.memory_space<vmem>>
      %dma_start3A_1287 = tpu.memref_squeeze %dma_start3A_1286 : memref<1x50xi32, #tpu.memory_space<vmem>> -> memref<50xi32, #tpu.memory_space<vmem>>
      %dma_start3A_1288 = arith.constant 0 : i32
      %dma_start3A_1289 = arith.constant 0 : i32
      %dma_start3A_1290 = tpu.memref_slice %arg2[%dma_start3A_1288, %dma_start3A_1289] : memref<1000000x64xf32, #tpu.memory_space<hbm>> -> memref<1000000x64xf32, #tpu.memory_space<hbm>>
      tpu.enqueue_indirect_dma source(%dma_start3A_1290 : memref<1000000x64xf32, #tpu.memory_space<hbm>>) target(%dma_start3A_1284 : memref<50x64xf32, #tpu.memory_space<vmem>>) offsets(%dma_start3A_1287 : memref<50xi32, #tpu.memory_space<vmem>>) semaphore(%arg10 : memref<!tpu.dma_semaphore, #tpu.memory_space<semaphore_mem>>)
      %mul3A_1291 = arith.constant 8 : i32
      %mul3A_1292 = arith.muli %add3A_1200, %mul3A_1291 : i32
      %add3A_1293 = arith.constant 6 : i32
      %add3A_1294 = arith.addi %mul3A_1292, %add3A_1293 : i32
      %dma_start3A_1295 = arith.constant 6 : i32
      %dma_start3A_1296 = arith.constant 0 : i32
      %dma_start3A_1297 = arith.constant 0 : i32
      %dma_start3A_1298 = tpu.memref_slice %arg7[%dma_start3A_1295, %dma_start3A_1296, %dma_start3A_1297] : memref<8x50x64xf32, #tpu.memory_space<vmem>> -> memref<1x50x64xf32, #tpu.memory_space<vmem>>
      %dma_start3A_1299 = tpu.memref_squeeze %dma_start3A_1298 : memref<1x50x64xf32, #tpu.memory_space<vmem>> -> memref<50x64xf32, #tpu.memory_space<vmem>>
      %dma_start3A_1300 = arith.constant 0 : i32
      %dma_start3A_1301 = tpu.memref_slice %arg5[%add3A_1294, %dma_start3A_1300] : memref<512x50xi32, #tpu.memory_space<vmem>> -> memref<1x50xi32, #tpu.memory_space<vmem>>
      %dma_start3A_1302 = tpu.memref_squeeze %dma_start3A_1301 : memref<1x50xi32, #tpu.memory_space<vmem>> -> memref<50xi32, #tpu.memory_space<vmem>>
      %dma_start3A_1303 = arith.constant 0 : i32
      %dma_start3A_1304 = arith.constant 0 : i32
      %dma_start3A_1305 = tpu.memref_slice %arg2[%dma_start3A_1303, %dma_start3A_1304] : memref<1000000x64xf32, #tpu.memory_space<hbm>> -> memref<1000000x64xf32, #tpu.memory_space<hbm>>
      tpu.enqueue_indirect_dma source(%dma_start3A_1305 : memref<1000000x64xf32, #tpu.memory_space<hbm>>) target(%dma_start3A_1299 : memref<50x64xf32, #tpu.memory_space<vmem>>) offsets(%dma_start3A_1302 : memref<50xi32, #tpu.memory_space<vmem>>) semaphore(%arg10 : memref<!tpu.dma_semaphore, #tpu.memory_space<semaphore_mem>>)
      %mul3A_1306 = arith.constant 8 : i32
      %mul3A_1307 = arith.muli %add3A_1200, %mul3A_1306 : i32
      %add3A_1308 = arith.constant 7 : i32
      %add3A_1309 = arith.addi %mul3A_1307, %add3A_1308 : i32
      %dma_start3A_1310 = arith.constant 7 : i32
      %dma_start3A_1311 = arith.constant 0 : i32
      %dma_start3A_1312 = arith.constant 0 : i32
      %dma_start3A_1313 = tpu.memref_slice %arg7[%dma_start3A_1310, %dma_start3A_1311, %dma_start3A_1312] : memref<8x50x64xf32, #tpu.memory_space<vmem>> -> memref<1x50x64xf32, #tpu.memory_space<vmem>>
      %dma_start3A_1314 = tpu.memref_squeeze %dma_start3A_1313 : memref<1x50x64xf32, #tpu.memory_space<vmem>> -> memref<50x64xf32, #tpu.memory_space<vmem>>
      %dma_start3A_1315 = arith.constant 0 : i32
      %dma_start3A_1316 = tpu.memref_slice %arg5[%add3A_1309, %dma_start3A_1315] : memref<512x50xi32, #tpu.memory_space<vmem>> -> memref<1x50xi32, #tpu.memory_space<vmem>>
      %dma_start3A_1317 = tpu.memref_squeeze %dma_start3A_1316 : memref<1x50xi32, #tpu.memory_space<vmem>> -> memref<50xi32, #tpu.memory_space<vmem>>
      %dma_start3A_1318 = arith.constant 0 : i32
      %dma_start3A_1319 = arith.constant 0 : i32
      %dma_start3A_1320 = tpu.memref_slice %arg2[%dma_start3A_1318, %dma_start3A_1319] : memref<1000000x64xf32, #tpu.memory_space<hbm>> -> memref<1000000x64xf32, #tpu.memory_space<hbm>>
      tpu.enqueue_indirect_dma source(%dma_start3A_1320 : memref<1000000x64xf32, #tpu.memory_space<hbm>>) target(%dma_start3A_1314 : memref<50x64xf32, #tpu.memory_space<vmem>>) offsets(%dma_start3A_1317 : memref<50xi32, #tpu.memory_space<vmem>>) semaphore(%arg10 : memref<!tpu.dma_semaphore, #tpu.memory_space<semaphore_mem>>)
      %mul3A_1321 = arith.constant 3 : i32
      %mul3A_1322 = arith.muli %mul3A_1321, %scan3A_838 : i32
      %add3A_1323 = arith.constant 1 : i32
      %add3A_1324 = arith.addi %mul3A_1322, %add3A_1323 : i32
      %add3A_1325 = arith.constant 2 : i32
      %add3A_1326 = arith.addi %add3A_1324, %add3A_1325 : i32
      %dma_wait3A_1327 = arith.constant 0 : i32
      %dma_wait3A_1328 = arith.constant 0 : i32
      %dma_wait3A_1329 = arith.constant 0 : i32
      %dma_wait3A_1330 = arith.constant 0 : i32
      %dma_wait3A_1331 = tpu.memref_slice %arg6[%dma_wait3A_1328, %dma_wait3A_1329, %dma_wait3A_1330] : memref<8x50x64xf32, #tpu.memory_space<vmem>> -> memref<1x50x64xf32, #tpu.memory_space<vmem>>
      %dma_wait3A_1332 = tpu.memref_squeeze %dma_wait3A_1331 : memref<1x50x64xf32, #tpu.memory_space<vmem>> -> memref<50x64xf32, #tpu.memory_space<vmem>>
      %dma_wait3A_1333 = arith.constant 0 : i32
      %dma_wait3A_1334 = tpu.memref_slice %arg5[%dma_wait3A_1327, %dma_wait3A_1333] : memref<512x50xi32, #tpu.memory_space<vmem>> -> memref<1x50xi32, #tpu.memory_space<vmem>>
      %dma_wait3A_1335 = tpu.memref_squeeze %dma_wait3A_1334 : memref<1x50xi32, #tpu.memory_space<vmem>> -> memref<50xi32, #tpu.memory_space<vmem>>
      %dma_wait3A_1336 = arith.constant 0 : i32
      %dma_wait3A_1337 = arith.constant 0 : i32
      %dma_wait3A_1338 = tpu.memref_slice %arg2[%dma_wait3A_1336, %dma_wait3A_1337] : memref<1000000x64xf32, #tpu.memory_space<hbm>> -> memref<1000000x64xf32, #tpu.memory_space<hbm>>
      tpu.wait_indirect_dma semaphore(%arg9 : memref<!tpu.dma_semaphore, #tpu.memory_space<semaphore_mem>>) src(%dma_wait3A_1338 : memref<1000000x64xf32, #tpu.memory_space<hbm>>) dst(%dma_wait3A_1332 : memref<50x64xf32, #tpu.memory_space<vmem>>)
      %dma_wait3A_1339 = arith.constant 0 : i32
      %dma_wait3A_1340 = arith.constant 1 : i32
      %dma_wait3A_1341 = arith.constant 0 : i32
      %dma_wait3A_1342 = arith.constant 0 : i32
      %dma_wait3A_1343 = tpu.memref_slice %arg6[%dma_wait3A_1340, %dma_wait3A_1341, %dma_wait3A_1342] : memref<8x50x64xf32, #tpu.memory_space<vmem>> -> memref<1x50x64xf32, #tpu.memory_space<vmem>>
      %dma_wait3A_1344 = tpu.memref_squeeze %dma_wait3A_1343 : memref<1x50x64xf32, #tpu.memory_space<vmem>> -> memref<50x64xf32, #tpu.memory_space<vmem>>
      %dma_wait3A_1345 = arith.constant 0 : i32
      %dma_wait3A_1346 = tpu.memref_slice %arg5[%dma_wait3A_1339, %dma_wait3A_1345] : memref<512x50xi32, #tpu.memory_space<vmem>> -> memref<1x50xi32, #tpu.memory_space<vmem>>
      %dma_wait3A_1347 = tpu.memref_squeeze %dma_wait3A_1346 : memref<1x50xi32, #tpu.memory_space<vmem>> -> memref<50xi32, #tpu.memory_space<vmem>>
      %dma_wait3A_1348 = arith.constant 0 : i32
      %dma_wait3A_1349 = arith.constant 0 : i32
      %dma_wait3A_1350 = tpu.memref_slice %arg2[%dma_wait3A_1348, %dma_wait3A_1349] : memref<1000000x64xf32, #tpu.memory_space<hbm>> -> memref<1000000x64xf32, #tpu.memory_space<hbm>>
      tpu.wait_indirect_dma semaphore(%arg9 : memref<!tpu.dma_semaphore, #tpu.memory_space<semaphore_mem>>) src(%dma_wait3A_1350 : memref<1000000x64xf32, #tpu.memory_space<hbm>>) dst(%dma_wait3A_1344 : memref<50x64xf32, #tpu.memory_space<vmem>>)
      %dma_wait3A_1351 = arith.constant 0 : i32
      %dma_wait3A_1352 = arith.constant 2 : i32
      %dma_wait3A_1353 = arith.constant 0 : i32
      %dma_wait3A_1354 = arith.constant 0 : i32
      %dma_wait3A_1355 = tpu.memref_slice %arg6[%dma_wait3A_1352, %dma_wait3A_1353, %dma_wait3A_1354] : memref<8x50x64xf32, #tpu.memory_space<vmem>> -> memref<1x50x64xf32, #tpu.memory_space<vmem>>
      %dma_wait3A_1356 = tpu.memref_squeeze %dma_wait3A_1355 : memref<1x50x64xf32, #tpu.memory_space<vmem>> -> memref<50x64xf32, #tpu.memory_space<vmem>>
      %dma_wait3A_1357 = arith.constant 0 : i32
      %dma_wait3A_1358 = tpu.memref_slice %arg5[%dma_wait3A_1351, %dma_wait3A_1357] : memref<512x50xi32, #tpu.memory_space<vmem>> -> memref<1x50xi32, #tpu.memory_space<vmem>>
      %dma_wait3A_1359 = tpu.memref_squeeze %dma_wait3A_1358 : memref<1x50xi32, #tpu.memory_space<vmem>> -> memref<50xi32, #tpu.memory_space<vmem>>
      %dma_wait3A_1360 = arith.constant 0 : i32
      %dma_wait3A_1361 = arith.constant 0 : i32
      %dma_wait3A_1362 = tpu.memref_slice %arg2[%dma_wait3A_1360, %dma_wait3A_1361] : memref<1000000x64xf32, #tpu.memory_space<hbm>> -> memref<1000000x64xf32, #tpu.memory_space<hbm>>
      tpu.wait_indirect_dma semaphore(%arg9 : memref<!tpu.dma_semaphore, #tpu.memory_space<semaphore_mem>>) src(%dma_wait3A_1362 : memref<1000000x64xf32, #tpu.memory_space<hbm>>) dst(%dma_wait3A_1356 : memref<50x64xf32, #tpu.memory_space<vmem>>)
      %dma_wait3A_1363 = arith.constant 0 : i32
      %dma_wait3A_1364 = arith.constant 3 : i32
      %dma_wait3A_1365 = arith.constant 0 : i32
      %dma_wait3A_1366 = arith.constant 0 : i32
      %dma_wait3A_1367 = tpu.memref_slice %arg6[%dma_wait3A_1364, %dma_wait3A_1365, %dma_wait3A_1366] : memref<8x50x64xf32, #tpu.memory_space<vmem>> -> memref<1x50x64xf32, #tpu.memory_space<vmem>>
      %dma_wait3A_1368 = tpu.memref_squeeze %dma_wait3A_1367 : memref<1x50x64xf32, #tpu.memory_space<vmem>> -> memref<50x64xf32, #tpu.memory_space<vmem>>
      %dma_wait3A_1369 = arith.constant 0 : i32
      %dma_wait3A_1370 = tpu.memref_slice %arg5[%dma_wait3A_1363, %dma_wait3A_1369] : memref<512x50xi32, #tpu.memory_space<vmem>> -> memref<1x50xi32, #tpu.memory_space<vmem>>
      %dma_wait3A_1371 = tpu.memref_squeeze %dma_wait3A_1370 : memref<1x50xi32, #tpu.memory_space<vmem>> -> memref<50xi32, #tpu.memory_space<vmem>>
      %dma_wait3A_1372 = arith.constant 0 : i32
      %dma_wait3A_1373 = arith.constant 0 : i32
      %dma_wait3A_1374 = tpu.memref_slice %arg2[%dma_wait3A_1372, %dma_wait3A_1373] : memref<1000000x64xf32, #tpu.memory_space<hbm>> -> memref<1000000x64xf32, #tpu.memory_space<hbm>>
      tpu.wait_indirect_dma semaphore(%arg9 : memref<!tpu.dma_semaphore, #tpu.memory_space<semaphore_mem>>) src(%dma_wait3A_1374 : memref<1000000x64xf32, #tpu.memory_space<hbm>>) dst(%dma_wait3A_1368 : memref<50x64xf32, #tpu.memory_space<vmem>>)
      %dma_wait3A_1375 = arith.constant 0 : i32
      %dma_wait3A_1376 = arith.constant 4 : i32
      %dma_wait3A_1377 = arith.constant 0 : i32
      %dma_wait3A_1378 = arith.constant 0 : i32
      %dma_wait3A_1379 = tpu.memref_slice %arg6[%dma_wait3A_1376, %dma_wait3A_1377, %dma_wait3A_1378] : memref<8x50x64xf32, #tpu.memory_space<vmem>> -> memref<1x50x64xf32, #tpu.memory_space<vmem>>
      %dma_wait3A_1380 = tpu.memref_squeeze %dma_wait3A_1379 : memref<1x50x64xf32, #tpu.memory_space<vmem>> -> memref<50x64xf32, #tpu.memory_space<vmem>>
      %dma_wait3A_1381 = arith.constant 0 : i32
      %dma_wait3A_1382 = tpu.memref_slice %arg5[%dma_wait3A_1375, %dma_wait3A_1381] : memref<512x50xi32, #tpu.memory_space<vmem>> -> memref<1x50xi32, #tpu.memory_space<vmem>>
      %dma_wait3A_1383 = tpu.memref_squeeze %dma_wait3A_1382 : memref<1x50xi32, #tpu.memory_space<vmem>> -> memref<50xi32, #tpu.memory_space<vmem>>
      %dma_wait3A_1384 = arith.constant 0 : i32
      %dma_wait3A_1385 = arith.constant 0 : i32
      %dma_wait3A_1386 = tpu.memref_slice %arg2[%dma_wait3A_1384, %dma_wait3A_1385] : memref<1000000x64xf32, #tpu.memory_space<hbm>> -> memref<1000000x64xf32, #tpu.memory_space<hbm>>
      tpu.wait_indirect_dma semaphore(%arg9 : memref<!tpu.dma_semaphore, #tpu.memory_space<semaphore_mem>>) src(%dma_wait3A_1386 : memref<1000000x64xf32, #tpu.memory_space<hbm>>) dst(%dma_wait3A_1380 : memref<50x64xf32, #tpu.memory_space<vmem>>)
      %dma_wait3A_1387 = arith.constant 0 : i32
      %dma_wait3A_1388 = arith.constant 5 : i32
      %dma_wait3A_1389 = arith.constant 0 : i32
      %dma_wait3A_1390 = arith.constant 0 : i32
      %dma_wait3A_1391 = tpu.memref_slice %arg6[%dma_wait3A_1388, %dma_wait3A_1389, %dma_wait3A_1390] : memref<8x50x64xf32, #tpu.memory_space<vmem>> -> memref<1x50x64xf32, #tpu.memory_space<vmem>>
      %dma_wait3A_1392 = tpu.memref_squeeze %dma_wait3A_1391 : memref<1x50x64xf32, #tpu.memory_space<vmem>> -> memref<50x64xf32, #tpu.memory_space<vmem>>
      %dma_wait3A_1393 = arith.constant 0 : i32
      %dma_wait3A_1394 = tpu.memref_slice %arg5[%dma_wait3A_1387, %dma_wait3A_1393] : memref<512x50xi32, #tpu.memory_space<vmem>> -> memref<1x50xi32, #tpu.memory_space<vmem>>
      %dma_wait3A_1395 = tpu.memref_squeeze %dma_wait3A_1394 : memref<1x50xi32, #tpu.memory_space<vmem>> -> memref<50xi32, #tpu.memory_space<vmem>>
      %dma_wait3A_1396 = arith.constant 0 : i32
      %dma_wait3A_1397 = arith.constant 0 : i32
      %dma_wait3A_1398 = tpu.memref_slice %arg2[%dma_wait3A_1396, %dma_wait3A_1397] : memref<1000000x64xf32, #tpu.memory_space<hbm>> -> memref<1000000x64xf32, #tpu.memory_space<hbm>>
      tpu.wait_indirect_dma semaphore(%arg9 : memref<!tpu.dma_semaphore, #tpu.memory_space<semaphore_mem>>) src(%dma_wait3A_1398 : memref<1000000x64xf32, #tpu.memory_space<hbm>>) dst(%dma_wait3A_1392 : memref<50x64xf32, #tpu.memory_space<vmem>>)
      %dma_wait3A_1399 = arith.constant 0 : i32
      %dma_wait3A_1400 = arith.constant 6 : i32
      %dma_wait3A_1401 = arith.constant 0 : i32
      %dma_wait3A_1402 = arith.constant 0 : i32
      %dma_wait3A_1403 = tpu.memref_slice %arg6[%dma_wait3A_1400, %dma_wait3A_1401, %dma_wait3A_1402] : memref<8x50x64xf32, #tpu.memory_space<vmem>> -> memref<1x50x64xf32, #tpu.memory_space<vmem>>
      %dma_wait3A_1404 = tpu.memref_squeeze %dma_wait3A_1403 : memref<1x50x64xf32, #tpu.memory_space<vmem>> -> memref<50x64xf32, #tpu.memory_space<vmem>>
      %dma_wait3A_1405 = arith.constant 0 : i32
      %dma_wait3A_1406 = tpu.memref_slice %arg5[%dma_wait3A_1399, %dma_wait3A_1405] : memref<512x50xi32, #tpu.memory_space<vmem>> -> memref<1x50xi32, #tpu.memory_space<vmem>>
      %dma_wait3A_1407 = tpu.memref_squeeze %dma_wait3A_1406 : memref<1x50xi32, #tpu.memory_space<vmem>> -> memref<50xi32, #tpu.memory_space<vmem>>
      %dma_wait3A_1408 = arith.constant 0 : i32
      %dma_wait3A_1409 = arith.constant 0 : i32
      %dma_wait3A_1410 = tpu.memref_slice %arg2[%dma_wait3A_1408, %dma_wait3A_1409] : memref<1000000x64xf32, #tpu.memory_space<hbm>> -> memref<1000000x64xf32, #tpu.memory_space<hbm>>
      tpu.wait_indirect_dma semaphore(%arg9 : memref<!tpu.dma_semaphore, #tpu.memory_space<semaphore_mem>>) src(%dma_wait3A_1410 : memref<1000000x64xf32, #tpu.memory_space<hbm>>) dst(%dma_wait3A_1404 : memref<50x64xf32, #tpu.memory_space<vmem>>)
      %dma_wait3A_1411 = arith.constant 0 : i32
      %dma_wait3A_1412 = arith.constant 7 : i32
      %dma_wait3A_1413 = arith.constant 0 : i32
      %dma_wait3A_1414 = arith.constant 0 : i32
      %dma_wait3A_1415 = tpu.memref_slice %arg6[%dma_wait3A_1412, %dma_wait3A_1413, %dma_wait3A_1414] : memref<8x50x64xf32, #tpu.memory_space<vmem>> -> memref<1x50x64xf32, #tpu.memory_space<vmem>>
      %dma_wait3A_1416 = tpu.memref_squeeze %dma_wait3A_1415 : memref<1x50x64xf32, #tpu.memory_space<vmem>> -> memref<50x64xf32, #tpu.memory_space<vmem>>
      %dma_wait3A_1417 = arith.constant 0 : i32
      %dma_wait3A_1418 = tpu.memref_slice %arg5[%dma_wait3A_1411, %dma_wait3A_1417] : memref<512x50xi32, #tpu.memory_space<vmem>> -> memref<1x50xi32, #tpu.memory_space<vmem>>
      %dma_wait3A_1419 = tpu.memref_squeeze %dma_wait3A_1418 : memref<1x50xi32, #tpu.memory_space<vmem>> -> memref<50xi32, #tpu.memory_space<vmem>>
      %dma_wait3A_1420 = arith.constant 0 : i32
      %dma_wait3A_1421 = arith.constant 0 : i32
      %dma_wait3A_1422 = tpu.memref_slice %arg2[%dma_wait3A_1420, %dma_wait3A_1421] : memref<1000000x64xf32, #tpu.memory_space<hbm>> -> memref<1000000x64xf32, #tpu.memory_space<hbm>>
      tpu.wait_indirect_dma semaphore(%arg9 : memref<!tpu.dma_semaphore, #tpu.memory_space<semaphore_mem>>) src(%dma_wait3A_1422 : memref<1000000x64xf32, #tpu.memory_space<hbm>>) dst(%dma_wait3A_1416 : memref<50x64xf32, #tpu.memory_space<vmem>>)
      %mul3A_1423 = arith.constant 8 : i32
      %mul3A_1424 = arith.muli %add3A_1326, %mul3A_1423 : i32
      %add3A_1425 = arith.addi %mul3A_2, %mul3A_1424 : i32
      %dma_start3A_1426 = arith.constant 0 : i32
      %dma_start3A_1427 = arith.constant 0 : i32
      %dma_start3A_1428 = tpu.memref_slice %arg4[%add3A_1425, %dma_start3A_1426, %dma_start3A_1427] : memref<16384x56x128xf32, #tpu.memory_space<hbm>> -> memref<8x50x64xf32, #tpu.memory_space<hbm>>
      %dma_start3A_1429 = arith.constant 0 : i32
      %dma_start3A_1430 = arith.constant 0 : i32
      %dma_start3A_1431 = tpu.memref_slice %arg4[%add3A_1425, %dma_start3A_1429, %dma_start3A_1430] : memref<16384x56x128xf32, #tpu.memory_space<hbm>> -> memref<8x50x64xf32, #tpu.memory_space<hbm>>
      tpu.enqueue_dma source(%arg6 : memref<8x50x64xf32, #tpu.memory_space<vmem>>) target(%dma_start3A_1431 : memref<8x50x64xf32, #tpu.memory_space<hbm>>) target_semaphore(%arg12 : memref<!tpu.dma_semaphore, #tpu.memory_space<semaphore_mem>>)
      %add3A_1432 = arith.constant 0 : i32
      %add3A_1433 = arith.addi %mul3A_2, %add3A_1432 : i32
      %dma_wait3A_1434 = arith.constant 0 : i32
      %dma_wait3A_1435 = arith.constant 0 : i32
      %dma_wait3A_1436 = tpu.memref_slice %arg4[%add3A_1433, %dma_wait3A_1434, %dma_wait3A_1435] : memref<16384x56x128xf32, #tpu.memory_space<hbm>> -> memref<8x50x64xf32, #tpu.memory_space<hbm>>
      %dma_wait3A_1437 = arith.constant 0 : i32
      %dma_wait3A_1438 = arith.constant 0 : i32
      %dma_wait3A_1439 = tpu.memref_slice %arg4[%add3A_1433, %dma_wait3A_1437, %dma_wait3A_1438] : memref<16384x56x128xf32, #tpu.memory_space<hbm>> -> memref<8x50x64xf32, #tpu.memory_space<hbm>>
      tpu.wait_dma2 semaphore(%arg14 : memref<!tpu.dma_semaphore, #tpu.memory_space<semaphore_mem>>) src(%arg8 : memref<8x50x64xf32, #tpu.memory_space<vmem>>) dst(%dma_wait3A_1439 : memref<8x50x64xf32, #tpu.memory_space<hbm>>)
      %add3A_1440 = arith.constant 2 : i32
      %add3A_1441 = arith.addi %add3A_1326, %add3A_1440 : i32
      %mul3A_1442 = arith.constant 8 : i32
      %mul3A_1443 = arith.muli %add3A_1441, %mul3A_1442 : i32
      %add3A_1444 = arith.constant 0 : i32
      %add3A_1445 = arith.addi %mul3A_1443, %add3A_1444 : i32
      %dma_start3A_1446 = arith.constant 0 : i32
      %dma_start3A_1447 = arith.constant 0 : i32
      %dma_start3A_1448 = arith.constant 0 : i32
      %dma_start3A_1449 = tpu.memref_slice %arg8[%dma_start3A_1446, %dma_start3A_1447, %dma_start3A_1448] : memref<8x50x64xf32, #tpu.memory_space<vmem>> -> memref<1x50x64xf32, #tpu.memory_space<vmem>>
      %dma_start3A_1450 = tpu.memref_squeeze %dma_start3A_1449 : memref<1x50x64xf32, #tpu.memory_space<vmem>> -> memref<50x64xf32, #tpu.memory_space<vmem>>
      %dma_start3A_1451 = arith.constant 0 : i32
      %dma_start3A_1452 = tpu.memref_slice %arg5[%add3A_1445, %dma_start3A_1451] : memref<512x50xi32, #tpu.memory_space<vmem>> -> memref<1x50xi32, #tpu.memory_space<vmem>>
      %dma_start3A_1453 = tpu.memref_squeeze %dma_start3A_1452 : memref<1x50xi32, #tpu.memory_space<vmem>> -> memref<50xi32, #tpu.memory_space<vmem>>
      %dma_start3A_1454 = arith.constant 0 : i32
      %dma_start3A_1455 = arith.constant 0 : i32
      %dma_start3A_1456 = tpu.memref_slice %arg2[%dma_start3A_1454, %dma_start3A_1455] : memref<1000000x64xf32, #tpu.memory_space<hbm>> -> memref<1000000x64xf32, #tpu.memory_space<hbm>>
      tpu.enqueue_indirect_dma source(%dma_start3A_1456 : memref<1000000x64xf32, #tpu.memory_space<hbm>>) target(%dma_start3A_1450 : memref<50x64xf32, #tpu.memory_space<vmem>>) offsets(%dma_start3A_1453 : memref<50xi32, #tpu.memory_space<vmem>>) semaphore(%arg11 : memref<!tpu.dma_semaphore, #tpu.memory_space<semaphore_mem>>)
      %mul3A_1457 = arith.constant 8 : i32
      %mul3A_1458 = arith.muli %add3A_1441, %mul3A_1457 : i32
      %add3A_1459 = arith.constant 1 : i32
      %add3A_1460 = arith.addi %mul3A_1458, %add3A_1459 : i32
      %dma_start3A_1461 = arith.constant 1 : i32
      %dma_start3A_1462 = arith.constant 0 : i32
      %dma_start3A_1463 = arith.constant 0 : i32
      %dma_start3A_1464 = tpu.memref_slice %arg8[%dma_start3A_1461, %dma_start3A_1462, %dma_start3A_1463] : memref<8x50x64xf32, #tpu.memory_space<vmem>> -> memref<1x50x64xf32, #tpu.memory_space<vmem>>
      %dma_start3A_1465 = tpu.memref_squeeze %dma_start3A_1464 : memref<1x50x64xf32, #tpu.memory_space<vmem>> -> memref<50x64xf32, #tpu.memory_space<vmem>>
      %dma_start3A_1466 = arith.constant 0 : i32
      %dma_start3A_1467 = tpu.memref_slice %arg5[%add3A_1460, %dma_start3A_1466] : memref<512x50xi32, #tpu.memory_space<vmem>> -> memref<1x50xi32, #tpu.memory_space<vmem>>
      %dma_start3A_1468 = tpu.memref_squeeze %dma_start3A_1467 : memref<1x50xi32, #tpu.memory_space<vmem>> -> memref<50xi32, #tpu.memory_space<vmem>>
      %dma_start3A_1469 = arith.constant 0 : i32
      %dma_start3A_1470 = arith.constant 0 : i32
      %dma_start3A_1471 = tpu.memref_slice %arg2[%dma_start3A_1469, %dma_start3A_1470] : memref<1000000x64xf32, #tpu.memory_space<hbm>> -> memref<1000000x64xf32, #tpu.memory_space<hbm>>
      tpu.enqueue_indirect_dma source(%dma_start3A_1471 : memref<1000000x64xf32, #tpu.memory_space<hbm>>) target(%dma_start3A_1465 : memref<50x64xf32, #tpu.memory_space<vmem>>) offsets(%dma_start3A_1468 : memref<50xi32, #tpu.memory_space<vmem>>) semaphore(%arg11 : memref<!tpu.dma_semaphore, #tpu.memory_space<semaphore_mem>>)
      %mul3A_1472 = arith.constant 8 : i32
      %mul3A_1473 = arith.muli %add3A_1441, %mul3A_1472 : i32
      %add3A_1474 = arith.constant 2 : i32
      %add3A_1475 = arith.addi %mul3A_1473, %add3A_1474 : i32
      %dma_start3A_1476 = arith.constant 2 : i32
      %dma_start3A_1477 = arith.constant 0 : i32
      %dma_start3A_1478 = arith.constant 0 : i32
      %dma_start3A_1479 = tpu.memref_slice %arg8[%dma_start3A_1476, %dma_start3A_1477, %dma_start3A_1478] : memref<8x50x64xf32, #tpu.memory_space<vmem>> -> memref<1x50x64xf32, #tpu.memory_space<vmem>>
      %dma_start3A_1480 = tpu.memref_squeeze %dma_start3A_1479 : memref<1x50x64xf32, #tpu.memory_space<vmem>> -> memref<50x64xf32, #tpu.memory_space<vmem>>
      %dma_start3A_1481 = arith.constant 0 : i32
      %dma_start3A_1482 = tpu.memref_slice %arg5[%add3A_1475, %dma_start3A_1481] : memref<512x50xi32, #tpu.memory_space<vmem>> -> memref<1x50xi32, #tpu.memory_space<vmem>>
      %dma_start3A_1483 = tpu.memref_squeeze %dma_start3A_1482 : memref<1x50xi32, #tpu.memory_space<vmem>> -> memref<50xi32, #tpu.memory_space<vmem>>
      %dma_start3A_1484 = arith.constant 0 : i32
      %dma_start3A_1485 = arith.constant 0 : i32
      %dma_start3A_1486 = tpu.memref_slice %arg2[%dma_start3A_1484, %dma_start3A_1485] : memref<1000000x64xf32, #tpu.memory_space<hbm>> -> memref<1000000x64xf32, #tpu.memory_space<hbm>>
      tpu.enqueue_indirect_dma source(%dma_start3A_1486 : memref<1000000x64xf32, #tpu.memory_space<hbm>>) target(%dma_start3A_1480 : memref<50x64xf32, #tpu.memory_space<vmem>>) offsets(%dma_start3A_1483 : memref<50xi32, #tpu.memory_space<vmem>>) semaphore(%arg11 : memref<!tpu.dma_semaphore, #tpu.memory_space<semaphore_mem>>)
      %mul3A_1487 = arith.constant 8 : i32
      %mul3A_1488 = arith.muli %add3A_1441, %mul3A_1487 : i32
      %add3A_1489 = arith.constant 3 : i32
      %add3A_1490 = arith.addi %mul3A_1488, %add3A_1489 : i32
      %dma_start3A_1491 = arith.constant 3 : i32
      %dma_start3A_1492 = arith.constant 0 : i32
      %dma_start3A_1493 = arith.constant 0 : i32
      %dma_start3A_1494 = tpu.memref_slice %arg8[%dma_start3A_1491, %dma_start3A_1492, %dma_start3A_1493] : memref<8x50x64xf32, #tpu.memory_space<vmem>> -> memref<1x50x64xf32, #tpu.memory_space<vmem>>
      %dma_start3A_1495 = tpu.memref_squeeze %dma_start3A_1494 : memref<1x50x64xf32, #tpu.memory_space<vmem>> -> memref<50x64xf32, #tpu.memory_space<vmem>>
      %dma_start3A_1496 = arith.constant 0 : i32
      %dma_start3A_1497 = tpu.memref_slice %arg5[%add3A_1490, %dma_start3A_1496] : memref<512x50xi32, #tpu.memory_space<vmem>> -> memref<1x50xi32, #tpu.memory_space<vmem>>
      %dma_start3A_1498 = tpu.memref_squeeze %dma_start3A_1497 : memref<1x50xi32, #tpu.memory_space<vmem>> -> memref<50xi32, #tpu.memory_space<vmem>>
      %dma_start3A_1499 = arith.constant 0 : i32
      %dma_start3A_1500 = arith.constant 0 : i32
      %dma_start3A_1501 = tpu.memref_slice %arg2[%dma_start3A_1499, %dma_start3A_1500] : memref<1000000x64xf32, #tpu.memory_space<hbm>> -> memref<1000000x64xf32, #tpu.memory_space<hbm>>
      tpu.enqueue_indirect_dma source(%dma_start3A_1501 : memref<1000000x64xf32, #tpu.memory_space<hbm>>) target(%dma_start3A_1495 : memref<50x64xf32, #tpu.memory_space<vmem>>) offsets(%dma_start3A_1498 : memref<50xi32, #tpu.memory_space<vmem>>) semaphore(%arg11 : memref<!tpu.dma_semaphore, #tpu.memory_space<semaphore_mem>>)
      %mul3A_1502 = arith.constant 8 : i32
      %mul3A_1503 = arith.muli %add3A_1441, %mul3A_1502 : i32
      %add3A_1504 = arith.constant 4 : i32
      %add3A_1505 = arith.addi %mul3A_1503, %add3A_1504 : i32
      %dma_start3A_1506 = arith.constant 4 : i32
      %dma_start3A_1507 = arith.constant 0 : i32
      %dma_start3A_1508 = arith.constant 0 : i32
      %dma_start3A_1509 = tpu.memref_slice %arg8[%dma_start3A_1506, %dma_start3A_1507, %dma_start3A_1508] : memref<8x50x64xf32, #tpu.memory_space<vmem>> -> memref<1x50x64xf32, #tpu.memory_space<vmem>>
      %dma_start3A_1510 = tpu.memref_squeeze %dma_start3A_1509 : memref<1x50x64xf32, #tpu.memory_space<vmem>> -> memref<50x64xf32, #tpu.memory_space<vmem>>
      %dma_start3A_1511 = arith.constant 0 : i32
      %dma_start3A_1512 = tpu.memref_slice %arg5[%add3A_1505, %dma_start3A_1511] : memref<512x50xi32, #tpu.memory_space<vmem>> -> memref<1x50xi32, #tpu.memory_space<vmem>>
      %dma_start3A_1513 = tpu.memref_squeeze %dma_start3A_1512 : memref<1x50xi32, #tpu.memory_space<vmem>> -> memref<50xi32, #tpu.memory_space<vmem>>
      %dma_start3A_1514 = arith.constant 0 : i32
      %dma_start3A_1515 = arith.constant 0 : i32
      %dma_start3A_1516 = tpu.memref_slice %arg2[%dma_start3A_1514, %dma_start3A_1515] : memref<1000000x64xf32, #tpu.memory_space<hbm>> -> memref<1000000x64xf32, #tpu.memory_space<hbm>>
      tpu.enqueue_indirect_dma source(%dma_start3A_1516 : memref<1000000x64xf32, #tpu.memory_space<hbm>>) target(%dma_start3A_1510 : memref<50x64xf32, #tpu.memory_space<vmem>>) offsets(%dma_start3A_1513 : memref<50xi32, #tpu.memory_space<vmem>>) semaphore(%arg11 : memref<!tpu.dma_semaphore, #tpu.memory_space<semaphore_mem>>)
      %mul3A_1517 = arith.constant 8 : i32
      %mul3A_1518 = arith.muli %add3A_1441, %mul3A_1517 : i32
      %add3A_1519 = arith.constant 5 : i32
      %add3A_1520 = arith.addi %mul3A_1518, %add3A_1519 : i32
      %dma_start3A_1521 = arith.constant 5 : i32
      %dma_start3A_1522 = arith.constant 0 : i32
      %dma_start3A_1523 = arith.constant 0 : i32
      %dma_start3A_1524 = tpu.memref_slice %arg8[%dma_start3A_1521, %dma_start3A_1522, %dma_start3A_1523] : memref<8x50x64xf32, #tpu.memory_space<vmem>> -> memref<1x50x64xf32, #tpu.memory_space<vmem>>
      %dma_start3A_1525 = tpu.memref_squeeze %dma_start3A_1524 : memref<1x50x64xf32, #tpu.memory_space<vmem>> -> memref<50x64xf32, #tpu.memory_space<vmem>>
      %dma_start3A_1526 = arith.constant 0 : i32
      %dma_start3A_1527 = tpu.memref_slice %arg5[%add3A_1520, %dma_start3A_1526] : memref<512x50xi32, #tpu.memory_space<vmem>> -> memref<1x50xi32, #tpu.memory_space<vmem>>
      %dma_start3A_1528 = tpu.memref_squeeze %dma_start3A_1527 : memref<1x50xi32, #tpu.memory_space<vmem>> -> memref<50xi32, #tpu.memory_space<vmem>>
      %dma_start3A_1529 = arith.constant 0 : i32
      %dma_start3A_1530 = arith.constant 0 : i32
      %dma_start3A_1531 = tpu.memref_slice %arg2[%dma_start3A_1529, %dma_start3A_1530] : memref<1000000x64xf32, #tpu.memory_space<hbm>> -> memref<1000000x64xf32, #tpu.memory_space<hbm>>
      tpu.enqueue_indirect_dma source(%dma_start3A_1531 : memref<1000000x64xf32, #tpu.memory_space<hbm>>) target(%dma_start3A_1525 : memref<50x64xf32, #tpu.memory_space<vmem>>) offsets(%dma_start3A_1528 : memref<50xi32, #tpu.memory_space<vmem>>) semaphore(%arg11 : memref<!tpu.dma_semaphore, #tpu.memory_space<semaphore_mem>>)
      %mul3A_1532 = arith.constant 8 : i32
      %mul3A_1533 = arith.muli %add3A_1441, %mul3A_1532 : i32
      %add3A_1534 = arith.constant 6 : i32
      %add3A_1535 = arith.addi %mul3A_1533, %add3A_1534 : i32
      %dma_start3A_1536 = arith.constant 6 : i32
      %dma_start3A_1537 = arith.constant 0 : i32
      %dma_start3A_1538 = arith.constant 0 : i32
      %dma_start3A_1539 = tpu.memref_slice %arg8[%dma_start3A_1536, %dma_start3A_1537, %dma_start3A_1538] : memref<8x50x64xf32, #tpu.memory_space<vmem>> -> memref<1x50x64xf32, #tpu.memory_space<vmem>>
      %dma_start3A_1540 = tpu.memref_squeeze %dma_start3A_1539 : memref<1x50x64xf32, #tpu.memory_space<vmem>> -> memref<50x64xf32, #tpu.memory_space<vmem>>
      %dma_start3A_1541 = arith.constant 0 : i32
      %dma_start3A_1542 = tpu.memref_slice %arg5[%add3A_1535, %dma_start3A_1541] : memref<512x50xi32, #tpu.memory_space<vmem>> -> memref<1x50xi32, #tpu.memory_space<vmem>>
      %dma_start3A_1543 = tpu.memref_squeeze %dma_start3A_1542 : memref<1x50xi32, #tpu.memory_space<vmem>> -> memref<50xi32, #tpu.memory_space<vmem>>
      %dma_start3A_1544 = arith.constant 0 : i32
      %dma_start3A_1545 = arith.constant 0 : i32
      %dma_start3A_1546 = tpu.memref_slice %arg2[%dma_start3A_1544, %dma_start3A_1545] : memref<1000000x64xf32, #tpu.memory_space<hbm>> -> memref<1000000x64xf32, #tpu.memory_space<hbm>>
      tpu.enqueue_indirect_dma source(%dma_start3A_1546 : memref<1000000x64xf32, #tpu.memory_space<hbm>>) target(%dma_start3A_1540 : memref<50x64xf32, #tpu.memory_space<vmem>>) offsets(%dma_start3A_1543 : memref<50xi32, #tpu.memory_space<vmem>>) semaphore(%arg11 : memref<!tpu.dma_semaphore, #tpu.memory_space<semaphore_mem>>)
      %mul3A_1547 = arith.constant 8 : i32
      %mul3A_1548 = arith.muli %add3A_1441, %mul3A_1547 : i32
      %add3A_1549 = arith.constant 7 : i32
      %add3A_1550 = arith.addi %mul3A_1548, %add3A_1549 : i32
      %dma_start3A_1551 = arith.constant 7 : i32
      %dma_start3A_1552 = arith.constant 0 : i32
      %dma_start3A_1553 = arith.constant 0 : i32
      %dma_start3A_1554 = tpu.memref_slice %arg8[%dma_start3A_1551, %dma_start3A_1552, %dma_start3A_1553] : memref<8x50x64xf32, #tpu.memory_space<vmem>> -> memref<1x50x64xf32, #tpu.memory_space<vmem>>
      %dma_start3A_1555 = tpu.memref_squeeze %dma_start3A_1554 : memref<1x50x64xf32, #tpu.memory_space<vmem>> -> memref<50x64xf32, #tpu.memory_space<vmem>>
      %dma_start3A_1556 = arith.constant 0 : i32
      %dma_start3A_1557 = tpu.memref_slice %arg5[%add3A_1550, %dma_start3A_1556] : memref<512x50xi32, #tpu.memory_space<vmem>> -> memref<1x50xi32, #tpu.memory_space<vmem>>
      %dma_start3A_1558 = tpu.memref_squeeze %dma_start3A_1557 : memref<1x50xi32, #tpu.memory_space<vmem>> -> memref<50xi32, #tpu.memory_space<vmem>>
      %dma_start3A_1559 = arith.constant 0 : i32
      %dma_start3A_1560 = arith.constant 0 : i32
      %dma_start3A_1561 = tpu.memref_slice %arg2[%dma_start3A_1559, %dma_start3A_1560] : memref<1000000x64xf32, #tpu.memory_space<hbm>> -> memref<1000000x64xf32, #tpu.memory_space<hbm>>
      tpu.enqueue_indirect_dma source(%dma_start3A_1561 : memref<1000000x64xf32, #tpu.memory_space<hbm>>) target(%dma_start3A_1555 : memref<50x64xf32, #tpu.memory_space<vmem>>) offsets(%dma_start3A_1558 : memref<50xi32, #tpu.memory_space<vmem>>) semaphore(%arg11 : memref<!tpu.dma_semaphore, #tpu.memory_space<semaphore_mem>>)
    }
    %scan3A_397 = arith.constant 20 : i32
    %add3A_398 = arith.constant 0 : i32
    %add3A_399 = arith.addi %mul3A_2, %add3A_398 : i32
    %dma_wait3A_400 = arith.constant 0 : i32
    %dma_wait3A_401 = arith.constant 0 : i32
    %dma_wait3A_402 = tpu.memref_slice %arg4[%add3A_399, %dma_wait3A_400, %dma_wait3A_401] : memref<16384x56x128xf32, #tpu.memory_space<hbm>> -> memref<8x50x64xf32, #tpu.memory_space<hbm>>
    %dma_wait3A_403 = arith.constant 0 : i32
    %dma_wait3A_404 = arith.constant 0 : i32
    %dma_wait3A_405 = tpu.memref_slice %arg4[%add3A_399, %dma_wait3A_403, %dma_wait3A_404] : memref<16384x56x128xf32, #tpu.memory_space<hbm>> -> memref<8x50x64xf32, #tpu.memory_space<hbm>>
    tpu.wait_dma2 semaphore(%arg12 : memref<!tpu.dma_semaphore, #tpu.memory_space<semaphore_mem>>) src(%arg6 : memref<8x50x64xf32, #tpu.memory_space<vmem>>) dst(%dma_wait3A_405 : memref<8x50x64xf32, #tpu.memory_space<hbm>>)
    %dma_start3A_406 = arith.constant 504 : i32
    %dma_start3A_407 = arith.constant 0 : i32
    %dma_start3A_408 = arith.constant 0 : i32
    %dma_start3A_409 = arith.constant 0 : i32
    %dma_start3A_410 = tpu.memref_slice %arg6[%dma_start3A_407, %dma_start3A_408, %dma_start3A_409] : memref<8x50x64xf32, #tpu.memory_space<vmem>> -> memref<1x50x64xf32, #tpu.memory_space<vmem>>
    %dma_start3A_411 = tpu.memref_squeeze %dma_start3A_410 : memref<1x50x64xf32, #tpu.memory_space<vmem>> -> memref<50x64xf32, #tpu.memory_space<vmem>>
    %dma_start3A_412 = arith.constant 0 : i32
    %dma_start3A_413 = tpu.memref_slice %arg5[%dma_start3A_406, %dma_start3A_412] : memref<512x50xi32, #tpu.memory_space<vmem>> -> memref<1x50xi32, #tpu.memory_space<vmem>>
    %dma_start3A_414 = tpu.memref_squeeze %dma_start3A_413 : memref<1x50xi32, #tpu.memory_space<vmem>> -> memref<50xi32, #tpu.memory_space<vmem>>
    %dma_start3A_415 = arith.constant 0 : i32
    %dma_start3A_416 = arith.constant 0 : i32
    %dma_start3A_417 = tpu.memref_slice %arg2[%dma_start3A_415, %dma_start3A_416] : memref<1000000x64xf32, #tpu.memory_space<hbm>> -> memref<1000000x64xf32, #tpu.memory_space<hbm>>
    tpu.enqueue_indirect_dma source(%dma_start3A_417 : memref<1000000x64xf32, #tpu.memory_space<hbm>>) target(%dma_start3A_411 : memref<50x64xf32, #tpu.memory_space<vmem>>) offsets(%dma_start3A_414 : memref<50xi32, #tpu.memory_space<vmem>>) semaphore(%arg9 : memref<!tpu.dma_semaphore, #tpu.memory_space<semaphore_mem>>)
    %dma_start3A_418 = arith.constant 505 : i32
    %dma_start3A_419 = arith.constant 1 : i32
    %dma_start3A_420 = arith.constant 0 : i32
    %dma_start3A_421 = arith.constant 0 : i32
    %dma_start3A_422 = tpu.memref_slice %arg6[%dma_start3A_419, %dma_start3A_420, %dma_start3A_421] : memref<8x50x64xf32, #tpu.memory_space<vmem>> -> memref<1x50x64xf32, #tpu.memory_space<vmem>>
    %dma_start3A_423 = tpu.memref_squeeze %dma_start3A_422 : memref<1x50x64xf32, #tpu.memory_space<vmem>> -> memref<50x64xf32, #tpu.memory_space<vmem>>
    %dma_start3A_424 = arith.constant 0 : i32
    %dma_start3A_425 = tpu.memref_slice %arg5[%dma_start3A_418, %dma_start3A_424] : memref<512x50xi32, #tpu.memory_space<vmem>> -> memref<1x50xi32, #tpu.memory_space<vmem>>
    %dma_start3A_426 = tpu.memref_squeeze %dma_start3A_425 : memref<1x50xi32, #tpu.memory_space<vmem>> -> memref<50xi32, #tpu.memory_space<vmem>>
    %dma_start3A_427 = arith.constant 0 : i32
    %dma_start3A_428 = arith.constant 0 : i32
    %dma_start3A_429 = tpu.memref_slice %arg2[%dma_start3A_427, %dma_start3A_428] : memref<1000000x64xf32, #tpu.memory_space<hbm>> -> memref<1000000x64xf32, #tpu.memory_space<hbm>>
    tpu.enqueue_indirect_dma source(%dma_start3A_429 : memref<1000000x64xf32, #tpu.memory_space<hbm>>) target(%dma_start3A_423 : memref<50x64xf32, #tpu.memory_space<vmem>>) offsets(%dma_start3A_426 : memref<50xi32, #tpu.memory_space<vmem>>) semaphore(%arg9 : memref<!tpu.dma_semaphore, #tpu.memory_space<semaphore_mem>>)
    %dma_start3A_430 = arith.constant 506 : i32
    %dma_start3A_431 = arith.constant 2 : i32
    %dma_start3A_432 = arith.constant 0 : i32
    %dma_start3A_433 = arith.constant 0 : i32
    %dma_start3A_434 = tpu.memref_slice %arg6[%dma_start3A_431, %dma_start3A_432, %dma_start3A_433] : memref<8x50x64xf32, #tpu.memory_space<vmem>> -> memref<1x50x64xf32, #tpu.memory_space<vmem>>
    %dma_start3A_435 = tpu.memref_squeeze %dma_start3A_434 : memref<1x50x64xf32, #tpu.memory_space<vmem>> -> memref<50x64xf32, #tpu.memory_space<vmem>>
    %dma_start3A_436 = arith.constant 0 : i32
    %dma_start3A_437 = tpu.memref_slice %arg5[%dma_start3A_430, %dma_start3A_436] : memref<512x50xi32, #tpu.memory_space<vmem>> -> memref<1x50xi32, #tpu.memory_space<vmem>>
    %dma_start3A_438 = tpu.memref_squeeze %dma_start3A_437 : memref<1x50xi32, #tpu.memory_space<vmem>> -> memref<50xi32, #tpu.memory_space<vmem>>
    %dma_start3A_439 = arith.constant 0 : i32
    %dma_start3A_440 = arith.constant 0 : i32
    %dma_start3A_441 = tpu.memref_slice %arg2[%dma_start3A_439, %dma_start3A_440] : memref<1000000x64xf32, #tpu.memory_space<hbm>> -> memref<1000000x64xf32, #tpu.memory_space<hbm>>
    tpu.enqueue_indirect_dma source(%dma_start3A_441 : memref<1000000x64xf32, #tpu.memory_space<hbm>>) target(%dma_start3A_435 : memref<50x64xf32, #tpu.memory_space<vmem>>) offsets(%dma_start3A_438 : memref<50xi32, #tpu.memory_space<vmem>>) semaphore(%arg9 : memref<!tpu.dma_semaphore, #tpu.memory_space<semaphore_mem>>)
    %dma_start3A_442 = arith.constant 507 : i32
    %dma_start3A_443 = arith.constant 3 : i32
    %dma_start3A_444 = arith.constant 0 : i32
    %dma_start3A_445 = arith.constant 0 : i32
    %dma_start3A_446 = tpu.memref_slice %arg6[%dma_start3A_443, %dma_start3A_444, %dma_start3A_445] : memref<8x50x64xf32, #tpu.memory_space<vmem>> -> memref<1x50x64xf32, #tpu.memory_space<vmem>>
    %dma_start3A_447 = tpu.memref_squeeze %dma_start3A_446 : memref<1x50x64xf32, #tpu.memory_space<vmem>> -> memref<50x64xf32, #tpu.memory_space<vmem>>
    %dma_start3A_448 = arith.constant 0 : i32
    %dma_start3A_449 = tpu.memref_slice %arg5[%dma_start3A_442, %dma_start3A_448] : memref<512x50xi32, #tpu.memory_space<vmem>> -> memref<1x50xi32, #tpu.memory_space<vmem>>
    %dma_start3A_450 = tpu.memref_squeeze %dma_start3A_449 : memref<1x50xi32, #tpu.memory_space<vmem>> -> memref<50xi32, #tpu.memory_space<vmem>>
    %dma_start3A_451 = arith.constant 0 : i32
    %dma_start3A_452 = arith.constant 0 : i32
    %dma_start3A_453 = tpu.memref_slice %arg2[%dma_start3A_451, %dma_start3A_452] : memref<1000000x64xf32, #tpu.memory_space<hbm>> -> memref<1000000x64xf32, #tpu.memory_space<hbm>>
    tpu.enqueue_indirect_dma source(%dma_start3A_453 : memref<1000000x64xf32, #tpu.memory_space<hbm>>) target(%dma_start3A_447 : memref<50x64xf32, #tpu.memory_space<vmem>>) offsets(%dma_start3A_450 : memref<50xi32, #tpu.memory_space<vmem>>) semaphore(%arg9 : memref<!tpu.dma_semaphore, #tpu.memory_space<semaphore_mem>>)
    %dma_start3A_454 = arith.constant 508 : i32
    %dma_start3A_455 = arith.constant 4 : i32
    %dma_start3A_456 = arith.constant 0 : i32
    %dma_start3A_457 = arith.constant 0 : i32
    %dma_start3A_458 = tpu.memref_slice %arg6[%dma_start3A_455, %dma_start3A_456, %dma_start3A_457] : memref<8x50x64xf32, #tpu.memory_space<vmem>> -> memref<1x50x64xf32, #tpu.memory_space<vmem>>
    %dma_start3A_459 = tpu.memref_squeeze %dma_start3A_458 : memref<1x50x64xf32, #tpu.memory_space<vmem>> -> memref<50x64xf32, #tpu.memory_space<vmem>>
    %dma_start3A_460 = arith.constant 0 : i32
    %dma_start3A_461 = tpu.memref_slice %arg5[%dma_start3A_454, %dma_start3A_460] : memref<512x50xi32, #tpu.memory_space<vmem>> -> memref<1x50xi32, #tpu.memory_space<vmem>>
    %dma_start3A_462 = tpu.memref_squeeze %dma_start3A_461 : memref<1x50xi32, #tpu.memory_space<vmem>> -> memref<50xi32, #tpu.memory_space<vmem>>
    %dma_start3A_463 = arith.constant 0 : i32
    %dma_start3A_464 = arith.constant 0 : i32
    %dma_start3A_465 = tpu.memref_slice %arg2[%dma_start3A_463, %dma_start3A_464] : memref<1000000x64xf32, #tpu.memory_space<hbm>> -> memref<1000000x64xf32, #tpu.memory_space<hbm>>
    tpu.enqueue_indirect_dma source(%dma_start3A_465 : memref<1000000x64xf32, #tpu.memory_space<hbm>>) target(%dma_start3A_459 : memref<50x64xf32, #tpu.memory_space<vmem>>) offsets(%dma_start3A_462 : memref<50xi32, #tpu.memory_space<vmem>>) semaphore(%arg9 : memref<!tpu.dma_semaphore, #tpu.memory_space<semaphore_mem>>)
    %dma_start3A_466 = arith.constant 509 : i32
    %dma_start3A_467 = arith.constant 5 : i32
    %dma_start3A_468 = arith.constant 0 : i32
    %dma_start3A_469 = arith.constant 0 : i32
    %dma_start3A_470 = tpu.memref_slice %arg6[%dma_start3A_467, %dma_start3A_468, %dma_start3A_469] : memref<8x50x64xf32, #tpu.memory_space<vmem>> -> memref<1x50x64xf32, #tpu.memory_space<vmem>>
    %dma_start3A_471 = tpu.memref_squeeze %dma_start3A_470 : memref<1x50x64xf32, #tpu.memory_space<vmem>> -> memref<50x64xf32, #tpu.memory_space<vmem>>
    %dma_start3A_472 = arith.constant 0 : i32
    %dma_start3A_473 = tpu.memref_slice %arg5[%dma_start3A_466, %dma_start3A_472] : memref<512x50xi32, #tpu.memory_space<vmem>> -> memref<1x50xi32, #tpu.memory_space<vmem>>
    %dma_start3A_474 = tpu.memref_squeeze %dma_start3A_473 : memref<1x50xi32, #tpu.memory_space<vmem>> -> memref<50xi32, #tpu.memory_space<vmem>>
    %dma_start3A_475 = arith.constant 0 : i32
    %dma_start3A_476 = arith.constant 0 : i32
    %dma_start3A_477 = tpu.memref_slice %arg2[%dma_start3A_475, %dma_start3A_476] : memref<1000000x64xf32, #tpu.memory_space<hbm>> -> memref<1000000x64xf32, #tpu.memory_space<hbm>>
    tpu.enqueue_indirect_dma source(%dma_start3A_477 : memref<1000000x64xf32, #tpu.memory_space<hbm>>) target(%dma_start3A_471 : memref<50x64xf32, #tpu.memory_space<vmem>>) offsets(%dma_start3A_474 : memref<50xi32, #tpu.memory_space<vmem>>) semaphore(%arg9 : memref<!tpu.dma_semaphore, #tpu.memory_space<semaphore_mem>>)
    %dma_start3A_478 = arith.constant 510 : i32
    %dma_start3A_479 = arith.constant 6 : i32
    %dma_start3A_480 = arith.constant 0 : i32
    %dma_start3A_481 = arith.constant 0 : i32
    %dma_start3A_482 = tpu.memref_slice %arg6[%dma_start3A_479, %dma_start3A_480, %dma_start3A_481] : memref<8x50x64xf32, #tpu.memory_space<vmem>> -> memref<1x50x64xf32, #tpu.memory_space<vmem>>
    %dma_start3A_483 = tpu.memref_squeeze %dma_start3A_482 : memref<1x50x64xf32, #tpu.memory_space<vmem>> -> memref<50x64xf32, #tpu.memory_space<vmem>>
    %dma_start3A_484 = arith.constant 0 : i32
    %dma_start3A_485 = tpu.memref_slice %arg5[%dma_start3A_478, %dma_start3A_484] : memref<512x50xi32, #tpu.memory_space<vmem>> -> memref<1x50xi32, #tpu.memory_space<vmem>>
    %dma_start3A_486 = tpu.memref_squeeze %dma_start3A_485 : memref<1x50xi32, #tpu.memory_space<vmem>> -> memref<50xi32, #tpu.memory_space<vmem>>
    %dma_start3A_487 = arith.constant 0 : i32
    %dma_start3A_488 = arith.constant 0 : i32
    %dma_start3A_489 = tpu.memref_slice %arg2[%dma_start3A_487, %dma_start3A_488] : memref<1000000x64xf32, #tpu.memory_space<hbm>> -> memref<1000000x64xf32, #tpu.memory_space<hbm>>
    tpu.enqueue_indirect_dma source(%dma_start3A_489 : memref<1000000x64xf32, #tpu.memory_space<hbm>>) target(%dma_start3A_483 : memref<50x64xf32, #tpu.memory_space<vmem>>) offsets(%dma_start3A_486 : memref<50xi32, #tpu.memory_space<vmem>>) semaphore(%arg9 : memref<!tpu.dma_semaphore, #tpu.memory_space<semaphore_mem>>)
    %dma_start3A_490 = arith.constant 511 : i32
    %dma_start3A_491 = arith.constant 7 : i32
    %dma_start3A_492 = arith.constant 0 : i32
    %dma_start3A_493 = arith.constant 0 : i32
    %dma_start3A_494 = tpu.memref_slice %arg6[%dma_start3A_491, %dma_start3A_492, %dma_start3A_493] : memref<8x50x64xf32, #tpu.memory_space<vmem>> -> memref<1x50x64xf32, #tpu.memory_space<vmem>>
    %dma_start3A_495 = tpu.memref_squeeze %dma_start3A_494 : memref<1x50x64xf32, #tpu.memory_space<vmem>> -> memref<50x64xf32, #tpu.memory_space<vmem>>
    %dma_start3A_496 = arith.constant 0 : i32
    %dma_start3A_497 = tpu.memref_slice %arg5[%dma_start3A_490, %dma_start3A_496] : memref<512x50xi32, #tpu.memory_space<vmem>> -> memref<1x50xi32, #tpu.memory_space<vmem>>
    %dma_start3A_498 = tpu.memref_squeeze %dma_start3A_497 : memref<1x50xi32, #tpu.memory_space<vmem>> -> memref<50xi32, #tpu.memory_space<vmem>>
    %dma_start3A_499 = arith.constant 0 : i32
    %dma_start3A_500 = arith.constant 0 : i32
    %dma_start3A_501 = tpu.memref_slice %arg2[%dma_start3A_499, %dma_start3A_500] : memref<1000000x64xf32, #tpu.memory_space<hbm>> -> memref<1000000x64xf32, #tpu.memory_space<hbm>>
    tpu.enqueue_indirect_dma source(%dma_start3A_501 : memref<1000000x64xf32, #tpu.memory_space<hbm>>) target(%dma_start3A_495 : memref<50x64xf32, #tpu.memory_space<vmem>>) offsets(%dma_start3A_498 : memref<50xi32, #tpu.memory_space<vmem>>) semaphore(%arg9 : memref<!tpu.dma_semaphore, #tpu.memory_space<semaphore_mem>>)
    %dma_wait3A_502 = arith.constant 0 : i32
    %dma_wait3A_503 = arith.constant 0 : i32
    %dma_wait3A_504 = arith.constant 0 : i32
    %dma_wait3A_505 = arith.constant 0 : i32
    %dma_wait3A_506 = tpu.memref_slice %arg7[%dma_wait3A_503, %dma_wait3A_504, %dma_wait3A_505] : memref<8x50x64xf32, #tpu.memory_space<vmem>> -> memref<1x50x64xf32, #tpu.memory_space<vmem>>
    %dma_wait3A_507 = tpu.memref_squeeze %dma_wait3A_506 : memref<1x50x64xf32, #tpu.memory_space<vmem>> -> memref<50x64xf32, #tpu.memory_space<vmem>>
    %dma_wait3A_508 = arith.constant 0 : i32
    %dma_wait3A_509 = tpu.memref_slice %arg5[%dma_wait3A_502, %dma_wait3A_508] : memref<512x50xi32, #tpu.memory_space<vmem>> -> memref<1x50xi32, #tpu.memory_space<vmem>>
    %dma_wait3A_510 = tpu.memref_squeeze %dma_wait3A_509 : memref<1x50xi32, #tpu.memory_space<vmem>> -> memref<50xi32, #tpu.memory_space<vmem>>
    %dma_wait3A_511 = arith.constant 0 : i32
    %dma_wait3A_512 = arith.constant 0 : i32
    %dma_wait3A_513 = tpu.memref_slice %arg2[%dma_wait3A_511, %dma_wait3A_512] : memref<1000000x64xf32, #tpu.memory_space<hbm>> -> memref<1000000x64xf32, #tpu.memory_space<hbm>>
    tpu.wait_indirect_dma semaphore(%arg10 : memref<!tpu.dma_semaphore, #tpu.memory_space<semaphore_mem>>) src(%dma_wait3A_513 : memref<1000000x64xf32, #tpu.memory_space<hbm>>) dst(%dma_wait3A_507 : memref<50x64xf32, #tpu.memory_space<vmem>>)
    %dma_wait3A_514 = arith.constant 0 : i32
    %dma_wait3A_515 = arith.constant 1 : i32
    %dma_wait3A_516 = arith.constant 0 : i32
    %dma_wait3A_517 = arith.constant 0 : i32
    %dma_wait3A_518 = tpu.memref_slice %arg7[%dma_wait3A_515, %dma_wait3A_516, %dma_wait3A_517] : memref<8x50x64xf32, #tpu.memory_space<vmem>> -> memref<1x50x64xf32, #tpu.memory_space<vmem>>
    %dma_wait3A_519 = tpu.memref_squeeze %dma_wait3A_518 : memref<1x50x64xf32, #tpu.memory_space<vmem>> -> memref<50x64xf32, #tpu.memory_space<vmem>>
    %dma_wait3A_520 = arith.constant 0 : i32
    %dma_wait3A_521 = tpu.memref_slice %arg5[%dma_wait3A_514, %dma_wait3A_520] : memref<512x50xi32, #tpu.memory_space<vmem>> -> memref<1x50xi32, #tpu.memory_space<vmem>>
    %dma_wait3A_522 = tpu.memref_squeeze %dma_wait3A_521 : memref<1x50xi32, #tpu.memory_space<vmem>> -> memref<50xi32, #tpu.memory_space<vmem>>
    %dma_wait3A_523 = arith.constant 0 : i32
    %dma_wait3A_524 = arith.constant 0 : i32
    %dma_wait3A_525 = tpu.memref_slice %arg2[%dma_wait3A_523, %dma_wait3A_524] : memref<1000000x64xf32, #tpu.memory_space<hbm>> -> memref<1000000x64xf32, #tpu.memory_space<hbm>>
    tpu.wait_indirect_dma semaphore(%arg10 : memref<!tpu.dma_semaphore, #tpu.memory_space<semaphore_mem>>) src(%dma_wait3A_525 : memref<1000000x64xf32, #tpu.memory_space<hbm>>) dst(%dma_wait3A_519 : memref<50x64xf32, #tpu.memory_space<vmem>>)
    %dma_wait3A_526 = arith.constant 0 : i32
    %dma_wait3A_527 = arith.constant 2 : i32
    %dma_wait3A_528 = arith.constant 0 : i32
    %dma_wait3A_529 = arith.constant 0 : i32
    %dma_wait3A_530 = tpu.memref_slice %arg7[%dma_wait3A_527, %dma_wait3A_528, %dma_wait3A_529] : memref<8x50x64xf32, #tpu.memory_space<vmem>> -> memref<1x50x64xf32, #tpu.memory_space<vmem>>
    %dma_wait3A_531 = tpu.memref_squeeze %dma_wait3A_530 : memref<1x50x64xf32, #tpu.memory_space<vmem>> -> memref<50x64xf32, #tpu.memory_space<vmem>>
    %dma_wait3A_532 = arith.constant 0 : i32
    %dma_wait3A_533 = tpu.memref_slice %arg5[%dma_wait3A_526, %dma_wait3A_532] : memref<512x50xi32, #tpu.memory_space<vmem>> -> memref<1x50xi32, #tpu.memory_space<vmem>>
    %dma_wait3A_534 = tpu.memref_squeeze %dma_wait3A_533 : memref<1x50xi32, #tpu.memory_space<vmem>> -> memref<50xi32, #tpu.memory_space<vmem>>
    %dma_wait3A_535 = arith.constant 0 : i32
    %dma_wait3A_536 = arith.constant 0 : i32
    %dma_wait3A_537 = tpu.memref_slice %arg2[%dma_wait3A_535, %dma_wait3A_536] : memref<1000000x64xf32, #tpu.memory_space<hbm>> -> memref<1000000x64xf32, #tpu.memory_space<hbm>>
    tpu.wait_indirect_dma semaphore(%arg10 : memref<!tpu.dma_semaphore, #tpu.memory_space<semaphore_mem>>) src(%dma_wait3A_537 : memref<1000000x64xf32, #tpu.memory_space<hbm>>) dst(%dma_wait3A_531 : memref<50x64xf32, #tpu.memory_space<vmem>>)
    %dma_wait3A_538 = arith.constant 0 : i32
    %dma_wait3A_539 = arith.constant 3 : i32
    %dma_wait3A_540 = arith.constant 0 : i32
    %dma_wait3A_541 = arith.constant 0 : i32
    %dma_wait3A_542 = tpu.memref_slice %arg7[%dma_wait3A_539, %dma_wait3A_540, %dma_wait3A_541] : memref<8x50x64xf32, #tpu.memory_space<vmem>> -> memref<1x50x64xf32, #tpu.memory_space<vmem>>
    %dma_wait3A_543 = tpu.memref_squeeze %dma_wait3A_542 : memref<1x50x64xf32, #tpu.memory_space<vmem>> -> memref<50x64xf32, #tpu.memory_space<vmem>>
    %dma_wait3A_544 = arith.constant 0 : i32
    %dma_wait3A_545 = tpu.memref_slice %arg5[%dma_wait3A_538, %dma_wait3A_544] : memref<512x50xi32, #tpu.memory_space<vmem>> -> memref<1x50xi32, #tpu.memory_space<vmem>>
    %dma_wait3A_546 = tpu.memref_squeeze %dma_wait3A_545 : memref<1x50xi32, #tpu.memory_space<vmem>> -> memref<50xi32, #tpu.memory_space<vmem>>
    %dma_wait3A_547 = arith.constant 0 : i32
    %dma_wait3A_548 = arith.constant 0 : i32
    %dma_wait3A_549 = tpu.memref_slice %arg2[%dma_wait3A_547, %dma_wait3A_548] : memref<1000000x64xf32, #tpu.memory_space<hbm>> -> memref<1000000x64xf32, #tpu.memory_space<hbm>>
    tpu.wait_indirect_dma semaphore(%arg10 : memref<!tpu.dma_semaphore, #tpu.memory_space<semaphore_mem>>) src(%dma_wait3A_549 : memref<1000000x64xf32, #tpu.memory_space<hbm>>) dst(%dma_wait3A_543 : memref<50x64xf32, #tpu.memory_space<vmem>>)
    %dma_wait3A_550 = arith.constant 0 : i32
    %dma_wait3A_551 = arith.constant 4 : i32
    %dma_wait3A_552 = arith.constant 0 : i32
    %dma_wait3A_553 = arith.constant 0 : i32
    %dma_wait3A_554 = tpu.memref_slice %arg7[%dma_wait3A_551, %dma_wait3A_552, %dma_wait3A_553] : memref<8x50x64xf32, #tpu.memory_space<vmem>> -> memref<1x50x64xf32, #tpu.memory_space<vmem>>
    %dma_wait3A_555 = tpu.memref_squeeze %dma_wait3A_554 : memref<1x50x64xf32, #tpu.memory_space<vmem>> -> memref<50x64xf32, #tpu.memory_space<vmem>>
    %dma_wait3A_556 = arith.constant 0 : i32
    %dma_wait3A_557 = tpu.memref_slice %arg5[%dma_wait3A_550, %dma_wait3A_556] : memref<512x50xi32, #tpu.memory_space<vmem>> -> memref<1x50xi32, #tpu.memory_space<vmem>>
    %dma_wait3A_558 = tpu.memref_squeeze %dma_wait3A_557 : memref<1x50xi32, #tpu.memory_space<vmem>> -> memref<50xi32, #tpu.memory_space<vmem>>
    %dma_wait3A_559 = arith.constant 0 : i32
    %dma_wait3A_560 = arith.constant 0 : i32
    %dma_wait3A_561 = tpu.memref_slice %arg2[%dma_wait3A_559, %dma_wait3A_560] : memref<1000000x64xf32, #tpu.memory_space<hbm>> -> memref<1000000x64xf32, #tpu.memory_space<hbm>>
    tpu.wait_indirect_dma semaphore(%arg10 : memref<!tpu.dma_semaphore, #tpu.memory_space<semaphore_mem>>) src(%dma_wait3A_561 : memref<1000000x64xf32, #tpu.memory_space<hbm>>) dst(%dma_wait3A_555 : memref<50x64xf32, #tpu.memory_space<vmem>>)
    %dma_wait3A_562 = arith.constant 0 : i32
    %dma_wait3A_563 = arith.constant 5 : i32
    %dma_wait3A_564 = arith.constant 0 : i32
    %dma_wait3A_565 = arith.constant 0 : i32
    %dma_wait3A_566 = tpu.memref_slice %arg7[%dma_wait3A_563, %dma_wait3A_564, %dma_wait3A_565] : memref<8x50x64xf32, #tpu.memory_space<vmem>> -> memref<1x50x64xf32, #tpu.memory_space<vmem>>
    %dma_wait3A_567 = tpu.memref_squeeze %dma_wait3A_566 : memref<1x50x64xf32, #tpu.memory_space<vmem>> -> memref<50x64xf32, #tpu.memory_space<vmem>>
    %dma_wait3A_568 = arith.constant 0 : i32
    %dma_wait3A_569 = tpu.memref_slice %arg5[%dma_wait3A_562, %dma_wait3A_568] : memref<512x50xi32, #tpu.memory_space<vmem>> -> memref<1x50xi32, #tpu.memory_space<vmem>>
    %dma_wait3A_570 = tpu.memref_squeeze %dma_wait3A_569 : memref<1x50xi32, #tpu.memory_space<vmem>> -> memref<50xi32, #tpu.memory_space<vmem>>
    %dma_wait3A_571 = arith.constant 0 : i32
    %dma_wait3A_572 = arith.constant 0 : i32
    %dma_wait3A_573 = tpu.memref_slice %arg2[%dma_wait3A_571, %dma_wait3A_572] : memref<1000000x64xf32, #tpu.memory_space<hbm>> -> memref<1000000x64xf32, #tpu.memory_space<hbm>>
    tpu.wait_indirect_dma semaphore(%arg10 : memref<!tpu.dma_semaphore, #tpu.memory_space<semaphore_mem>>) src(%dma_wait3A_573 : memref<1000000x64xf32, #tpu.memory_space<hbm>>) dst(%dma_wait3A_567 : memref<50x64xf32, #tpu.memory_space<vmem>>)
    %dma_wait3A_574 = arith.constant 0 : i32
    %dma_wait3A_575 = arith.constant 6 : i32
    %dma_wait3A_576 = arith.constant 0 : i32
    %dma_wait3A_577 = arith.constant 0 : i32
    %dma_wait3A_578 = tpu.memref_slice %arg7[%dma_wait3A_575, %dma_wait3A_576, %dma_wait3A_577] : memref<8x50x64xf32, #tpu.memory_space<vmem>> -> memref<1x50x64xf32, #tpu.memory_space<vmem>>
    %dma_wait3A_579 = tpu.memref_squeeze %dma_wait3A_578 : memref<1x50x64xf32, #tpu.memory_space<vmem>> -> memref<50x64xf32, #tpu.memory_space<vmem>>
    %dma_wait3A_580 = arith.constant 0 : i32
    %dma_wait3A_581 = tpu.memref_slice %arg5[%dma_wait3A_574, %dma_wait3A_580] : memref<512x50xi32, #tpu.memory_space<vmem>> -> memref<1x50xi32, #tpu.memory_space<vmem>>
    %dma_wait3A_582 = tpu.memref_squeeze %dma_wait3A_581 : memref<1x50xi32, #tpu.memory_space<vmem>> -> memref<50xi32, #tpu.memory_space<vmem>>
    %dma_wait3A_583 = arith.constant 0 : i32
    %dma_wait3A_584 = arith.constant 0 : i32
    %dma_wait3A_585 = tpu.memref_slice %arg2[%dma_wait3A_583, %dma_wait3A_584] : memref<1000000x64xf32, #tpu.memory_space<hbm>> -> memref<1000000x64xf32, #tpu.memory_space<hbm>>
    tpu.wait_indirect_dma semaphore(%arg10 : memref<!tpu.dma_semaphore, #tpu.memory_space<semaphore_mem>>) src(%dma_wait3A_585 : memref<1000000x64xf32, #tpu.memory_space<hbm>>) dst(%dma_wait3A_579 : memref<50x64xf32, #tpu.memory_space<vmem>>)
    %dma_wait3A_586 = arith.constant 0 : i32
    %dma_wait3A_587 = arith.constant 7 : i32
    %dma_wait3A_588 = arith.constant 0 : i32
    %dma_wait3A_589 = arith.constant 0 : i32
    %dma_wait3A_590 = tpu.memref_slice %arg7[%dma_wait3A_587, %dma_wait3A_588, %dma_wait3A_589] : memref<8x50x64xf32, #tpu.memory_space<vmem>> -> memref<1x50x64xf32, #tpu.memory_space<vmem>>
    %dma_wait3A_591 = tpu.memref_squeeze %dma_wait3A_590 : memref<1x50x64xf32, #tpu.memory_space<vmem>> -> memref<50x64xf32, #tpu.memory_space<vmem>>
    %dma_wait3A_592 = arith.constant 0 : i32
    %dma_wait3A_593 = tpu.memref_slice %arg5[%dma_wait3A_586, %dma_wait3A_592] : memref<512x50xi32, #tpu.memory_space<vmem>> -> memref<1x50xi32, #tpu.memory_space<vmem>>
    %dma_wait3A_594 = tpu.memref_squeeze %dma_wait3A_593 : memref<1x50xi32, #tpu.memory_space<vmem>> -> memref<50xi32, #tpu.memory_space<vmem>>
    %dma_wait3A_595 = arith.constant 0 : i32
    %dma_wait3A_596 = arith.constant 0 : i32
    %dma_wait3A_597 = tpu.memref_slice %arg2[%dma_wait3A_595, %dma_wait3A_596] : memref<1000000x64xf32, #tpu.memory_space<hbm>> -> memref<1000000x64xf32, #tpu.memory_space<hbm>>
    tpu.wait_indirect_dma semaphore(%arg10 : memref<!tpu.dma_semaphore, #tpu.memory_space<semaphore_mem>>) src(%dma_wait3A_597 : memref<1000000x64xf32, #tpu.memory_space<hbm>>) dst(%dma_wait3A_591 : memref<50x64xf32, #tpu.memory_space<vmem>>)
    %add3A_598 = arith.constant 488 : i32
    %add3A_599 = arith.addi %mul3A_2, %add3A_598 : i32
    %dma_start3A_600 = arith.constant 0 : i32
    %dma_start3A_601 = arith.constant 0 : i32
    %dma_start3A_602 = tpu.memref_slice %arg4[%add3A_599, %dma_start3A_600, %dma_start3A_601] : memref<16384x56x128xf32, #tpu.memory_space<hbm>> -> memref<8x50x64xf32, #tpu.memory_space<hbm>>
    %dma_start3A_603 = arith.constant 0 : i32
    %dma_start3A_604 = arith.constant 0 : i32
    %dma_start3A_605 = tpu.memref_slice %arg4[%add3A_599, %dma_start3A_603, %dma_start3A_604] : memref<16384x56x128xf32, #tpu.memory_space<hbm>> -> memref<8x50x64xf32, #tpu.memory_space<hbm>>
    tpu.enqueue_dma source(%arg7 : memref<8x50x64xf32, #tpu.memory_space<vmem>>) target(%dma_start3A_605 : memref<8x50x64xf32, #tpu.memory_space<hbm>>) target_semaphore(%arg13 : memref<!tpu.dma_semaphore, #tpu.memory_space<semaphore_mem>>)
    %dma_wait3A_606 = arith.constant 0 : i32
    %dma_wait3A_607 = arith.constant 0 : i32
    %dma_wait3A_608 = arith.constant 0 : i32
    %dma_wait3A_609 = arith.constant 0 : i32
    %dma_wait3A_610 = tpu.memref_slice %arg8[%dma_wait3A_607, %dma_wait3A_608, %dma_wait3A_609] : memref<8x50x64xf32, #tpu.memory_space<vmem>> -> memref<1x50x64xf32, #tpu.memory_space<vmem>>
    %dma_wait3A_611 = tpu.memref_squeeze %dma_wait3A_610 : memref<1x50x64xf32, #tpu.memory_space<vmem>> -> memref<50x64xf32, #tpu.memory_space<vmem>>
    %dma_wait3A_612 = arith.constant 0 : i32
    %dma_wait3A_613 = tpu.memref_slice %arg5[%dma_wait3A_606, %dma_wait3A_612] : memref<512x50xi32, #tpu.memory_space<vmem>> -> memref<1x50xi32, #tpu.memory_space<vmem>>
    %dma_wait3A_614 = tpu.memref_squeeze %dma_wait3A_613 : memref<1x50xi32, #tpu.memory_space<vmem>> -> memref<50xi32, #tpu.memory_space<vmem>>
    %dma_wait3A_615 = arith.constant 0 : i32
    %dma_wait3A_616 = arith.constant 0 : i32
    %dma_wait3A_617 = tpu.memref_slice %arg2[%dma_wait3A_615, %dma_wait3A_616] : memref<1000000x64xf32, #tpu.memory_space<hbm>> -> memref<1000000x64xf32, #tpu.memory_space<hbm>>
    tpu.wait_indirect_dma semaphore(%arg11 : memref<!tpu.dma_semaphore, #tpu.memory_space<semaphore_mem>>) src(%dma_wait3A_617 : memref<1000000x64xf32, #tpu.memory_space<hbm>>) dst(%dma_wait3A_611 : memref<50x64xf32, #tpu.memory_space<vmem>>)
    %dma_wait3A_618 = arith.constant 0 : i32
    %dma_wait3A_619 = arith.constant 1 : i32
    %dma_wait3A_620 = arith.constant 0 : i32
    %dma_wait3A_621 = arith.constant 0 : i32
    %dma_wait3A_622 = tpu.memref_slice %arg8[%dma_wait3A_619, %dma_wait3A_620, %dma_wait3A_621] : memref<8x50x64xf32, #tpu.memory_space<vmem>> -> memref<1x50x64xf32, #tpu.memory_space<vmem>>
    %dma_wait3A_623 = tpu.memref_squeeze %dma_wait3A_622 : memref<1x50x64xf32, #tpu.memory_space<vmem>> -> memref<50x64xf32, #tpu.memory_space<vmem>>
    %dma_wait3A_624 = arith.constant 0 : i32
    %dma_wait3A_625 = tpu.memref_slice %arg5[%dma_wait3A_618, %dma_wait3A_624] : memref<512x50xi32, #tpu.memory_space<vmem>> -> memref<1x50xi32, #tpu.memory_space<vmem>>
    %dma_wait3A_626 = tpu.memref_squeeze %dma_wait3A_625 : memref<1x50xi32, #tpu.memory_space<vmem>> -> memref<50xi32, #tpu.memory_space<vmem>>
    %dma_wait3A_627 = arith.constant 0 : i32
    %dma_wait3A_628 = arith.constant 0 : i32
    %dma_wait3A_629 = tpu.memref_slice %arg2[%dma_wait3A_627, %dma_wait3A_628] : memref<1000000x64xf32, #tpu.memory_space<hbm>> -> memref<1000000x64xf32, #tpu.memory_space<hbm>>
    tpu.wait_indirect_dma semaphore(%arg11 : memref<!tpu.dma_semaphore, #tpu.memory_space<semaphore_mem>>) src(%dma_wait3A_629 : memref<1000000x64xf32, #tpu.memory_space<hbm>>) dst(%dma_wait3A_623 : memref<50x64xf32, #tpu.memory_space<vmem>>)
    %dma_wait3A_630 = arith.constant 0 : i32
    %dma_wait3A_631 = arith.constant 2 : i32
    %dma_wait3A_632 = arith.constant 0 : i32
    %dma_wait3A_633 = arith.constant 0 : i32
    %dma_wait3A_634 = tpu.memref_slice %arg8[%dma_wait3A_631, %dma_wait3A_632, %dma_wait3A_633] : memref<8x50x64xf32, #tpu.memory_space<vmem>> -> memref<1x50x64xf32, #tpu.memory_space<vmem>>
    %dma_wait3A_635 = tpu.memref_squeeze %dma_wait3A_634 : memref<1x50x64xf32, #tpu.memory_space<vmem>> -> memref<50x64xf32, #tpu.memory_space<vmem>>
    %dma_wait3A_636 = arith.constant 0 : i32
    %dma_wait3A_637 = tpu.memref_slice %arg5[%dma_wait3A_630, %dma_wait3A_636] : memref<512x50xi32, #tpu.memory_space<vmem>> -> memref<1x50xi32, #tpu.memory_space<vmem>>
    %dma_wait3A_638 = tpu.memref_squeeze %dma_wait3A_637 : memref<1x50xi32, #tpu.memory_space<vmem>> -> memref<50xi32, #tpu.memory_space<vmem>>
    %dma_wait3A_639 = arith.constant 0 : i32
    %dma_wait3A_640 = arith.constant 0 : i32
    %dma_wait3A_641 = tpu.memref_slice %arg2[%dma_wait3A_639, %dma_wait3A_640] : memref<1000000x64xf32, #tpu.memory_space<hbm>> -> memref<1000000x64xf32, #tpu.memory_space<hbm>>
    tpu.wait_indirect_dma semaphore(%arg11 : memref<!tpu.dma_semaphore, #tpu.memory_space<semaphore_mem>>) src(%dma_wait3A_641 : memref<1000000x64xf32, #tpu.memory_space<hbm>>) dst(%dma_wait3A_635 : memref<50x64xf32, #tpu.memory_space<vmem>>)
    %dma_wait3A_642 = arith.constant 0 : i32
    %dma_wait3A_643 = arith.constant 3 : i32
    %dma_wait3A_644 = arith.constant 0 : i32
    %dma_wait3A_645 = arith.constant 0 : i32
    %dma_wait3A_646 = tpu.memref_slice %arg8[%dma_wait3A_643, %dma_wait3A_644, %dma_wait3A_645] : memref<8x50x64xf32, #tpu.memory_space<vmem>> -> memref<1x50x64xf32, #tpu.memory_space<vmem>>
    %dma_wait3A_647 = tpu.memref_squeeze %dma_wait3A_646 : memref<1x50x64xf32, #tpu.memory_space<vmem>> -> memref<50x64xf32, #tpu.memory_space<vmem>>
    %dma_wait3A_648 = arith.constant 0 : i32
    %dma_wait3A_649 = tpu.memref_slice %arg5[%dma_wait3A_642, %dma_wait3A_648] : memref<512x50xi32, #tpu.memory_space<vmem>> -> memref<1x50xi32, #tpu.memory_space<vmem>>
    %dma_wait3A_650 = tpu.memref_squeeze %dma_wait3A_649 : memref<1x50xi32, #tpu.memory_space<vmem>> -> memref<50xi32, #tpu.memory_space<vmem>>
    %dma_wait3A_651 = arith.constant 0 : i32
    %dma_wait3A_652 = arith.constant 0 : i32
    %dma_wait3A_653 = tpu.memref_slice %arg2[%dma_wait3A_651, %dma_wait3A_652] : memref<1000000x64xf32, #tpu.memory_space<hbm>> -> memref<1000000x64xf32, #tpu.memory_space<hbm>>
    tpu.wait_indirect_dma semaphore(%arg11 : memref<!tpu.dma_semaphore, #tpu.memory_space<semaphore_mem>>) src(%dma_wait3A_653 : memref<1000000x64xf32, #tpu.memory_space<hbm>>) dst(%dma_wait3A_647 : memref<50x64xf32, #tpu.memory_space<vmem>>)
    %dma_wait3A_654 = arith.constant 0 : i32
    %dma_wait3A_655 = arith.constant 4 : i32
    %dma_wait3A_656 = arith.constant 0 : i32
    %dma_wait3A_657 = arith.constant 0 : i32
    %dma_wait3A_658 = tpu.memref_slice %arg8[%dma_wait3A_655, %dma_wait3A_656, %dma_wait3A_657] : memref<8x50x64xf32, #tpu.memory_space<vmem>> -> memref<1x50x64xf32, #tpu.memory_space<vmem>>
    %dma_wait3A_659 = tpu.memref_squeeze %dma_wait3A_658 : memref<1x50x64xf32, #tpu.memory_space<vmem>> -> memref<50x64xf32, #tpu.memory_space<vmem>>
    %dma_wait3A_660 = arith.constant 0 : i32
    %dma_wait3A_661 = tpu.memref_slice %arg5[%dma_wait3A_654, %dma_wait3A_660] : memref<512x50xi32, #tpu.memory_space<vmem>> -> memref<1x50xi32, #tpu.memory_space<vmem>>
    %dma_wait3A_662 = tpu.memref_squeeze %dma_wait3A_661 : memref<1x50xi32, #tpu.memory_space<vmem>> -> memref<50xi32, #tpu.memory_space<vmem>>
    %dma_wait3A_663 = arith.constant 0 : i32
    %dma_wait3A_664 = arith.constant 0 : i32
    %dma_wait3A_665 = tpu.memref_slice %arg2[%dma_wait3A_663, %dma_wait3A_664] : memref<1000000x64xf32, #tpu.memory_space<hbm>> -> memref<1000000x64xf32, #tpu.memory_space<hbm>>
    tpu.wait_indirect_dma semaphore(%arg11 : memref<!tpu.dma_semaphore, #tpu.memory_space<semaphore_mem>>) src(%dma_wait3A_665 : memref<1000000x64xf32, #tpu.memory_space<hbm>>) dst(%dma_wait3A_659 : memref<50x64xf32, #tpu.memory_space<vmem>>)
    %dma_wait3A_666 = arith.constant 0 : i32
    %dma_wait3A_667 = arith.constant 5 : i32
    %dma_wait3A_668 = arith.constant 0 : i32
    %dma_wait3A_669 = arith.constant 0 : i32
    %dma_wait3A_670 = tpu.memref_slice %arg8[%dma_wait3A_667, %dma_wait3A_668, %dma_wait3A_669] : memref<8x50x64xf32, #tpu.memory_space<vmem>> -> memref<1x50x64xf32, #tpu.memory_space<vmem>>
    %dma_wait3A_671 = tpu.memref_squeeze %dma_wait3A_670 : memref<1x50x64xf32, #tpu.memory_space<vmem>> -> memref<50x64xf32, #tpu.memory_space<vmem>>
    %dma_wait3A_672 = arith.constant 0 : i32
    %dma_wait3A_673 = tpu.memref_slice %arg5[%dma_wait3A_666, %dma_wait3A_672] : memref<512x50xi32, #tpu.memory_space<vmem>> -> memref<1x50xi32, #tpu.memory_space<vmem>>
    %dma_wait3A_674 = tpu.memref_squeeze %dma_wait3A_673 : memref<1x50xi32, #tpu.memory_space<vmem>> -> memref<50xi32, #tpu.memory_space<vmem>>
    %dma_wait3A_675 = arith.constant 0 : i32
    %dma_wait3A_676 = arith.constant 0 : i32
    %dma_wait3A_677 = tpu.memref_slice %arg2[%dma_wait3A_675, %dma_wait3A_676] : memref<1000000x64xf32, #tpu.memory_space<hbm>> -> memref<1000000x64xf32, #tpu.memory_space<hbm>>
    tpu.wait_indirect_dma semaphore(%arg11 : memref<!tpu.dma_semaphore, #tpu.memory_space<semaphore_mem>>) src(%dma_wait3A_677 : memref<1000000x64xf32, #tpu.memory_space<hbm>>) dst(%dma_wait3A_671 : memref<50x64xf32, #tpu.memory_space<vmem>>)
    %dma_wait3A_678 = arith.constant 0 : i32
    %dma_wait3A_679 = arith.constant 6 : i32
    %dma_wait3A_680 = arith.constant 0 : i32
    %dma_wait3A_681 = arith.constant 0 : i32
    %dma_wait3A_682 = tpu.memref_slice %arg8[%dma_wait3A_679, %dma_wait3A_680, %dma_wait3A_681] : memref<8x50x64xf32, #tpu.memory_space<vmem>> -> memref<1x50x64xf32, #tpu.memory_space<vmem>>
    %dma_wait3A_683 = tpu.memref_squeeze %dma_wait3A_682 : memref<1x50x64xf32, #tpu.memory_space<vmem>> -> memref<50x64xf32, #tpu.memory_space<vmem>>
    %dma_wait3A_684 = arith.constant 0 : i32
    %dma_wait3A_685 = tpu.memref_slice %arg5[%dma_wait3A_678, %dma_wait3A_684] : memref<512x50xi32, #tpu.memory_space<vmem>> -> memref<1x50xi32, #tpu.memory_space<vmem>>
    %dma_wait3A_686 = tpu.memref_squeeze %dma_wait3A_685 : memref<1x50xi32, #tpu.memory_space<vmem>> -> memref<50xi32, #tpu.memory_space<vmem>>
    %dma_wait3A_687 = arith.constant 0 : i32
    %dma_wait3A_688 = arith.constant 0 : i32
    %dma_wait3A_689 = tpu.memref_slice %arg2[%dma_wait3A_687, %dma_wait3A_688] : memref<1000000x64xf32, #tpu.memory_space<hbm>> -> memref<1000000x64xf32, #tpu.memory_space<hbm>>
    tpu.wait_indirect_dma semaphore(%arg11 : memref<!tpu.dma_semaphore, #tpu.memory_space<semaphore_mem>>) src(%dma_wait3A_689 : memref<1000000x64xf32, #tpu.memory_space<hbm>>) dst(%dma_wait3A_683 : memref<50x64xf32, #tpu.memory_space<vmem>>)
    %dma_wait3A_690 = arith.constant 0 : i32
    %dma_wait3A_691 = arith.constant 7 : i32
    %dma_wait3A_692 = arith.constant 0 : i32
    %dma_wait3A_693 = arith.constant 0 : i32
    %dma_wait3A_694 = tpu.memref_slice %arg8[%dma_wait3A_691, %dma_wait3A_692, %dma_wait3A_693] : memref<8x50x64xf32, #tpu.memory_space<vmem>> -> memref<1x50x64xf32, #tpu.memory_space<vmem>>
    %dma_wait3A_695 = tpu.memref_squeeze %dma_wait3A_694 : memref<1x50x64xf32, #tpu.memory_space<vmem>> -> memref<50x64xf32, #tpu.memory_space<vmem>>
    %dma_wait3A_696 = arith.constant 0 : i32
    %dma_wait3A_697 = tpu.memref_slice %arg5[%dma_wait3A_690, %dma_wait3A_696] : memref<512x50xi32, #tpu.memory_space<vmem>> -> memref<1x50xi32, #tpu.memory_space<vmem>>
    %dma_wait3A_698 = tpu.memref_squeeze %dma_wait3A_697 : memref<1x50xi32, #tpu.memory_space<vmem>> -> memref<50xi32, #tpu.memory_space<vmem>>
    %dma_wait3A_699 = arith.constant 0 : i32
    %dma_wait3A_700 = arith.constant 0 : i32
    %dma_wait3A_701 = tpu.memref_slice %arg2[%dma_wait3A_699, %dma_wait3A_700] : memref<1000000x64xf32, #tpu.memory_space<hbm>> -> memref<1000000x64xf32, #tpu.memory_space<hbm>>
    tpu.wait_indirect_dma semaphore(%arg11 : memref<!tpu.dma_semaphore, #tpu.memory_space<semaphore_mem>>) src(%dma_wait3A_701 : memref<1000000x64xf32, #tpu.memory_space<hbm>>) dst(%dma_wait3A_695 : memref<50x64xf32, #tpu.memory_space<vmem>>)
    %add3A_702 = arith.constant 496 : i32
    %add3A_703 = arith.addi %mul3A_2, %add3A_702 : i32
    %dma_start3A_704 = arith.constant 0 : i32
    %dma_start3A_705 = arith.constant 0 : i32
    %dma_start3A_706 = tpu.memref_slice %arg4[%add3A_703, %dma_start3A_704, %dma_start3A_705] : memref<16384x56x128xf32, #tpu.memory_space<hbm>> -> memref<8x50x64xf32, #tpu.memory_space<hbm>>
    %dma_start3A_707 = arith.constant 0 : i32
    %dma_start3A_708 = arith.constant 0 : i32
    %dma_start3A_709 = tpu.memref_slice %arg4[%add3A_703, %dma_start3A_707, %dma_start3A_708] : memref<16384x56x128xf32, #tpu.memory_space<hbm>> -> memref<8x50x64xf32, #tpu.memory_space<hbm>>
    tpu.enqueue_dma source(%arg8 : memref<8x50x64xf32, #tpu.memory_space<vmem>>) target(%dma_start3A_709 : memref<8x50x64xf32, #tpu.memory_space<hbm>>) target_semaphore(%arg14 : memref<!tpu.dma_semaphore, #tpu.memory_space<semaphore_mem>>)
    %dma_wait3A_710 = arith.constant 0 : i32
    %dma_wait3A_711 = arith.constant 0 : i32
    %dma_wait3A_712 = arith.constant 0 : i32
    %dma_wait3A_713 = arith.constant 0 : i32
    %dma_wait3A_714 = tpu.memref_slice %arg6[%dma_wait3A_711, %dma_wait3A_712, %dma_wait3A_713] : memref<8x50x64xf32, #tpu.memory_space<vmem>> -> memref<1x50x64xf32, #tpu.memory_space<vmem>>
    %dma_wait3A_715 = tpu.memref_squeeze %dma_wait3A_714 : memref<1x50x64xf32, #tpu.memory_space<vmem>> -> memref<50x64xf32, #tpu.memory_space<vmem>>
    %dma_wait3A_716 = arith.constant 0 : i32
    %dma_wait3A_717 = tpu.memref_slice %arg5[%dma_wait3A_710, %dma_wait3A_716] : memref<512x50xi32, #tpu.memory_space<vmem>> -> memref<1x50xi32, #tpu.memory_space<vmem>>
    %dma_wait3A_718 = tpu.memref_squeeze %dma_wait3A_717 : memref<1x50xi32, #tpu.memory_space<vmem>> -> memref<50xi32, #tpu.memory_space<vmem>>
    %dma_wait3A_719 = arith.constant 0 : i32
    %dma_wait3A_720 = arith.constant 0 : i32
    %dma_wait3A_721 = tpu.memref_slice %arg2[%dma_wait3A_719, %dma_wait3A_720] : memref<1000000x64xf32, #tpu.memory_space<hbm>> -> memref<1000000x64xf32, #tpu.memory_space<hbm>>
    tpu.wait_indirect_dma semaphore(%arg9 : memref<!tpu.dma_semaphore, #tpu.memory_space<semaphore_mem>>) src(%dma_wait3A_721 : memref<1000000x64xf32, #tpu.memory_space<hbm>>) dst(%dma_wait3A_715 : memref<50x64xf32, #tpu.memory_space<vmem>>)
    %dma_wait3A_722 = arith.constant 0 : i32
    %dma_wait3A_723 = arith.constant 1 : i32
    %dma_wait3A_724 = arith.constant 0 : i32
    %dma_wait3A_725 = arith.constant 0 : i32
    %dma_wait3A_726 = tpu.memref_slice %arg6[%dma_wait3A_723, %dma_wait3A_724, %dma_wait3A_725] : memref<8x50x64xf32, #tpu.memory_space<vmem>> -> memref<1x50x64xf32, #tpu.memory_space<vmem>>
    %dma_wait3A_727 = tpu.memref_squeeze %dma_wait3A_726 : memref<1x50x64xf32, #tpu.memory_space<vmem>> -> memref<50x64xf32, #tpu.memory_space<vmem>>
    %dma_wait3A_728 = arith.constant 0 : i32
    %dma_wait3A_729 = tpu.memref_slice %arg5[%dma_wait3A_722, %dma_wait3A_728] : memref<512x50xi32, #tpu.memory_space<vmem>> -> memref<1x50xi32, #tpu.memory_space<vmem>>
    %dma_wait3A_730 = tpu.memref_squeeze %dma_wait3A_729 : memref<1x50xi32, #tpu.memory_space<vmem>> -> memref<50xi32, #tpu.memory_space<vmem>>
    %dma_wait3A_731 = arith.constant 0 : i32
    %dma_wait3A_732 = arith.constant 0 : i32
    %dma_wait3A_733 = tpu.memref_slice %arg2[%dma_wait3A_731, %dma_wait3A_732] : memref<1000000x64xf32, #tpu.memory_space<hbm>> -> memref<1000000x64xf32, #tpu.memory_space<hbm>>
    tpu.wait_indirect_dma semaphore(%arg9 : memref<!tpu.dma_semaphore, #tpu.memory_space<semaphore_mem>>) src(%dma_wait3A_733 : memref<1000000x64xf32, #tpu.memory_space<hbm>>) dst(%dma_wait3A_727 : memref<50x64xf32, #tpu.memory_space<vmem>>)
    %dma_wait3A_734 = arith.constant 0 : i32
    %dma_wait3A_735 = arith.constant 2 : i32
    %dma_wait3A_736 = arith.constant 0 : i32
    %dma_wait3A_737 = arith.constant 0 : i32
    %dma_wait3A_738 = tpu.memref_slice %arg6[%dma_wait3A_735, %dma_wait3A_736, %dma_wait3A_737] : memref<8x50x64xf32, #tpu.memory_space<vmem>> -> memref<1x50x64xf32, #tpu.memory_space<vmem>>
    %dma_wait3A_739 = tpu.memref_squeeze %dma_wait3A_738 : memref<1x50x64xf32, #tpu.memory_space<vmem>> -> memref<50x64xf32, #tpu.memory_space<vmem>>
    %dma_wait3A_740 = arith.constant 0 : i32
    %dma_wait3A_741 = tpu.memref_slice %arg5[%dma_wait3A_734, %dma_wait3A_740] : memref<512x50xi32, #tpu.memory_space<vmem>> -> memref<1x50xi32, #tpu.memory_space<vmem>>
    %dma_wait3A_742 = tpu.memref_squeeze %dma_wait3A_741 : memref<1x50xi32, #tpu.memory_space<vmem>> -> memref<50xi32, #tpu.memory_space<vmem>>
    %dma_wait3A_743 = arith.constant 0 : i32
    %dma_wait3A_744 = arith.constant 0 : i32
    %dma_wait3A_745 = tpu.memref_slice %arg2[%dma_wait3A_743, %dma_wait3A_744] : memref<1000000x64xf32, #tpu.memory_space<hbm>> -> memref<1000000x64xf32, #tpu.memory_space<hbm>>
    tpu.wait_indirect_dma semaphore(%arg9 : memref<!tpu.dma_semaphore, #tpu.memory_space<semaphore_mem>>) src(%dma_wait3A_745 : memref<1000000x64xf32, #tpu.memory_space<hbm>>) dst(%dma_wait3A_739 : memref<50x64xf32, #tpu.memory_space<vmem>>)
    %dma_wait3A_746 = arith.constant 0 : i32
    %dma_wait3A_747 = arith.constant 3 : i32
    %dma_wait3A_748 = arith.constant 0 : i32
    %dma_wait3A_749 = arith.constant 0 : i32
    %dma_wait3A_750 = tpu.memref_slice %arg6[%dma_wait3A_747, %dma_wait3A_748, %dma_wait3A_749] : memref<8x50x64xf32, #tpu.memory_space<vmem>> -> memref<1x50x64xf32, #tpu.memory_space<vmem>>
    %dma_wait3A_751 = tpu.memref_squeeze %dma_wait3A_750 : memref<1x50x64xf32, #tpu.memory_space<vmem>> -> memref<50x64xf32, #tpu.memory_space<vmem>>
    %dma_wait3A_752 = arith.constant 0 : i32
    %dma_wait3A_753 = tpu.memref_slice %arg5[%dma_wait3A_746, %dma_wait3A_752] : memref<512x50xi32, #tpu.memory_space<vmem>> -> memref<1x50xi32, #tpu.memory_space<vmem>>
    %dma_wait3A_754 = tpu.memref_squeeze %dma_wait3A_753 : memref<1x50xi32, #tpu.memory_space<vmem>> -> memref<50xi32, #tpu.memory_space<vmem>>
    %dma_wait3A_755 = arith.constant 0 : i32
    %dma_wait3A_756 = arith.constant 0 : i32
    %dma_wait3A_757 = tpu.memref_slice %arg2[%dma_wait3A_755, %dma_wait3A_756] : memref<1000000x64xf32, #tpu.memory_space<hbm>> -> memref<1000000x64xf32, #tpu.memory_space<hbm>>
    tpu.wait_indirect_dma semaphore(%arg9 : memref<!tpu.dma_semaphore, #tpu.memory_space<semaphore_mem>>) src(%dma_wait3A_757 : memref<1000000x64xf32, #tpu.memory_space<hbm>>) dst(%dma_wait3A_751 : memref<50x64xf32, #tpu.memory_space<vmem>>)
    %dma_wait3A_758 = arith.constant 0 : i32
    %dma_wait3A_759 = arith.constant 4 : i32
    %dma_wait3A_760 = arith.constant 0 : i32
    %dma_wait3A_761 = arith.constant 0 : i32
    %dma_wait3A_762 = tpu.memref_slice %arg6[%dma_wait3A_759, %dma_wait3A_760, %dma_wait3A_761] : memref<8x50x64xf32, #tpu.memory_space<vmem>> -> memref<1x50x64xf32, #tpu.memory_space<vmem>>
    %dma_wait3A_763 = tpu.memref_squeeze %dma_wait3A_762 : memref<1x50x64xf32, #tpu.memory_space<vmem>> -> memref<50x64xf32, #tpu.memory_space<vmem>>
    %dma_wait3A_764 = arith.constant 0 : i32
    %dma_wait3A_765 = tpu.memref_slice %arg5[%dma_wait3A_758, %dma_wait3A_764] : memref<512x50xi32, #tpu.memory_space<vmem>> -> memref<1x50xi32, #tpu.memory_space<vmem>>
    %dma_wait3A_766 = tpu.memref_squeeze %dma_wait3A_765 : memref<1x50xi32, #tpu.memory_space<vmem>> -> memref<50xi32, #tpu.memory_space<vmem>>
    %dma_wait3A_767 = arith.constant 0 : i32
    %dma_wait3A_768 = arith.constant 0 : i32
    %dma_wait3A_769 = tpu.memref_slice %arg2[%dma_wait3A_767, %dma_wait3A_768] : memref<1000000x64xf32, #tpu.memory_space<hbm>> -> memref<1000000x64xf32, #tpu.memory_space<hbm>>
    tpu.wait_indirect_dma semaphore(%arg9 : memref<!tpu.dma_semaphore, #tpu.memory_space<semaphore_mem>>) src(%dma_wait3A_769 : memref<1000000x64xf32, #tpu.memory_space<hbm>>) dst(%dma_wait3A_763 : memref<50x64xf32, #tpu.memory_space<vmem>>)
    %dma_wait3A_770 = arith.constant 0 : i32
    %dma_wait3A_771 = arith.constant 5 : i32
    %dma_wait3A_772 = arith.constant 0 : i32
    %dma_wait3A_773 = arith.constant 0 : i32
    %dma_wait3A_774 = tpu.memref_slice %arg6[%dma_wait3A_771, %dma_wait3A_772, %dma_wait3A_773] : memref<8x50x64xf32, #tpu.memory_space<vmem>> -> memref<1x50x64xf32, #tpu.memory_space<vmem>>
    %dma_wait3A_775 = tpu.memref_squeeze %dma_wait3A_774 : memref<1x50x64xf32, #tpu.memory_space<vmem>> -> memref<50x64xf32, #tpu.memory_space<vmem>>
    %dma_wait3A_776 = arith.constant 0 : i32
    %dma_wait3A_777 = tpu.memref_slice %arg5[%dma_wait3A_770, %dma_wait3A_776] : memref<512x50xi32, #tpu.memory_space<vmem>> -> memref<1x50xi32, #tpu.memory_space<vmem>>
    %dma_wait3A_778 = tpu.memref_squeeze %dma_wait3A_777 : memref<1x50xi32, #tpu.memory_space<vmem>> -> memref<50xi32, #tpu.memory_space<vmem>>
    %dma_wait3A_779 = arith.constant 0 : i32
    %dma_wait3A_780 = arith.constant 0 : i32
    %dma_wait3A_781 = tpu.memref_slice %arg2[%dma_wait3A_779, %dma_wait3A_780] : memref<1000000x64xf32, #tpu.memory_space<hbm>> -> memref<1000000x64xf32, #tpu.memory_space<hbm>>
    tpu.wait_indirect_dma semaphore(%arg9 : memref<!tpu.dma_semaphore, #tpu.memory_space<semaphore_mem>>) src(%dma_wait3A_781 : memref<1000000x64xf32, #tpu.memory_space<hbm>>) dst(%dma_wait3A_775 : memref<50x64xf32, #tpu.memory_space<vmem>>)
    %dma_wait3A_782 = arith.constant 0 : i32
    %dma_wait3A_783 = arith.constant 6 : i32
    %dma_wait3A_784 = arith.constant 0 : i32
    %dma_wait3A_785 = arith.constant 0 : i32
    %dma_wait3A_786 = tpu.memref_slice %arg6[%dma_wait3A_783, %dma_wait3A_784, %dma_wait3A_785] : memref<8x50x64xf32, #tpu.memory_space<vmem>> -> memref<1x50x64xf32, #tpu.memory_space<vmem>>
    %dma_wait3A_787 = tpu.memref_squeeze %dma_wait3A_786 : memref<1x50x64xf32, #tpu.memory_space<vmem>> -> memref<50x64xf32, #tpu.memory_space<vmem>>
    %dma_wait3A_788 = arith.constant 0 : i32
    %dma_wait3A_789 = tpu.memref_slice %arg5[%dma_wait3A_782, %dma_wait3A_788] : memref<512x50xi32, #tpu.memory_space<vmem>> -> memref<1x50xi32, #tpu.memory_space<vmem>>
    %dma_wait3A_790 = tpu.memref_squeeze %dma_wait3A_789 : memref<1x50xi32, #tpu.memory_space<vmem>> -> memref<50xi32, #tpu.memory_space<vmem>>
    %dma_wait3A_791 = arith.constant 0 : i32
    %dma_wait3A_792 = arith.constant 0 : i32
    %dma_wait3A_793 = tpu.memref_slice %arg2[%dma_wait3A_791, %dma_wait3A_792] : memref<1000000x64xf32, #tpu.memory_space<hbm>> -> memref<1000000x64xf32, #tpu.memory_space<hbm>>
    tpu.wait_indirect_dma semaphore(%arg9 : memref<!tpu.dma_semaphore, #tpu.memory_space<semaphore_mem>>) src(%dma_wait3A_793 : memref<1000000x64xf32, #tpu.memory_space<hbm>>) dst(%dma_wait3A_787 : memref<50x64xf32, #tpu.memory_space<vmem>>)
    %dma_wait3A_794 = arith.constant 0 : i32
    %dma_wait3A_795 = arith.constant 7 : i32
    %dma_wait3A_796 = arith.constant 0 : i32
    %dma_wait3A_797 = arith.constant 0 : i32
    %dma_wait3A_798 = tpu.memref_slice %arg6[%dma_wait3A_795, %dma_wait3A_796, %dma_wait3A_797] : memref<8x50x64xf32, #tpu.memory_space<vmem>> -> memref<1x50x64xf32, #tpu.memory_space<vmem>>
    %dma_wait3A_799 = tpu.memref_squeeze %dma_wait3A_798 : memref<1x50x64xf32, #tpu.memory_space<vmem>> -> memref<50x64xf32, #tpu.memory_space<vmem>>
    %dma_wait3A_800 = arith.constant 0 : i32
    %dma_wait3A_801 = tpu.memref_slice %arg5[%dma_wait3A_794, %dma_wait3A_800] : memref<512x50xi32, #tpu.memory_space<vmem>> -> memref<1x50xi32, #tpu.memory_space<vmem>>
    %dma_wait3A_802 = tpu.memref_squeeze %dma_wait3A_801 : memref<1x50xi32, #tpu.memory_space<vmem>> -> memref<50xi32, #tpu.memory_space<vmem>>
    %dma_wait3A_803 = arith.constant 0 : i32
    %dma_wait3A_804 = arith.constant 0 : i32
    %dma_wait3A_805 = tpu.memref_slice %arg2[%dma_wait3A_803, %dma_wait3A_804] : memref<1000000x64xf32, #tpu.memory_space<hbm>> -> memref<1000000x64xf32, #tpu.memory_space<hbm>>
    tpu.wait_indirect_dma semaphore(%arg9 : memref<!tpu.dma_semaphore, #tpu.memory_space<semaphore_mem>>) src(%dma_wait3A_805 : memref<1000000x64xf32, #tpu.memory_space<hbm>>) dst(%dma_wait3A_799 : memref<50x64xf32, #tpu.memory_space<vmem>>)
    %add3A_806 = arith.constant 504 : i32
    %add3A_807 = arith.addi %mul3A_2, %add3A_806 : i32
    %dma_start3A_808 = arith.constant 0 : i32
    %dma_start3A_809 = arith.constant 0 : i32
    %dma_start3A_810 = tpu.memref_slice %arg4[%add3A_807, %dma_start3A_808, %dma_start3A_809] : memref<16384x56x128xf32, #tpu.memory_space<hbm>> -> memref<8x50x64xf32, #tpu.memory_space<hbm>>
    %dma_start3A_811 = arith.constant 0 : i32
    %dma_start3A_812 = arith.constant 0 : i32
    %dma_start3A_813 = tpu.memref_slice %arg4[%add3A_807, %dma_start3A_811, %dma_start3A_812] : memref<16384x56x128xf32, #tpu.memory_space<hbm>> -> memref<8x50x64xf32, #tpu.memory_space<hbm>>
    tpu.enqueue_dma source(%arg6 : memref<8x50x64xf32, #tpu.memory_space<vmem>>) target(%dma_start3A_813 : memref<8x50x64xf32, #tpu.memory_space<hbm>>) target_semaphore(%arg12 : memref<!tpu.dma_semaphore, #tpu.memory_space<semaphore_mem>>)
    %add3A_814 = arith.constant 0 : i32
    %add3A_815 = arith.addi %mul3A_2, %add3A_814 : i32
    %dma_wait3A_816 = arith.constant 0 : i32
    %dma_wait3A_817 = arith.constant 0 : i32
    %dma_wait3A_818 = tpu.memref_slice %arg4[%add3A_815, %dma_wait3A_816, %dma_wait3A_817] : memref<16384x56x128xf32, #tpu.memory_space<hbm>> -> memref<8x50x64xf32, #tpu.memory_space<hbm>>
    %dma_wait3A_819 = arith.constant 0 : i32
    %dma_wait3A_820 = arith.constant 0 : i32
    %dma_wait3A_821 = tpu.memref_slice %arg4[%add3A_815, %dma_wait3A_819, %dma_wait3A_820] : memref<16384x56x128xf32, #tpu.memory_space<hbm>> -> memref<8x50x64xf32, #tpu.memory_space<hbm>>
    tpu.wait_dma2 semaphore(%arg12 : memref<!tpu.dma_semaphore, #tpu.memory_space<semaphore_mem>>) src(%arg6 : memref<8x50x64xf32, #tpu.memory_space<vmem>>) dst(%dma_wait3A_821 : memref<8x50x64xf32, #tpu.memory_space<hbm>>)
    %add3A_822 = arith.constant 0 : i32
    %add3A_823 = arith.addi %mul3A_2, %add3A_822 : i32
    %dma_wait3A_824 = arith.constant 0 : i32
    %dma_wait3A_825 = arith.constant 0 : i32
    %dma_wait3A_826 = tpu.memref_slice %arg4[%add3A_823, %dma_wait3A_824, %dma_wait3A_825] : memref<16384x56x128xf32, #tpu.memory_space<hbm>> -> memref<8x50x64xf32, #tpu.memory_space<hbm>>
    %dma_wait3A_827 = arith.constant 0 : i32
    %dma_wait3A_828 = arith.constant 0 : i32
    %dma_wait3A_829 = tpu.memref_slice %arg4[%add3A_823, %dma_wait3A_827, %dma_wait3A_828] : memref<16384x56x128xf32, #tpu.memory_space<hbm>> -> memref<8x50x64xf32, #tpu.memory_space<hbm>>
    tpu.wait_dma2 semaphore(%arg13 : memref<!tpu.dma_semaphore, #tpu.memory_space<semaphore_mem>>) src(%arg7 : memref<8x50x64xf32, #tpu.memory_space<vmem>>) dst(%dma_wait3A_829 : memref<8x50x64xf32, #tpu.memory_space<hbm>>)
    %add3A_830 = arith.constant 0 : i32
    %add3A_831 = arith.addi %mul3A_2, %add3A_830 : i32
    %dma_wait3A_832 = arith.constant 0 : i32
    %dma_wait3A_833 = arith.constant 0 : i32
    %dma_wait3A_834 = tpu.memref_slice %arg4[%add3A_831, %dma_wait3A_832, %dma_wait3A_833] : memref<16384x56x128xf32, #tpu.memory_space<hbm>> -> memref<8x50x64xf32, #tpu.memory_space<hbm>>
    %dma_wait3A_835 = arith.constant 0 : i32
    %dma_wait3A_836 = arith.constant 0 : i32
    %dma_wait3A_837 = tpu.memref_slice %arg4[%add3A_831, %dma_wait3A_835, %dma_wait3A_836] : memref<16384x56x128xf32, #tpu.memory_space<hbm>> -> memref<8x50x64xf32, #tpu.memory_space<hbm>>
    tpu.wait_dma2 semaphore(%arg14 : memref<!tpu.dma_semaphore, #tpu.memory_space<semaphore_mem>>) src(%arg8 : memref<8x50x64xf32, #tpu.memory_space<vmem>>) dst(%dma_wait3A_837 : memref<8x50x64xf32, #tpu.memory_space<hbm>>)
    return
  }
}

</mosaic_0001>

<sc_bundles>
// kernel: kernel.3.cloned.1.call-start
scs
__scs_entry_jumppad:
0x0: {  	(pc) =	sbr.rel $0x88, $3  }
0x1: {  	(tag) =	ssettag $0x0;
	lr =	simm.s32 $0x1  }
0x2: {  	[smem:$0x3F9F] =	sst lr;
	_ =	strace $0xD0000000  }
0x3: {  	_ = 	snop  }
0x4: {  	_ = 	snop  }
0x5: {  	_ = 	snop  }
0x6: {  	_ = 	snop  }
0x7: {  	_ = 	snop  }
__scs_overlays_trampoline_lowered:
0x8: {  	[smem:$0x3FAE] =	sst s0  }
0x9: {  	[smem:$0x3FAF] =	sst s1  }
0xa: {  	[smem:$0x3FB0] =	sst s2  }
0xb: {  	[smem:$0x3FB1] =	sst s3  }
0xc: {  	[smem:$0x3FB2] =	sst s4  }
0xd: {  	[smem:$0x3FB3] =	sst s5  }
0xe: {  	[smem:$0x3FB4] =	sst s6  }
0xf: {  	[smem:$0x3FB5] =	sst s7  }
0x10: {  	[smem:$0x3FB6] =	sst s8  }
0x11: {  	[smem:$0x3FB7] =	sst s9;
	s0 =	simm.s32 @!p0 $0x0  }
0x12: {  	s1 =	sld [smem:$0x3F9D];
	s0 =	simm.s32 @p0 $0x1  }
0x13: {  	[smem:$0x3FB8] =	sst s0;
	s0 =	simm.s32 @!p1 $0x0  }
0x14: {  	s2 =	sld [smem:$0x3F9C];
	s0 =	simm.s32 @p1 $0x1  }
0x15: {  	[smem:$0x3FB9] =	sst s0;
	s0 =	simm.s32 @!p2 $0x0  }
0x16: {  	s3 =	sld [smem:$0x3FDB];
	s0 =	simm.s32 @p2 $0x1  }
0x17: {  	s4 =	simm.s32 $0x1BF5;
	[smem:$0x3FBB] =	sst s0  }
0x18: {  	s0 =	sld [smem:$0x3F9E];
	_ =	swait.ge [sflag:s4], $0x0  }
0x19: {  	s7 =	sld [smem:$0x3F9F]  }
0x1a: {  	s8 =	sadd.s32 $0xFFFFE003, lr  }
0x1b: {  	s9 =	sadd.s32 $0xFFFFFEF7, lr;
	s5 =	simm.s32 $0xFFFFFFFF;
	p2 =	slt.u32 s8, $0xFFFFF086  }
0x1c: {  	p1 =	slt.u32 s9, $0xF7A;
	s5 =	simm.s32 @!p2 $0x0  }
0x1d: {  	s5 =	simm.s32 @p1 $0x1;
	p0 =	seq.s32 s7, s2  }
0x1e: {  	s7 =	smul.u32 @!p0 $0xF7A, s2;
	p2 =	seq.s32 @!p0 s5, $0x0  }
0x1f: {  	s9 =	smul.u32 $0xF7A, s1;
	s8 =	simm.s32 @!p0 $0x1BF5;
	p2 =	por !p2, p0  }
0x20: {  	[sflag:s8] =	ssyncset.s32 @!p0 $0xFFFFF086;
	s6 =	sadd.s32 @!p0 s3, s7;
	s7 =	simm.s32 @!p0 $0x108  }
0x21: {  	s3 =	sadd.s32 s3, s9;
	s6 =	sadd.s32 @!p0 $0x88, s6;
	s7 =	simm.s32 @p2 $0x1082  }
0x22: {  	[simem:s7], [sflag:s8] =	dma.local @!p0 [hbm:s6], $0xF7A  }
0x23: {  	s9 =	sor.u32 $0xD0000000, s2;
	s6 =	simm.s32 $0x108;
	_ =	swait.ge @!p0 [sflag:s8], $0x0  }
0x24: {  	s3 =	sadd.s32 $0x88, s3;
	s6 =	simm.s32 @!p1 $0x1082;
	[sflag:s4] =	ssyncset.s32 $0xFFFFF086  }
0x25: {  	[simem:s6], [sflag:s4] =	dma.local [hbm:s3], $0xF7A  }
0x26: {  	[smem:$0x3F9F] =	sst s1;
	(tag) =	ssettag s2;
	_ =	strace s9  }
0x27: {  	s1 =	sld [smem:$0x3FAF]  }
0x28: {  	s2 =	sld [smem:$0x3FB0]  }
0x29: {  	s4 =	sld [smem:$0x3FB2]  }
0x2a: {  	p0 =	seq.s32 s5, $0x0;
	s5 =	sld [smem:$0x3FB3]  }
0x2b: {  	s6 =	sld [smem:$0x3FB4]  }
0x2c: {  	s7 =	sld [smem:$0x3FB5]  }
0x2d: {  	s3 =	simm.s32 $0x108;
	s8 =	sld [smem:$0x3FB6]  }
0x2e: {  	s3 =	simm.s32 @!p0 $0x1082;
	s9 =	sld [smem:$0x3FB7]  }
0x2f: {  	lr =	sadd.s32 s0, s3;
	s0 =	sld [smem:$0x3FAE]  }
0x30: {  	s3 =	sld [smem:$0x3FB1]  }
0x31: {  	[smem:$0x3FBA] =	sst s10  }
0x32: {  	s10 =	sld [smem:$0x3FB8];
	_ =	sdelay $0x3  }
0x33: {  	p0 =	seq.s32 s10, $0x1;
	s10 =	sld [smem:$0x3FBA];
	_ =	sdelay $0x3  }
0x34: {  	[smem:$0x3FBA] =	sst s10  }
0x35: {  	s10 =	sld [smem:$0x3FB9];
	_ =	sdelay $0x3  }
0x36: {  	p1 =	seq.s32 s10, $0x1;
	s10 =	sld [smem:$0x3FBA];
	_ =	sdelay $0x3  }
0x37: {  	[smem:$0x3FBA] =	sst s10  }
0x38: {  	s10 =	sld [smem:$0x3FBB]  }
0x39: {  	_ = 	snop;
	(pc) =	sbr.ind lr, $3  }
0x3a: {  	_ = 	snop  }
0x3b: {  	_ = 	snop  }
0x3c: {  	p2 =	seq.s32 s10, $0x1;
	s10 =	sld [smem:$0x3FBA]  }
0x3d: {  	_ =	shalt  }
0x3e: {  	_ =	shalt  }
0x3f: {  	_ =	shalt  }
0x40: {  	_ =	shalt  }
0x41: {  	_ =	shalt  }
0x42: {  	_ =	shalt  }
0x43: {  	_ =	shalt  }
0x44: {  	_ =	shalt  }
0x45: {  	_ =	shalt  }
0x46: {  	_ =	shalt  }
0x47: {  	_ =	shalt  }
0x48: {  	_ =	shalt  }
0x49: {  	_ =	shalt  }
0x4a: {  	_ =	shalt  }
0x4b: {  	_ =	shalt  }
0x4c: {  	_ =	shalt  }
0x4d: {  	_ =	shalt  }
0x4e: {  	_ =	shalt  }
0x4f: {  	_ =	shalt  }
0x50: {  	_ =	shalt  }
0x51: {  	_ =	shalt  }
0x52: {  	_ =	shalt  }
0x53: {  	_ =	shalt  }
0x54: {  	_ =	shalt  }
0x55: {  	_ =	shalt  }
0x56: {  	_ =	shalt  }
0x57: {  	_ =	shalt  }
0x58: {  	_ =	shalt  }
0x59: {  	_ =	shalt  }
0x5a: {  	_ =	shalt  }
0x5b: {  	_ =	shalt  }
0x5c: {  	_ =	shalt  }
0x5d: {  	_ =	shalt  }
0x5e: {  	_ =	shalt  }
0x5f: {  	_ =	shalt  }
0x60: {  	_ =	shalt  }
0x61: {  	_ =	shalt  }
0x62: {  	_ =	shalt  }
0x63: {  	_ =	shalt  }
0x64: {  	_ =	shalt  }
0x65: {  	_ =	shalt  }
0x66: {  	_ =	shalt  }
0x67: {  	_ =	shalt  }
0x68: {  	_ =	shalt  }
0x69: {  	_ =	shalt  }
0x6a: {  	_ =	shalt  }
0x6b: {  	_ =	shalt  }
0x6c: {  	_ =	shalt  }
0x6d: {  	_ =	shalt  }
0x6e: {  	_ =	shalt  }
0x6f: {  	_ =	shalt  }
0x70: {  	_ =	shalt  }
0x71: {  	_ =	shalt  }
0x72: {  	_ =	shalt  }
0x73: {  	_ =	shalt  }
0x74: {  	_ =	shalt  }
0x75: {  	_ =	shalt  }
0x76: {  	_ =	shalt  }
0x77: {  	_ =	shalt  }
0x78: {  	_ =	shalt  }
0x79: {  	_ =	shalt  }
0x7a: {  	_ =	shalt  }
0x7b: {  	_ =	shalt  }
0x7c: {  	_ =	shalt  }
0x7d: {  	_ =	shalt  }
0x7e: {  	_ =	shalt  }
0x7f: {  	_ =	shalt  }
0x80: {  	_ =	shalt  }
0x81: {  	_ =	shalt  }
0x82: {  	_ =	shalt  }
0x83: {  	_ =	shalt  }
0x84: {  	_ =	shalt  }
0x85: {  	_ =	shalt  }
0x86: {  	_ =	shalt  }
0x87: {  	_ =	shalt  }
.Lfunc_end0:
.L_simem_size_0:
called_computation.1_lowered:
.L_overlay_start_0:
0x88: {  	s2 =	sld [smem:$0x3FD9]  }
0x89: {  	s3 =	sld [smem:$0x3FFE];
	_ =	sdelay $0x1  }
0x8a: {  	s1 =	srdreg.scid  }
0x8b: {  	s0 =	sand.u32 $0x1, s1  }
0x8c: {  	s17 =	sshll.u32 s0, $0xA;
	s2 =	sadd.s32 s3, s2  }
0x8d: {  	s2 =	sadd.s32 s2, s17  }
0x8e: {  	[smem:$0x3FC6] =	sst s2  }
0x8f: {  	_ = 	snop  }
0x90: {  	s2 =	sld [smem:$0x3FD0];
	(tm) =	ssettm $0x1  }
0x91: {  	s18 =	sld [smem:$0x3FFB];
	_ =	sdelay $0x3  }
0x92: {  	_ =	strace s18  }
0x93: {  	s3 =	sld [smem:$0x3FFC];
	_ =	sdelay $0x3  }
0x94: {  	_ =	strace s3  }
0x95: {  	s3 =	sld [smem:$0x3FFD];
	_ =	sdelay $0x3  }
0x96: {  	_ =	strace s3  }
0x97: {  	_ =	strace $0x8FFFFFFF  }
0x98: {  	s19 =	sld [smem:$0x3FDB];
	_ =	sdelay $0x1  }
0x99: {  	s4 =	simm.s32 $_scs_section_size  }
0x9a: {  	s5 =	simm.s32 $_size__tile_overlayer_lowered;
	s6 =	simm.s32 $_tile_overlayer_lowered  }
0x9b: {  	s22 =	simm.s32 $0x1BFF;
	s21 =	sshll.u32 s6, $0x1;
	s3 =	sadd.s32 s4, s19  }
0x9c: {  	s7 =	simm.s32 $0x0;
	s20 =	sshll.u32 s5, $0x1;
	s5 =	sadd.s32 s21, s3  }
0x9d: {  	[timem:s7], [sflag:s22] =	dma.local [hbm:s5], s20  }
0x9e: {  	_ =	swait.ge [sflag:s22], s20  }
0x9f: {  	s4 =	ssub.s32 $0x0, s20;
	[sflag:s22] =	ssyncset.done $0x0  }
0xa0: {  	[sflag:s22] =	ssyncadd.s32 s4;
	_ =	sdelay $0x1  }
0xa1: {  	s23 =	simm.s32 $0x1B8B  }
0xa2: {  	_ =	swait.ge [sflag:s23], $0x1  }
0xa3: {  	[sflag:s23] =	ssyncset.done $0x0  }
0xa4: {  	s25 =	simm.s32 $0x1B8E;
	s24 =	sld [smem:$0x3FFE];
	[sflag:s23] =	ssyncadd.s32 $0xFFFFFFFF  }
0xa5: {  	s26 =	simm.s32 $execute0_lowered;
	[smem:$0x3FD2] =	sst s25  }
0xa6: {  	s5 =	sshll.u32 s26, $0x1;
	_ =	strace $0x80000046;
	[dreg:$0x1] =	wrdreg $0xFFFFFFFF  }
0xa7: {  	s28 =	simm.s32 $_size_execute0_lowered;
	s3 =	sadd.s32 s3, s5;
	[dreg:$0x0] =	wrdreg $0x0  }
0xa8: {  	s5 =	sshll.u32 s28, $0x1;
	[dreg:$0x2] =	wrdreg s3  }
0xa9: {  	[dreg:$0x3] =	wrdreg s5  }
0xaa: {  	[dreg:$0x4] =	wrdreg $0xC0  }
0xab: {  	_ =	task [dreg:s7], $0x5FFFF  }
0xac: {  	[dreg:$0x1] =	wrdreg $0xFFFFFFFF  }
0xad: {  	[dreg:$0x0] =	wrdreg $0x60  }
0xae: {  	[dreg:$0x2] =	wrdreg s24  }
0xaf: {  	[dreg:$0x3] =	wrdreg s2  }
0xb0: {  	[dreg:$0x4] =	wrdreg $0x9  }
0xb1: {  	_ =	task.clear_ibuf [dreg:s7], $0x5FFFF;
	_ =	strace $0x90000046  }
0xb2: {  	s29 =	simm.s32 $0x9;
	_ =	strace $0x80000048  }
0xb3: {  	_ =	swait.ge [sflag:s29], $0x1  }
0xb4: {  	[sflag:s29] =	ssyncadd.s32 $0xFFFFFFFF  }
0xb5: {  	_ =	strace $0x90000048  }
0xb6: {  	_ =	sfence  }
0xb7: {  	s30 =	sld [smem:$0x0];
	_ =	sdelay $0x2  }
0xb8: {  	s31 =	sshll.u32 s1, $0xD;
	s1 =	sshrl.u32 s1, $0x2  }
0xb9: {  	s3 =	sand.u32 $0x4000, s31;
	s1 =	sadd.s32 s1, s30  }
0xba: {  	s0 =	sor.u32 s3, s0;
	s1 =	sshll.u32 s1, $0x11  }
0xbb: {  	s0 =	sor.u32 s1, s0  }
0xbc: {  	s0 =	sadd.s32 $0x8F2B, s0  }
0xbd: {  	[sflag:s0] =	ssyncadd.remote.s32 $0x1  }
0xbe: {  	_ =	sfence.sel $0xFFFF  }
0xbf: {  	[dreg:$0x0] =	wrdreg $0xFFFFFFFF;
	(pc) =	sbr.abs _section_cstart, $3  }
0xc0: {  	[dreg:$0x1] =	wrdreg $0xFFFFFFFF  }
0xc1: {  	_ =	task.clear_ibuf [dreg:s7], $0x2FFFF;
	_ =	strace $0x9FFFFFFF  }
0xc2: {  	(tm) =	ssettm $0x7FFFFFFF  }
0xc3: {  	_ =	shalt  }
tec
execute0_lowered:
.L_overlay_start_1:
0x0: {  	(tag) =	ssettag $0x1  }
0x1: {  	s0 =	srdreg.scid;
	s1 =	rddreg [dreg:$0x0]  }
0x2: {  	s9 =	stileid.u32;
	s2 =	rddreg [dreg:$0x1]  }
0x3: {  	s5 =	simm.s32 $0x0;
	s12 =	simm.s32 $0x32;
	s0 =	sand.u32 $0x1, s0  }
0x4: {  	s20 =	simm.s32 $0x1;
	s3 =	sshll.u32 s9, $0xA;
	s4 =	sshll.u32 s0, $0x9  }
0x5: {  	s29 =	simm.s32 $0x80;
	s23 =	smul.u32 $0xE0000, s9;
	s4 =	sor.u32 s4, s3  }
0x6: {  	s13 =	simm.s32 $0x3;
	s6 =	ssub.s32 $0x2, s0;
	s22 =	smul.u32 $0x7, s4  }
0x7: {  	[smem:$0x7FF] =	sst s5;
	s8 =	sshrl.u32 s6, $0x1;
	s7 =	smul.u32 $0x380, s4  }
0x8: {  	_ =	strace $0x80000047;
	s4 =	smul.u32 $0x1C00, s4;
	s6 =	ssub.s32 s6, s8  }
0x9: {  	s3 =	sadd.s32 $0xF42E00, s1;
	s1 =	sadd.s32 $0xA00, s1;
	s31 =	smax.u32 s6, $0x1  }
0xa: {  	s2 =	sadd.s32 s2, s22;
	s24 =	sshrl.u32 s4, $0x3;
	[dreg:$0x8] =	wrdreg s31  }
0xb: {  	s25 =	sadd.s32 s1, s7;
	[dreg:$0x3] =	wrdreg s2;
	s2 =	sadd.s32 s1, s24  }
0xc: {  	s0 =	smul.u32 $0x70000, s0;
	[dreg:$0x4] =	wrdreg s25;
	s26 =	sadd.s32 $0x6AC00, s2  }
0xd: {  	s1 =	sadd.s32 s23, s1;
	s28 =	sadd.s32 $0x6C800, s2;
	[dreg:$0x5] =	wrdreg s26  }
0xe: {  	s0 =	sadd.s32 s0, s1;
	s30 =	sadd.s32 $0x6E400, s2;
	[dreg:$0x6] =	wrdreg s28  }
0xf: {  	s8 =	simm.s32 $0x2;
	[dreg:$0x7] =	wrdreg s30;
	s0 =	sadd.s32 $0x3800, s0  }
0x10: {  	s24 =	simm.s32 $0x40;
	s1 =	simm.s32 $0x0;
	[dreg:$0x9] =	wrdreg s0  }
.LBB2_1:
0x11: {  	[dreg:$0xa] =	wrdreg s1  }
0x12: {  	s19 =	simm.s32 $0x0;
	s21 =	rddreg [dreg:$0x3];
	s31 =	simm.s32 $0x7  }
0x13: {  	[tilespmem:s19], [sflag:$0x7] =	stream.linear.gather [hbm4b:s21+s19], $0x7000, $0x38;
	[tilespmem:$0x19C00] =	vst v63  }
0x14: {  	_ =	swait.ge [sflag:s31], $0x7000  }
0x15: {  	[sflag:s31] =	ssyncset.done $0x0  }
0x16: {  	s23 =	simm.s32 $0x7000;
	[sflag:s31] =	ssyncadd.s32 $0xFFFF9000  }
0x17: {  	[tilespmem:s23], [sflag:$0x1] =	stream.indirect.gather [hbm4b:s3+s12], $0x40, s19, s12, $0xb8;
	[tilespmem:$0x19C00] =	vst v63  }
0x18: {  	s0 =	simm.s32 $0x38;
	s25 =	simm.s32 $0x7C80  }
0x19: {  	[tilespmem:s25], [sflag:$0x1] =	stream.indirect.gather [hbm4b:s3+s12], $0x40, s0, s12, $0xb8;
	[tilespmem:$0x19C00] =	vst v63  }
0x1a: {  	s1 =	simm.s32 $0x70;
	s28 =	simm.s32 $0x8900  }
0x1b: {  	[tilespmem:s28], [sflag:$0x1] =	stream.indirect.gather [hbm4b:s3+s12], $0x40, s1, s12, $0xb8;
	[tilespmem:$0x19C00] =	vst v63  }
0x1c: {  	s2 =	simm.s32 $0xA8;
	s30 =	simm.s32 $0x9580  }
0x1d: {  	[tilespmem:s30], [sflag:$0x1] =	stream.indirect.gather [hbm4b:s3+s12], $0x40, s2, s12, $0xb8;
	[tilespmem:$0x19C00] =	vst v63  }
0x1e: {  	s4 =	simm.s32 $0xE0;
	s14 =	simm.s32 $0xA200  }
0x1f: {  	[tilespmem:s14], [sflag:$0x1] =	stream.indirect.gather [hbm4b:s3+s12], $0x40, s4, s12, $0xb8;
	[tilespmem:$0x19C00] =	vst v63  }
0x20: {  	s5 =	simm.s32 $0x118;
	s18 =	simm.s32 $0xAE80  }
0x21: {  	[tilespmem:s18], [sflag:$0x1] =	stream.indirect.gather [hbm4b:s3+s12], $0x40, s5, s12, $0xb8;
	[tilespmem:$0x19C00] =	vst v63  }
0x22: {  	s6 =	simm.s32 $0x150;
	s22 =	simm.s32 $0xBB00  }
0x23: {  	[tilespmem:s22], [sflag:$0x1] =	stream.indirect.gather [hbm4b:s3+s12], $0x40, s6, s12, $0xb8;
	[tilespmem:$0x19C00] =	vst v63  }
0x24: {  	s7 =	simm.s32 $0x188;
	s26 =	simm.s32 $0xC780  }
0x25: {  	[tilespmem:s26], [sflag:$0x1] =	stream.indirect.gather [hbm4b:s3+s12], $0x40, s7, s12, $0xb8;
	[tilespmem:$0x19C00] =	vst v63  }
0x26: {  	s9 =	simm.s32 $0x1C0;
	s16 =	simm.s32 $0xD400  }
0x27: {  	[tilespmem:s16], [sflag:$0x2] =	stream.indirect.gather [hbm4b:s3+s12], $0x40, s9, s12, $0xb8;
	[tilespmem:$0x19C00] =	vst v63  }
0x28: {  	s0 =	simm.s32 $0x1F8;
	s4 =	simm.s32 $0xE080  }
0x29: {  	[tilespmem:s4], [sflag:$0x2] =	stream.indirect.gather [hbm4b:s3+s12], $0x40, s0, s12, $0xb8;
	[tilespmem:$0x19C00] =	vst v63  }
0x2a: {  	s10 =	simm.s32 $0x230;
	s5 =	simm.s32 $0xED00  }
0x2b: {  	[tilespmem:s5], [sflag:$0x2] =	stream.indirect.gather [hbm4b:s3+s12], $0x40, s10, s12, $0xb8;
	[tilespmem:$0x19C00] =	vst v63  }
0x2c: {  	s11 =	simm.s32 $0x268;
	s6 =	simm.s32 $0xF980  }
0x2d: {  	[tilespmem:s6], [sflag:$0x2] =	stream.indirect.gather [hbm4b:s3+s12], $0x40, s11, s12, $0xb8;
	[tilespmem:$0x19C00] =	vst v63  }
0x2e: {  	s15 =	simm.s32 $0x2A0;
	s9 =	simm.s32 $0x10600  }
0x2f: {  	[tilespmem:s9], [sflag:$0x2] =	stream.indirect.gather [hbm4b:s3+s12], $0x40, s15, s12, $0xb8;
	[tilespmem:$0x19C00] =	vst v63  }
0x30: {  	s17 =	simm.s32 $0x2D8;
	s11 =	simm.s32 $0x11280  }
0x31: {  	[tilespmem:s11], [sflag:$0x2] =	stream.indirect.gather [hbm4b:s3+s12], $0x40, s17, s12, $0xb8;
	[tilespmem:$0x19C00] =	vst v63  }
0x32: {  	s19 =	simm.s32 $0x310;
	s7 =	simm.s32 $0x11F00  }
0x33: {  	[tilespmem:s7], [sflag:$0x2] =	stream.indirect.gather [hbm4b:s3+s12], $0x40, s19, s12, $0xb8;
	[tilespmem:$0x19C00] =	vst v63  }
0x34: {  	s21 =	simm.s32 $0x348;
	s10 =	simm.s32 $0x12B80  }
0x35: {  	[tilespmem:s10], [sflag:$0x2] =	stream.indirect.gather [hbm4b:s3+s12], $0x40, s21, s12, $0xb8;
	[tilespmem:$0x19C00] =	vst v63  }
0x36: {  	_ =	swait.ge [sflag:s20], $0xC80  }
0x37: {  	[sflag:s20] =	ssyncset.done $0x0  }
0x38: {  	[sflag:s20] =	ssyncadd.s32 $0xFFFFF380  }
0x39: {  	_ =	swait.ge [sflag:s20], $0xC80  }
0x3a: {  	[sflag:s20] =	ssyncset.done $0x0  }
0x3b: {  	[sflag:s20] =	ssyncadd.s32 $0xFFFFF380  }
0x3c: {  	_ =	swait.ge [sflag:s20], $0xC80  }
0x3d: {  	[sflag:s20] =	ssyncset.done $0x0  }
0x3e: {  	[sflag:s20] =	ssyncadd.s32 $0xFFFFF380  }
0x3f: {  	_ =	swait.ge [sflag:s20], $0xC80  }
0x40: {  	[sflag:s20] =	ssyncset.done $0x0  }
0x41: {  	[sflag:s20] =	ssyncadd.s32 $0xFFFFF380  }
0x42: {  	_ =	swait.ge [sflag:s20], $0xC80  }
0x43: {  	[sflag:s20] =	ssyncset.done $0x0  }
0x44: {  	[sflag:s20] =	ssyncadd.s32 $0xFFFFF380  }
0x45: {  	_ =	swait.ge [sflag:s20], $0xC80  }
0x46: {  	[sflag:s20] =	ssyncset.done $0x0  }
0x47: {  	[sflag:s20] =	ssyncadd.s32 $0xFFFFF380  }
0x48: {  	_ =	swait.ge [sflag:s20], $0xC80  }
0x49: {  	[sflag:s20] =	ssyncset.done $0x0  }
0x4a: {  	[sflag:s20] =	ssyncadd.s32 $0xFFFFF380  }
0x4b: {  	_ =	swait.ge [sflag:s20], $0xC80  }
0x4c: {  	[sflag:s20] =	ssyncset.done $0x0  }
0x4d: {  	s21 =	rddreg [dreg:$0x4];
	[sflag:s20] =	ssyncadd.s32 $0xFFFFF380  }
0x4e: {  	[hbm4b:s21+s24] =	stream.strided.scatter [tilespmem:s23], [sflag:$0x4], $0xC80, s29, s24, $0x38;
	[tilespmem:$0x19C00] =	vst v63  }
0x4f: {  	s31 =	sadd.s32 $0x380, s21  }
0x50: {  	[hbm4b:s31+s24] =	stream.strided.scatter [tilespmem:s25], [sflag:$0x4], $0xC80, s29, s24, $0x38;
	[tilespmem:$0x19C00] =	vst v63  }
0x51: {  	s0 =	sadd.s32 $0x700, s21  }
0x52: {  	[hbm4b:s0+s24] =	stream.strided.scatter [tilespmem:s28], [sflag:$0x4], $0xC80, s29, s24, $0x38;
	[tilespmem:$0x19C00] =	vst v63  }
0x53: {  	s1 =	sadd.s32 $0xA80, s21  }
0x54: {  	[hbm4b:s1+s24] =	stream.strided.scatter [tilespmem:s30], [sflag:$0x4], $0xC80, s29, s24, $0x38;
	[tilespmem:$0x19C00] =	vst v63  }
0x55: {  	s2 =	sadd.s32 $0xE00, s21  }
0x56: {  	[hbm4b:s2+s24] =	stream.strided.scatter [tilespmem:s14], [sflag:$0x4], $0xC80, s29, s24, $0x38;
	[tilespmem:$0x19C00] =	vst v63  }
0x57: {  	s15 =	sadd.s32 $0x1180, s21  }
0x58: {  	[hbm4b:s15+s24] =	stream.strided.scatter [tilespmem:s18], [sflag:$0x4], $0xC80, s29, s24, $0x38;
	[tilespmem:$0x19C00] =	vst v63  }
0x59: {  	s17 =	sadd.s32 $0x1500, s21  }
0x5a: {  	[hbm4b:s17+s24] =	stream.strided.scatter [tilespmem:s22], [sflag:$0x4], $0xC80, s29, s24, $0x38;
	[tilespmem:$0x19C00] =	vst v63  }
0x5b: {  	s21 =	sadd.s32 $0x1880, s21  }
0x5c: {  	[hbm4b:s21+s24] =	stream.strided.scatter [tilespmem:s26], [sflag:$0x4], $0xC80, s29, s24, $0x38;
	[tilespmem:$0x19C00] =	vst v63  }
0x5d: {  	s31 =	simm.s32 $0x380;
	s15 =	simm.s32 $0x13800  }
0x5e: {  	[tilespmem:s15], [sflag:$0x3] =	stream.indirect.gather [hbm4b:s3+s12], $0x40, s31, s12, $0xb8;
	[tilespmem:$0x19C00] =	vst v63  }
0x5f: {  	s1 =	simm.s32 $0x3B8;
	s17 =	simm.s32 $0x14480  }
0x60: {  	[tilespmem:s17], [sflag:$0x3] =	stream.indirect.gather [hbm4b:s3+s12], $0x40, s1, s12, $0xb8;
	[tilespmem:$0x19C00] =	vst v63  }
0x61: {  	s2 =	simm.s32 $0x3F0;
	s31 =	simm.s32 $0x15100  }
0x62: {  	[tilespmem:s31], [sflag:$0x3] =	stream.indirect.gather [hbm4b:s3+s12], $0x40, s2, s12, $0xb8;
	[tilespmem:$0x19C00] =	vst v63  }
0x63: {  	s19 =	simm.s32 $0x428;
	s21 =	simm.s32 $0x15D80  }
0x64: {  	[tilespmem:s21], [sflag:$0x3] =	stream.indirect.gather [hbm4b:s3+s12], $0x40, s19, s12, $0xb8;
	[tilespmem:$0x19C00] =	vst v63  }
0x65: {  	s1 =	simm.s32 $0x460;
	s2 =	simm.s32 $0x16A00  }
0x66: {  	[tilespmem:s2], [sflag:$0x3] =	stream.indirect.gather [hbm4b:s3+s12], $0x40, s1, s12, $0xb8;
	[tilespmem:$0x19C00] =	vst v63  }
0x67: {  	s19 =	simm.s32 $0x498;
	s21 =	simm.s32 $0x17680  }
0x68: {  	[tilespmem:s21], [sflag:$0x3] =	stream.indirect.gather [hbm4b:s3+s12], $0x40, s19, s12, $0xb8;
	[tilespmem:$0x19C00] =	vst v63  }
0x69: {  	s2 =	simm.s32 $0x4D0;
	s19 =	simm.s32 $0x18300  }
0x6a: {  	[tilespmem:s19], [sflag:$0x3] =	stream.indirect.gather [hbm4b:s3+s12], $0x40, s2, s12, $0xb8;
	[tilespmem:$0x19C00] =	vst v63  }
0x6b: {  	s21 =	simm.s32 $0x508;
	s2 =	simm.s32 $0x18F80  }
0x6c: {  	[tilespmem:s2], [sflag:$0x3] =	stream.indirect.gather [hbm4b:s3+s12], $0x40, s21, s12, $0xb8;
	[tilespmem:$0x19C00] =	vst v63  }
0x6d: {  	_ =	swait.ge [sflag:s8], $0xC80  }
0x6e: {  	[sflag:s8] =	ssyncset.done $0x0  }
0x6f: {  	[sflag:s8] =	ssyncadd.s32 $0xFFFFF380  }
0x70: {  	_ =	swait.ge [sflag:s8], $0xC80  }
0x71: {  	[sflag:s8] =	ssyncset.done $0x0  }
0x72: {  	[sflag:s8] =	ssyncadd.s32 $0xFFFFF380  }
0x73: {  	_ =	swait.ge [sflag:s8], $0xC80  }
0x74: {  	[sflag:s8] =	ssyncset.done $0x0  }
0x75: {  	[sflag:s8] =	ssyncadd.s32 $0xFFFFF380  }
0x76: {  	_ =	swait.ge [sflag:s8], $0xC80  }
0x77: {  	[sflag:s8] =	ssyncset.done $0x0  }
0x78: {  	[sflag:s8] =	ssyncadd.s32 $0xFFFFF380  }
0x79: {  	_ =	swait.ge [sflag:s8], $0xC80  }
0x7a: {  	[sflag:s8] =	ssyncset.done $0x0  }
0x7b: {  	[sflag:s8] =	ssyncadd.s32 $0xFFFFF380  }
0x7c: {  	_ =	swait.ge [sflag:s8], $0xC80  }
0x7d: {  	[sflag:s8] =	ssyncset.done $0x0  }
0x7e: {  	[sflag:s8] =	ssyncadd.s32 $0xFFFFF380  }
0x7f: {  	_ =	swait.ge [sflag:s8], $0xC80  }
0x80: {  	[sflag:s8] =	ssyncset.done $0x0  }
0x81: {  	[sflag:s8] =	ssyncadd.s32 $0xFFFFF380  }
0x82: {  	_ =	swait.ge [sflag:s8], $0xC80  }
0x83: {  	[sflag:s8] =	ssyncset.done $0x0;
	s21 =	rddreg [dreg:$0x9]  }
0x84: {  	[sflag:s8] =	ssyncadd.s32 $0xFFFFF380;
	s0 =	sadd.s32 $0xFFFFE400, s21  }
0x85: {  	[hbm4b:s0+s24] =	stream.strided.scatter [tilespmem:s16], [sflag:$0x5], $0xC80, s29, s24, $0x38;
	[tilespmem:$0x19C00] =	vst v63  }
0x86: {  	s1 =	sadd.s32 $0xFFFFE780, s21  }
0x87: {  	[hbm4b:s1+s24] =	stream.strided.scatter [tilespmem:s4], [sflag:$0x5], $0xC80, s29, s24, $0x38;
	[tilespmem:$0x19C00] =	vst v63  }
0x88: {  	s0 =	sadd.s32 $0xFFFFEB00, s21  }
0x89: {  	[hbm4b:s0+s24] =	stream.strided.scatter [tilespmem:s5], [sflag:$0x5], $0xC80, s29, s24, $0x38;
	[tilespmem:$0x19C00] =	vst v63  }
0x8a: {  	s1 =	sadd.s32 $0xFFFFEE80, s21  }
0x8b: {  	[hbm4b:s1+s24] =	stream.strided.scatter [tilespmem:s6], [sflag:$0x5], $0xC80, s29, s24, $0x38;
	[tilespmem:$0x19C00] =	vst v63  }
0x8c: {  	s0 =	sadd.s32 $0xFFFFF200, s21  }
0x8d: {  	[hbm4b:s0+s24] =	stream.strided.scatter [tilespmem:s9], [sflag:$0x5], $0xC80, s29, s24, $0x38;
	[tilespmem:$0x19C00] =	vst v63  }
0x8e: {  	s1 =	sadd.s32 $0xFFFFF580, s21  }
0x8f: {  	[hbm4b:s1+s24] =	stream.strided.scatter [tilespmem:s11], [sflag:$0x5], $0xC80, s29, s24, $0x38;
	[tilespmem:$0x19C00] =	vst v63  }
0x90: {  	s0 =	sadd.s32 $0xFFFFF900, s21  }
0x91: {  	[hbm4b:s0+s24] =	stream.strided.scatter [tilespmem:s7], [sflag:$0x5], $0xC80, s29, s24, $0x38;
	[tilespmem:$0x19C00] =	vst v63  }
0x92: {  	s19 =	simm.s32 $0x4;
	s1 =	sadd.s32 $0xFFFFFC80, s21  }
0x93: {  	[hbm4b:s1+s24] =	stream.strided.scatter [tilespmem:s10], [sflag:$0x5], $0xC80, s29, s24, $0x38;
	[tilespmem:$0x19C00] =	vst v63  }
0x94: {  	_ =	swait.ge [sflag:s19], $0x6400  }
0x95: {  	[sflag:s19] =	ssyncset.done $0x0  }
0x96: {  	s0 =	simm.s32 $0x540;
	[sflag:s19] =	ssyncadd.s32 $0xFFFF9C00  }
0x97: {  	[tilespmem:s23], [sflag:$0x1] =	stream.indirect.gather [hbm4b:s3+s12], $0x40, s0, s12, $0xb8;
	[tilespmem:$0x19C00] =	vst v63  }
0x98: {  	s1 =	simm.s32 $0x578  }
0x99: {  	[tilespmem:s25], [sflag:$0x1] =	stream.indirect.gather [hbm4b:s3+s12], $0x40, s1, s12, $0xb8;
	[tilespmem:$0x19C00] =	vst v63  }
0x9a: {  	s0 =	simm.s32 $0x5B0  }
0x9b: {  	[tilespmem:s28], [sflag:$0x1] =	stream.indirect.gather [hbm4b:s3+s12], $0x40, s0, s12, $0xb8;
	[tilespmem:$0x19C00] =	vst v63  }
0x9c: {  	s1 =	simm.s32 $0x5E8  }
0x9d: {  	[tilespmem:s30], [sflag:$0x1] =	stream.indirect.gather [hbm4b:s3+s12], $0x40, s1, s12, $0xb8;
	[tilespmem:$0x19C00] =	vst v63  }
0x9e: {  	s0 =	simm.s32 $0x620  }
0x9f: {  	[tilespmem:s14], [sflag:$0x1] =	stream.indirect.gather [hbm4b:s3+s12], $0x40, s0, s12, $0xb8;
	[tilespmem:$0x19C00] =	vst v63  }
0xa0: {  	s1 =	simm.s32 $0x658  }
0xa1: {  	[tilespmem:s18], [sflag:$0x1] =	stream.indirect.gather [hbm4b:s3+s12], $0x40, s1, s12, $0xb8;
	[tilespmem:$0x19C00] =	vst v63  }
0xa2: {  	s0 =	simm.s32 $0x690  }
0xa3: {  	[tilespmem:s22], [sflag:$0x1] =	stream.indirect.gather [hbm4b:s3+s12], $0x40, s0, s12, $0xb8;
	[tilespmem:$0x19C00] =	vst v63  }
0xa4: {  	s1 =	simm.s32 $0x6C8  }
0xa5: {  	[tilespmem:s26], [sflag:$0x1] =	stream.indirect.gather [hbm4b:s3+s12], $0x40, s1, s12, $0xb8;
	[tilespmem:$0x19C00] =	vst v63  }
0xa6: {  	_ =	swait.ge [sflag:s13], $0xC80  }
0xa7: {  	[sflag:s13] =	ssyncset.done $0x0  }
0xa8: {  	[sflag:s13] =	ssyncadd.s32 $0xFFFFF380  }
0xa9: {  	_ =	swait.ge [sflag:s13], $0xC80  }
0xaa: {  	[sflag:s13] =	ssyncset.done $0x0  }
0xab: {  	[sflag:s13] =	ssyncadd.s32 $0xFFFFF380  }
0xac: {  	_ =	swait.ge [sflag:s13], $0xC80  }
0xad: {  	[sflag:s13] =	ssyncset.done $0x0  }
0xae: {  	[sflag:s13] =	ssyncadd.s32 $0xFFFFF380  }
0xaf: {  	_ =	swait.ge [sflag:s13], $0xC80  }
0xb0: {  	[sflag:s13] =	ssyncset.done $0x0  }
0xb1: {  	[sflag:s13] =	ssyncadd.s32 $0xFFFFF380  }
0xb2: {  	_ =	swait.ge [sflag:s13], $0xC80  }
0xb3: {  	[sflag:s13] =	ssyncset.done $0x0  }
0xb4: {  	[sflag:s13] =	ssyncadd.s32 $0xFFFFF380  }
0xb5: {  	_ =	swait.ge [sflag:s13], $0xC80  }
0xb6: {  	[sflag:s13] =	ssyncset.done $0x0  }
0xb7: {  	[sflag:s13] =	ssyncadd.s32 $0xFFFFF380  }
0xb8: {  	_ =	swait.ge [sflag:s13], $0xC80  }
0xb9: {  	[sflag:s13] =	ssyncset.done $0x0  }
0xba: {  	[sflag:s13] =	ssyncadd.s32 $0xFFFFF380  }
0xbb: {  	_ =	swait.ge [sflag:s13], $0xC80  }
0xbc: {  	[sflag:s13] =	ssyncset.done $0x0  }
0xbd: {  	[sflag:s13] =	ssyncadd.s32 $0xFFFFF380  }
0xbe: {  	[hbm4b:s21+s24] =	stream.strided.scatter [tilespmem:s15], [sflag:$0x6], $0xC80, s29, s24, $0x38;
	[tilespmem:$0x19C00] =	vst v63  }
0xbf: {  	s0 =	sadd.s32 $0x380, s21  }
0xc0: {  	[hbm4b:s0+s24] =	stream.strided.scatter [tilespmem:s17], [sflag:$0x6], $0xC80, s29, s24, $0x38;
	[tilespmem:$0x19C00] =	vst v63  }
0xc1: {  	s1 =	sadd.s32 $0x700, s21  }
0xc2: {  	[hbm4b:s1+s24] =	stream.strided.scatter [tilespmem:s31], [sflag:$0x6], $0xC80, s29, s24, $0x38;
	[tilespmem:$0x19C00] =	vst v63  }
0xc3: {  	s0 =	sadd.s32 $0xA80, s21;
	s1 =	simm.s32 $0x15D80  }
0xc4: {  	[hbm4b:s0+s24] =	stream.strided.scatter [tilespmem:s1], [sflag:$0x6], $0xC80, s29, s24, $0x38;
	[tilespmem:$0x19C00] =	vst v63  }
0xc5: {  	s0 =	sadd.s32 $0xE00, s21;
	s1 =	simm.s32 $0x16A00  }
0xc6: {  	[hbm4b:s0+s24] =	stream.strided.scatter [tilespmem:s1], [sflag:$0x6], $0xC80, s29, s24, $0x38;
	[tilespmem:$0x19C00] =	vst v63  }
0xc7: {  	s0 =	sadd.s32 $0x1180, s21;
	s1 =	simm.s32 $0x17680  }
0xc8: {  	[hbm4b:s0+s24] =	stream.strided.scatter [tilespmem:s1], [sflag:$0x6], $0xC80, s29, s24, $0x38;
	[tilespmem:$0x19C00] =	vst v63  }
0xc9: {  	s19 =	sadd.s32 $0x1500, s21;
	s0 =	simm.s32 $0x18300  }
0xca: {  	[hbm4b:s19+s24] =	stream.strided.scatter [tilespmem:s0], [sflag:$0x6], $0xC80, s29, s24, $0x38;
	[tilespmem:$0x19C00] =	vst v63  }
0xcb: {  	s0 =	sadd.s32 $0x1880, s21;
	s19 =	simm.s32 $0x5  }
0xcc: {  	[hbm4b:s0+s24] =	stream.strided.scatter [tilespmem:s2], [sflag:$0x6], $0xC80, s29, s24, $0x38;
	[tilespmem:$0x19C00] =	vst v63  }
0xcd: {  	_ =	swait.ge [sflag:s19], $0x6400  }
0xce: {  	[sflag:s19] =	ssyncset.done $0x0  }
0xcf: {  	s0 =	simm.s32 $0x700;
	[sflag:s19] =	ssyncadd.s32 $0xFFFF9C00  }
0xd0: {  	[tilespmem:s16], [sflag:$0x2] =	stream.indirect.gather [hbm4b:s3+s12], $0x40, s0, s12, $0xb8;
	[tilespmem:$0x19C00] =	vst v63  }
0xd1: {  	s2 =	simm.s32 $0x738  }
0xd2: {  	[tilespmem:s4], [sflag:$0x2] =	stream.indirect.gather [hbm4b:s3+s12], $0x40, s2, s12, $0xb8;
	[tilespmem:$0x19C00] =	vst v63  }
0xd3: {  	s4 =	simm.s32 $0x770  }
0xd4: {  	[tilespmem:s5], [sflag:$0x2] =	stream.indirect.gather [hbm4b:s3+s12], $0x40, s4, s12, $0xb8;
	[tilespmem:$0x19C00] =	vst v63  }
0xd5: {  	s5 =	simm.s32 $0x7A8  }
0xd6: {  	[tilespmem:s6], [sflag:$0x2] =	stream.indirect.gather [hbm4b:s3+s12], $0x40, s5, s12, $0xb8;
	[tilespmem:$0x19C00] =	vst v63  }
0xd7: {  	s6 =	simm.s32 $0x7E0  }
0xd8: {  	[tilespmem:s9], [sflag:$0x2] =	stream.indirect.gather [hbm4b:s3+s12], $0x40, s6, s12, $0xb8;
	[tilespmem:$0x19C00] =	vst v63  }
0xd9: {  	s9 =	simm.s32 $0x818  }
0xda: {  	[tilespmem:s11], [sflag:$0x2] =	stream.indirect.gather [hbm4b:s3+s12], $0x40, s9, s12, $0xb8;
	[tilespmem:$0x19C00] =	vst v63  }
0xdb: {  	s11 =	simm.s32 $0x850  }
0xdc: {  	[tilespmem:s7], [sflag:$0x2] =	stream.indirect.gather [hbm4b:s3+s12], $0x40, s11, s12, $0xb8;
	[tilespmem:$0x19C00] =	vst v63  }
0xdd: {  	s16 =	simm.s32 $0x888  }
0xde: {  	[tilespmem:s10], [sflag:$0x2] =	stream.indirect.gather [hbm4b:s3+s12], $0x40, s16, s12, $0xb8;
	[tilespmem:$0x19C00] =	vst v63  }
0xdf: {  	_ =	swait.ge [sflag:s20], $0xC80  }
0xe0: {  	[sflag:s20] =	ssyncset.done $0x0  }
0xe1: {  	[sflag:s20] =	ssyncadd.s32 $0xFFFFF380  }
0xe2: {  	_ =	swait.ge [sflag:s20], $0xC80  }
0xe3: {  	[sflag:s20] =	ssyncset.done $0x0  }
0xe4: {  	[sflag:s20] =	ssyncadd.s32 $0xFFFFF380  }
0xe5: {  	_ =	swait.ge [sflag:s20], $0xC80  }
0xe6: {  	[sflag:s20] =	ssyncset.done $0x0  }
0xe7: {  	[sflag:s20] =	ssyncadd.s32 $0xFFFFF380  }
0xe8: {  	_ =	swait.ge [sflag:s20], $0xC80  }
0xe9: {  	[sflag:s20] =	ssyncset.done $0x0  }
0xea: {  	[sflag:s20] =	ssyncadd.s32 $0xFFFFF380  }
0xeb: {  	_ =	swait.ge [sflag:s20], $0xC80  }
0xec: {  	[sflag:s20] =	ssyncset.done $0x0  }
0xed: {  	[sflag:s20] =	ssyncadd.s32 $0xFFFFF380  }
0xee: {  	_ =	swait.ge [sflag:s20], $0xC80  }
0xef: {  	[sflag:s20] =	ssyncset.done $0x0  }
0xf0: {  	[sflag:s20] =	ssyncadd.s32 $0xFFFFF380  }
0xf1: {  	_ =	swait.ge [sflag:s20], $0xC80  }
0xf2: {  	[sflag:s20] =	ssyncset.done $0x0  }
0xf3: {  	[sflag:s20] =	ssyncadd.s32 $0xFFFFF380  }
0xf4: {  	_ =	swait.ge [sflag:s20], $0xC80  }
0xf5: {  	[sflag:s20] =	ssyncset.done $0x0  }
0xf6: {  	s0 =	sadd.s32 $0x1C00, s21;
	[sflag:s20] =	ssyncadd.s32 $0xFFFFF380  }
0xf7: {  	[hbm4b:s0+s24] =	stream.strided.scatter [tilespmem:s23], [sflag:$0x4], $0xC80, s29, s24, $0x38;
	[tilespmem:$0x19C00] =	vst v63  }
0xf8: {  	s2 =	sadd.s32 $0x1F80, s21  }
0xf9: {  	[hbm4b:s2+s24] =	stream.strided.scatter [tilespmem:s25], [sflag:$0x4], $0xC80, s29, s24, $0x38;
	[tilespmem:$0x19C00] =	vst v63  }
0xfa: {  	s4 =	sadd.s32 $0x2300, s21  }
0xfb: {  	[hbm4b:s4+s24] =	stream.strided.scatter [tilespmem:s28], [sflag:$0x4], $0xC80, s29, s24, $0x38;
	[tilespmem:$0x19C00] =	vst v63  }
0xfc: {  	s5 =	sadd.s32 $0x2680, s21  }
0xfd: {  	[hbm4b:s5+s24] =	stream.strided.scatter [tilespmem:s30], [sflag:$0x4], $0xC80, s29, s24, $0x38;
	[tilespmem:$0x19C00] =	vst v63  }
0xfe: {  	s6 =	sadd.s32 $0x2A00, s21  }
0xff: {  	[hbm4b:s6+s24] =	stream.strided.scatter [tilespmem:s14], [sflag:$0x4], $0xC80, s29, s24, $0x38;
	[tilespmem:$0x19C00] =	vst v63  }
0x100: {  	s7 =	sadd.s32 $0x2D80, s21  }
0x101: {  	[hbm4b:s7+s24] =	stream.strided.scatter [tilespmem:s18], [sflag:$0x4], $0xC80, s29, s24, $0x38;
	[tilespmem:$0x19C00] =	vst v63  }
0x102: {  	s9 =	sadd.s32 $0x3100, s21  }
0x103: {  	[hbm4b:s9+s24] =	stream.strided.scatter [tilespmem:s22], [sflag:$0x4], $0xC80, s29, s24, $0x38;
	[tilespmem:$0x19C00] =	vst v63  }
0x104: {  	s11 =	simm.s32 $0x6;
	s10 =	sadd.s32 $0x3480, s21  }
0x105: {  	[hbm4b:s10+s24] =	stream.strided.scatter [tilespmem:s26], [sflag:$0x4], $0xC80, s29, s24, $0x38;
	[tilespmem:$0x19C00] =	vst v63  }
0x106: {  	_ =	swait.ge [sflag:s11], $0x6400  }
0x107: {  	[sflag:s11] =	ssyncset.done $0x0  }
0x108: {  	s14 =	simm.s32 $0x8C0;
	[sflag:s11] =	ssyncadd.s32 $0xFFFF9C00  }
0x109: {  	[tilespmem:s15], [sflag:$0x3] =	stream.indirect.gather [hbm4b:s3+s12], $0x40, s14, s12, $0xb8;
	[tilespmem:$0x19C00] =	vst v63  }
0x10a: {  	s16 =	simm.s32 $0x8F8  }
0x10b: {  	[tilespmem:s17], [sflag:$0x3] =	stream.indirect.gather [hbm4b:s3+s12], $0x40, s16, s12, $0xb8;
	[tilespmem:$0x19C00] =	vst v63  }
0x10c: {  	s18 =	simm.s32 $0x930  }
0x10d: {  	[tilespmem:s31], [sflag:$0x3] =	stream.indirect.gather [hbm4b:s3+s12], $0x40, s18, s12, $0xb8;
	[tilespmem:$0x19C00] =	vst v63  }
0x10e: {  	s23 =	simm.s32 $0x15D80;
	s22 =	simm.s32 $0x968  }
0x10f: {  	[tilespmem:s23], [sflag:$0x3] =	stream.indirect.gather [hbm4b:s3+s12], $0x40, s22, s12, $0xb8;
	[tilespmem:$0x19C00] =	vst v63  }
0x110: {  	s25 =	simm.s32 $0x9A0;
	s26 =	simm.s32 $0x16A00  }
0x111: {  	[tilespmem:s26], [sflag:$0x3] =	stream.indirect.gather [hbm4b:s3+s12], $0x40, s25, s12, $0xb8;
	[tilespmem:$0x19C00] =	vst v63  }
0x112: {  	s19 =	simm.s32 $0x1500;
	s21 =	sadd.s32 $0x5400, s21;
	s28 =	simm.s32 $0x9D8  }
0x113: {  	[tilespmem:s1], [sflag:$0x3] =	stream.indirect.gather [hbm4b:s3+s12], $0x40, s28, s12, $0xb8;
	[tilespmem:$0x19C00] =	vst v63  }
0x114: {  	s30 =	simm.s32 $0xA10;
	s31 =	simm.s32 $0x18300;
	s23 =	simm.s32 $0xA48  }
0x115: {  	[tilespmem:s31], [sflag:$0x3] =	stream.indirect.gather [hbm4b:s3+s12], $0x40, s30, s12, $0xb8;
	[tilespmem:$0x19C00] =	vst v63  }
.LBB2_2:
0x116: {  	s22 =	simm.s32 $0x18F80  }
0x117: {  	[tilespmem:s22], [sflag:$0x3] =	stream.indirect.gather [hbm4b:s3+s12], $0x40, s23, s12, $0xb8;
	[tilespmem:$0x19C00] =	vst v63  }
0x118: {  	s23 =	smov.u32 s19  }
0x119: {  	p0 =	sne.s32 s19, $0x18F00;
	s19 =	sadd.s32 $0x1500, s19;
	_ =	swait.ge [sflag:s8], $0xC80  }
0x11a: {  	[sflag:s8] =	ssyncset.done $0x0  }
0x11b: {  	[sflag:s8] =	ssyncadd.s32 $0xFFFFF380  }
0x11c: {  	_ =	swait.ge [sflag:s8], $0xC80  }
0x11d: {  	[sflag:s8] =	ssyncset.done $0x0  }
0x11e: {  	[sflag:s8] =	ssyncadd.s32 $0xFFFFF380  }
0x11f: {  	_ =	swait.ge [sflag:s8], $0xC80  }
0x120: {  	[sflag:s8] =	ssyncset.done $0x0  }
0x121: {  	[sflag:s8] =	ssyncadd.s32 $0xFFFFF380  }
0x122: {  	_ =	swait.ge [sflag:s8], $0xC80  }
0x123: {  	[sflag:s8] =	ssyncset.done $0x0  }
0x124: {  	[sflag:s8] =	ssyncadd.s32 $0xFFFFF380  }
0x125: {  	_ =	swait.ge [sflag:s8], $0xC80  }
0x126: {  	[sflag:s8] =	ssyncset.done $0x0  }
0x127: {  	[sflag:s8] =	ssyncadd.s32 $0xFFFFF380  }
0x128: {  	_ =	swait.ge [sflag:s8], $0xC80  }
0x129: {  	[sflag:s8] =	ssyncset.done $0x0  }
0x12a: {  	[sflag:s8] =	ssyncadd.s32 $0xFFFFF380  }
0x12b: {  	_ =	swait.ge [sflag:s8], $0xC80  }
0x12c: {  	[sflag:s8] =	ssyncset.done $0x0  }
0x12d: {  	[sflag:s8] =	ssyncadd.s32 $0xFFFFF380  }
0x12e: {  	_ =	swait.ge [sflag:s8], $0xC80  }
0x12f: {  	[sflag:s8] =	ssyncset.done $0x0  }
0x130: {  	s25 =	sadd.s32 $0xFFFFE400, s21;
	s0 =	simm.s32 $0xD400;
	[sflag:s8] =	ssyncadd.s32 $0xFFFFF380  }
0x131: {  	[hbm4b:s25+s24] =	stream.strided.scatter [tilespmem:s0], [sflag:$0x5], $0xC80, s29, s24, $0x38;
	[tilespmem:$0x19C00] =	vst v63  }
0x132: {  	s2 =	simm.s32 $0xE080;
	s25 =	sadd.s32 $0xFFFFE780, s21  }
0x133: {  	[hbm4b:s25+s24] =	stream.strided.scatter [tilespmem:s2], [sflag:$0x5], $0xC80, s29, s24, $0x38;
	[tilespmem:$0x19C00] =	vst v63  }
0x134: {  	s4 =	simm.s32 $0xED00;
	s25 =	sadd.s32 $0xFFFFEB00, s21  }
0x135: {  	[hbm4b:s25+s24] =	stream.strided.scatter [tilespmem:s4], [sflag:$0x5], $0xC80, s29, s24, $0x38;
	[tilespmem:$0x19C00] =	vst v63  }
0x136: {  	s9 =	simm.s32 $0xF980;
	s25 =	sadd.s32 $0xFFFFEE80, s21  }
0x137: {  	[hbm4b:s25+s24] =	stream.strided.scatter [tilespmem:s9], [sflag:$0x5], $0xC80, s29, s24, $0x38;
	[tilespmem:$0x19C00] =	vst v63  }
0x138: {  	s11 =	simm.s32 $0x10600;
	s25 =	sadd.s32 $0xFFFFF200, s21  }
0x139: {  	[hbm4b:s25+s24] =	stream.strided.scatter [tilespmem:s11], [sflag:$0x5], $0xC80, s29, s24, $0x38;
	[tilespmem:$0x19C00] =	vst v63  }
0x13a: {  	s5 =	simm.s32 $0x11280;
	s25 =	sadd.s32 $0xFFFFF580, s21  }
0x13b: {  	[hbm4b:s25+s24] =	stream.strided.scatter [tilespmem:s5], [sflag:$0x5], $0xC80, s29, s24, $0x38;
	[tilespmem:$0x19C00] =	vst v63  }
0x13c: {  	s6 =	simm.s32 $0x11F00;
	s25 =	sadd.s32 $0xFFFFF900, s21  }
0x13d: {  	[hbm4b:s25+s24] =	stream.strided.scatter [tilespmem:s6], [sflag:$0x5], $0xC80, s29, s24, $0x38;
	[tilespmem:$0x19C00] =	vst v63  }
0x13e: {  	s7 =	simm.s32 $0x12B80;
	s1 =	simm.s32 $0x4;
	s25 =	sadd.s32 $0xFFFFFC80, s21  }
0x13f: {  	[hbm4b:s25+s24] =	stream.strided.scatter [tilespmem:s7], [sflag:$0x5], $0xC80, s29, s24, $0x38;
	[tilespmem:$0x19C00] =	vst v63  }
0x140: {  	_ =	swait.ge [sflag:s1], $0x6400  }
0x141: {  	s23 =	sshra.s32 s23, $0x2;
	[sflag:s1] =	ssyncset.done $0x0  }
0x142: {  	s28 =	simm.s32 $0x7000;
	s25 =	sadd.s32 $0x540, s23;
	[sflag:s1] =	ssyncadd.s32 $0xFFFF9C00  }
0x143: {  	[tilespmem:s28], [sflag:$0x1] =	stream.indirect.gather [hbm4b:s3+s12], $0x40, s25, s12, $0xb8;
	[tilespmem:$0x19C00] =	vst v63  }
0x144: {  	s30 =	simm.s32 $0x7C80;
	s25 =	sadd.s32 $0x578, s23  }
0x145: {  	[tilespmem:s30], [sflag:$0x1] =	stream.indirect.gather [hbm4b:s3+s12], $0x40, s25, s12, $0xb8;
	[tilespmem:$0x19C00] =	vst v63  }
0x146: {  	s1 =	simm.s32 $0x8900;
	s25 =	sadd.s32 $0x5B0, s23  }
0x147: {  	[tilespmem:s1], [sflag:$0x1] =	stream.indirect.gather [hbm4b:s3+s12], $0x40, s25, s12, $0xb8;
	[tilespmem:$0x19C00] =	vst v63  }
0x148: {  	s25 =	sadd.s32 $0x5E8, s23;
	s1 =	simm.s32 $0x9580  }
0x149: {  	[tilespmem:s1], [sflag:$0x1] =	stream.indirect.gather [hbm4b:s3+s12], $0x40, s25, s12, $0xb8;
	[tilespmem:$0x19C00] =	vst v63  }
0x14a: {  	s25 =	sadd.s32 $0x620, s23;
	s1 =	simm.s32 $0xA200  }
0x14b: {  	[tilespmem:s1], [sflag:$0x1] =	stream.indirect.gather [hbm4b:s3+s12], $0x40, s25, s12, $0xb8;
	[tilespmem:$0x19C00] =	vst v63  }
0x14c: {  	s25 =	sadd.s32 $0x658, s23;
	s1 =	simm.s32 $0xAE80  }
0x14d: {  	[tilespmem:s1], [sflag:$0x1] =	stream.indirect.gather [hbm4b:s3+s12], $0x40, s25, s12, $0xb8;
	[tilespmem:$0x19C00] =	vst v63  }
0x14e: {  	s26 =	simm.s32 $0xBB00;
	s25 =	sadd.s32 $0x690, s23  }
0x14f: {  	[tilespmem:s26], [sflag:$0x1] =	stream.indirect.gather [hbm4b:s3+s12], $0x40, s25, s12, $0xb8;
	[tilespmem:$0x19C00] =	vst v63  }
0x150: {  	s31 =	simm.s32 $0xC780;
	s25 =	sadd.s32 $0x6C8, s23  }
0x151: {  	[tilespmem:s31], [sflag:$0x1] =	stream.indirect.gather [hbm4b:s3+s12], $0x40, s25, s12, $0xb8;
	[tilespmem:$0x19C00] =	vst v63  }
0x152: {  	_ =	swait.ge [sflag:s13], $0xC80  }
0x153: {  	[sflag:s13] =	ssyncset.done $0x0  }
0x154: {  	[sflag:s13] =	ssyncadd.s32 $0xFFFFF380  }
0x155: {  	_ =	swait.ge [sflag:s13], $0xC80  }
0x156: {  	[sflag:s13] =	ssyncset.done $0x0  }
0x157: {  	[sflag:s13] =	ssyncadd.s32 $0xFFFFF380  }
0x158: {  	_ =	swait.ge [sflag:s13], $0xC80  }
0x159: {  	[sflag:s13] =	ssyncset.done $0x0  }
0x15a: {  	[sflag:s13] =	ssyncadd.s32 $0xFFFFF380  }
0x15b: {  	_ =	swait.ge [sflag:s13], $0xC80  }
0x15c: {  	[sflag:s13] =	ssyncset.done $0x0  }
0x15d: {  	[sflag:s13] =	ssyncadd.s32 $0xFFFFF380  }
0x15e: {  	_ =	swait.ge [sflag:s13], $0xC80  }
0x15f: {  	[sflag:s13] =	ssyncset.done $0x0  }
0x160: {  	[sflag:s13] =	ssyncadd.s32 $0xFFFFF380  }
0x161: {  	_ =	swait.ge [sflag:s13], $0xC80  }
0x162: {  	[sflag:s13] =	ssyncset.done $0x0  }
0x163: {  	[sflag:s13] =	ssyncadd.s32 $0xFFFFF380  }
0x164: {  	_ =	swait.ge [sflag:s13], $0xC80  }
0x165: {  	[sflag:s13] =	ssyncset.done $0x0  }
0x166: {  	[sflag:s13] =	ssyncadd.s32 $0xFFFFF380  }
0x167: {  	_ =	swait.ge [sflag:s13], $0xC80  }
0x168: {  	[sflag:s13] =	ssyncset.done $0x0  }
0x169: {  	s10 =	simm.s32 $0x13800;
	[sflag:s13] =	ssyncadd.s32 $0xFFFFF380  }
0x16a: {  	[hbm4b:s21+s24] =	stream.strided.scatter [tilespmem:s10], [sflag:$0x6], $0xC80, s29, s24, $0x38;
	[tilespmem:$0x19C00] =	vst v63  }
0x16b: {  	s15 =	simm.s32 $0x14480;
	s25 =	sadd.s32 $0x380, s21  }
0x16c: {  	[hbm4b:s25+s24] =	stream.strided.scatter [tilespmem:s15], [sflag:$0x6], $0xC80, s29, s24, $0x38;
	[tilespmem:$0x19C00] =	vst v63  }
0x16d: {  	s17 =	simm.s32 $0x15100;
	s25 =	sadd.s32 $0x700, s21  }
0x16e: {  	[hbm4b:s25+s24] =	stream.strided.scatter [tilespmem:s17], [sflag:$0x6], $0xC80, s29, s24, $0x38;
	[tilespmem:$0x19C00] =	vst v63  }
0x16f: {  	s1 =	simm.s32 $0x15D80;
	s25 =	sadd.s32 $0xA80, s21  }
0x170: {  	[hbm4b:s25+s24] =	stream.strided.scatter [tilespmem:s1], [sflag:$0x6], $0xC80, s29, s24, $0x38;
	[tilespmem:$0x19C00] =	vst v63  }
0x171: {  	s14 =	simm.s32 $0x16A00;
	s25 =	sadd.s32 $0xE00, s21  }
0x172: {  	[hbm4b:s25+s24] =	stream.strided.scatter [tilespmem:s14], [sflag:$0x6], $0xC80, s29, s24, $0x38;
	[tilespmem:$0x19C00] =	vst v63  }
0x173: {  	s16 =	simm.s32 $0x17680;
	s25 =	sadd.s32 $0x1180, s21  }
0x174: {  	[hbm4b:s25+s24] =	stream.strided.scatter [tilespmem:s16], [sflag:$0x6], $0xC80, s29, s24, $0x38;
	[tilespmem:$0x19C00] =	vst v63  }
0x175: {  	s18 =	simm.s32 $0x18300;
	s25 =	sadd.s32 $0x1500, s21  }
0x176: {  	[hbm4b:s25+s24] =	stream.strided.scatter [tilespmem:s18], [sflag:$0x6], $0xC80, s29, s24, $0x38;
	[tilespmem:$0x19C00] =	vst v63  }
0x177: {  	s25 =	sadd.s32 $0x1880, s21  }
0x178: {  	[hbm4b:s25+s24] =	stream.strided.scatter [tilespmem:s22], [sflag:$0x6], $0xC80, s29, s24, $0x38;
	[tilespmem:$0x19C00] =	vst v63  }
0x179: {  	s22 =	simm.s32 $0x5  }
0x17a: {  	_ =	swait.ge [sflag:s22], $0x6400  }
0x17b: {  	[sflag:s22] =	ssyncset.done $0x0  }
0x17c: {  	s25 =	sadd.s32 $0x700, s23;
	[sflag:s22] =	ssyncadd.s32 $0xFFFF9C00;
	s22 =	simm.s32 $0xD400  }
0x17d: {  	[tilespmem:s0], [sflag:$0x2] =	stream.indirect.gather [hbm4b:s3+s12], $0x40, s25, s12, $0xb8;
	[tilespmem:$0x19C00] =	vst v63  }
0x17e: {  	s25 =	sadd.s32 $0x738, s23;
	s0 =	simm.s32 $0xE080  }
0x17f: {  	[tilespmem:s2], [sflag:$0x2] =	stream.indirect.gather [hbm4b:s3+s12], $0x40, s25, s12, $0xb8;
	[tilespmem:$0x19C00] =	vst v63  }
0x180: {  	s25 =	sadd.s32 $0x770, s23;
	s2 =	simm.s32 $0xED00  }
0x181: {  	[tilespmem:s4], [sflag:$0x2] =	stream.indirect.gather [hbm4b:s3+s12], $0x40, s25, s12, $0xb8;
	[tilespmem:$0x19C00] =	vst v63  }
0x182: {  	s25 =	sadd.s32 $0x7A8, s23;
	s4 =	simm.s32 $0xF980  }
0x183: {  	[tilespmem:s9], [sflag:$0x2] =	stream.indirect.gather [hbm4b:s3+s12], $0x40, s25, s12, $0xb8;
	[tilespmem:$0x19C00] =	vst v63  }
0x184: {  	s25 =	sadd.s32 $0x7E0, s23;
	s9 =	simm.s32 $0x10600  }
0x185: {  	[tilespmem:s11], [sflag:$0x2] =	stream.indirect.gather [hbm4b:s3+s12], $0x40, s25, s12, $0xb8;
	[tilespmem:$0x19C00] =	vst v63  }
0x186: {  	s25 =	sadd.s32 $0x818, s23;
	s11 =	simm.s32 $0x11280  }
0x187: {  	[tilespmem:s5], [sflag:$0x2] =	stream.indirect.gather [hbm4b:s3+s12], $0x40, s25, s12, $0xb8;
	[tilespmem:$0x19C00] =	vst v63  }
0x188: {  	s25 =	sadd.s32 $0x850, s23;
	s5 =	simm.s32 $0x11F00  }
0x189: {  	[tilespmem:s6], [sflag:$0x2] =	stream.indirect.gather [hbm4b:s3+s12], $0x40, s25, s12, $0xb8;
	[tilespmem:$0x19C00] =	vst v63  }
0x18a: {  	s25 =	sadd.s32 $0x888, s23;
	s6 =	simm.s32 $0x12B80  }
0x18b: {  	[tilespmem:s7], [sflag:$0x2] =	stream.indirect.gather [hbm4b:s3+s12], $0x40, s25, s12, $0xb8;
	[tilespmem:$0x19C00] =	vst v63  }
0x18c: {  	_ =	swait.ge [sflag:s20], $0xC80  }
0x18d: {  	[sflag:s20] =	ssyncset.done $0x0  }
0x18e: {  	[sflag:s20] =	ssyncadd.s32 $0xFFFFF380  }
0x18f: {  	_ =	swait.ge [sflag:s20], $0xC80  }
0x190: {  	[sflag:s20] =	ssyncset.done $0x0  }
0x191: {  	[sflag:s20] =	ssyncadd.s32 $0xFFFFF380  }
0x192: {  	_ =	swait.ge [sflag:s20], $0xC80  }
0x193: {  	[sflag:s20] =	ssyncset.done $0x0  }
0x194: {  	[sflag:s20] =	ssyncadd.s32 $0xFFFFF380  }
0x195: {  	_ =	swait.ge [sflag:s20], $0xC80  }
0x196: {  	[sflag:s20] =	ssyncset.done $0x0  }
0x197: {  	[sflag:s20] =	ssyncadd.s32 $0xFFFFF380  }
0x198: {  	_ =	swait.ge [sflag:s20], $0xC80  }
0x199: {  	[sflag:s20] =	ssyncset.done $0x0  }
0x19a: {  	[sflag:s20] =	ssyncadd.s32 $0xFFFFF380  }
0x19b: {  	_ =	swait.ge [sflag:s20], $0xC80  }
0x19c: {  	[sflag:s20] =	ssyncset.done $0x0  }
0x19d: {  	[sflag:s20] =	ssyncadd.s32 $0xFFFFF380  }
0x19e: {  	_ =	swait.ge [sflag:s20], $0xC80  }
0x19f: {  	[sflag:s20] =	ssyncset.done $0x0  }
0x1a0: {  	[sflag:s20] =	ssyncadd.s32 $0xFFFFF380  }
0x1a1: {  	_ =	swait.ge [sflag:s20], $0xC80  }
0x1a2: {  	[sflag:s20] =	ssyncset.done $0x0  }
0x1a3: {  	s25 =	sadd.s32 $0x1C00, s21;
	[sflag:s20] =	ssyncadd.s32 $0xFFFFF380  }
0x1a4: {  	[hbm4b:s25+s24] =	stream.strided.scatter [tilespmem:s28], [sflag:$0x4], $0xC80, s29, s24, $0x38;
	[tilespmem:$0x19C00] =	vst v63  }
0x1a5: {  	s25 =	sadd.s32 $0x1F80, s21  }
0x1a6: {  	[hbm4b:s25+s24] =	stream.strided.scatter [tilespmem:s30], [sflag:$0x4], $0xC80, s29, s24, $0x38;
	[tilespmem:$0x19C00] =	vst v63  }
0x1a7: {  	s7 =	simm.s32 $0x8900;
	s25 =	sadd.s32 $0x2300, s21  }
0x1a8: {  	[hbm4b:s25+s24] =	stream.strided.scatter [tilespmem:s7], [sflag:$0x4], $0xC80, s29, s24, $0x38;
	[tilespmem:$0x19C00] =	vst v63  }
0x1a9: {  	s25 =	sadd.s32 $0x2680, s21;
	s7 =	simm.s32 $0x9580  }
0x1aa: {  	[hbm4b:s25+s24] =	stream.strided.scatter [tilespmem:s7], [sflag:$0x4], $0xC80, s29, s24, $0x38;
	[tilespmem:$0x19C00] =	vst v63  }
0x1ab: {  	s25 =	sadd.s32 $0x2A00, s21;
	s7 =	simm.s32 $0xA200  }
0x1ac: {  	[hbm4b:s25+s24] =	stream.strided.scatter [tilespmem:s7], [sflag:$0x4], $0xC80, s29, s24, $0x38;
	[tilespmem:$0x19C00] =	vst v63  }
0x1ad: {  	s25 =	sadd.s32 $0x2D80, s21;
	s7 =	simm.s32 $0xAE80  }
0x1ae: {  	[hbm4b:s25+s24] =	stream.strided.scatter [tilespmem:s7], [sflag:$0x4], $0xC80, s29, s24, $0x38;
	[tilespmem:$0x19C00] =	vst v63  }
0x1af: {  	s25 =	sadd.s32 $0x3100, s21  }
0x1b0: {  	[hbm4b:s25+s24] =	stream.strided.scatter [tilespmem:s26], [sflag:$0x4], $0xC80, s29, s24, $0x38;
	[tilespmem:$0x19C00] =	vst v63  }
0x1b1: {  	s7 =	simm.s32 $0x6;
	s25 =	sadd.s32 $0x3480, s21  }
0x1b2: {  	[hbm4b:s25+s24] =	stream.strided.scatter [tilespmem:s31], [sflag:$0x4], $0xC80, s29, s24, $0x38;
	[tilespmem:$0x19C00] =	vst v63  }
0x1b3: {  	_ =	swait.ge [sflag:s7], $0x6400  }
0x1b4: {  	[sflag:s7] =	ssyncset.done $0x0  }
0x1b5: {  	s25 =	sadd.s32 $0x8C0, s23;
	[sflag:s7] =	ssyncadd.s32 $0xFFFF9C00;
	s7 =	simm.s32 $0x13800  }
0x1b6: {  	[tilespmem:s10], [sflag:$0x3] =	stream.indirect.gather [hbm4b:s3+s12], $0x40, s25, s12, $0xb8;
	[tilespmem:$0x19C00] =	vst v63  }
0x1b7: {  	s25 =	sadd.s32 $0x8F8, s23;
	s10 =	simm.s32 $0x14480  }
0x1b8: {  	[tilespmem:s15], [sflag:$0x3] =	stream.indirect.gather [hbm4b:s3+s12], $0x40, s25, s12, $0xb8;
	[tilespmem:$0x19C00] =	vst v63  }
0x1b9: {  	s25 =	sadd.s32 $0x930, s23;
	s15 =	simm.s32 $0x15100  }
0x1ba: {  	[tilespmem:s17], [sflag:$0x3] =	stream.indirect.gather [hbm4b:s3+s12], $0x40, s25, s12, $0xb8;
	[tilespmem:$0x19C00] =	vst v63  }
0x1bb: {  	s25 =	sadd.s32 $0x968, s23;
	s17 =	simm.s32 $0x15D80  }
0x1bc: {  	[tilespmem:s1], [sflag:$0x3] =	stream.indirect.gather [hbm4b:s3+s12], $0x40, s25, s12, $0xb8;
	[tilespmem:$0x19C00] =	vst v63  }
0x1bd: {  	s30 =	simm.s32 $0x16A00;
	s25 =	sadd.s32 $0x9A0, s23  }
0x1be: {  	[tilespmem:s14], [sflag:$0x3] =	stream.indirect.gather [hbm4b:s3+s12], $0x40, s25, s12, $0xb8;
	[tilespmem:$0x19C00] =	vst v63  }
.Ltmp0:
0x1bf: {  	s31 =	simm.s32 $0x17680;
	s25 =	sadd.s32 $0x9D8, s23;
	(pc) =	sbr.rel @p0 .LBB2_2-.Ltmp0, $4  }
0x1c0: {  	[tilespmem:s16], [sflag:$0x3] =	stream.indirect.gather [hbm4b:s3+s12], $0x40, s25, s12, $0xb8;
	[tilespmem:$0x19C00] =	vst v63  }
0x1c1: {  	s28 =	simm.s32 $0x18300;
	s25 =	sadd.s32 $0xA10, s23  }
0x1c2: {  	[tilespmem:s18], [sflag:$0x3] =	stream.indirect.gather [hbm4b:s3+s12], $0x40, s25, s12, $0xb8;
	[tilespmem:$0x19C00] =	vst v63  }
0x1c3: {  	s21 =	sadd.s32 $0x5400, s21;
	s23 =	sadd.s32 $0xA48, s23  }
0x1c4: {  	s14 =	simm.s32 $0x18F80;
	s1 =	simm.s32 $0x4  }
0x1c5: {  	[tilespmem:s14], [sflag:$0x3] =	stream.indirect.gather [hbm4b:s3+s12], $0x40, s23, s12, $0xb8;
	[tilespmem:$0x19C00] =	vst v63  }
0x1c6: {  	_ =	swait.ge [sflag:s1], $0x6400  }
0x1c7: {  	[sflag:s1] =	ssyncset.done $0x0  }
0x1c8: {  	s16 =	simm.s32 $0x6E40;
	s23 =	simm.s32 $0x7000;
	[sflag:s1] =	ssyncadd.s32 $0xFFFF9C00  }
0x1c9: {  	[tilespmem:s23], [sflag:$0x1] =	stream.indirect.gather [hbm4b:s3+s12], $0x40, s16, s12, $0xb8;
	[tilespmem:$0x19C00] =	vst v63  }
0x1ca: {  	s25 =	simm.s32 $0x7C80;
	s19 =	simm.s32 $0x6E78  }
0x1cb: {  	[tilespmem:s25], [sflag:$0x1] =	stream.indirect.gather [hbm4b:s3+s12], $0x40, s19, s12, $0xb8;
	[tilespmem:$0x19C00] =	vst v63  }
0x1cc: {  	s18 =	simm.s32 $0x6EB0;
	s16 =	simm.s32 $0x8900  }
0x1cd: {  	[tilespmem:s16], [sflag:$0x1] =	stream.indirect.gather [hbm4b:s3+s12], $0x40, s18, s12, $0xb8;
	[tilespmem:$0x19C00] =	vst v63  }
0x1ce: {  	s19 =	simm.s32 $0x6EE8;
	s18 =	simm.s32 $0x9580  }
0x1cf: {  	[tilespmem:s18], [sflag:$0x1] =	stream.indirect.gather [hbm4b:s3+s12], $0x40, s19, s12, $0xb8;
	[tilespmem:$0x19C00] =	vst v63  }
0x1d0: {  	s26 =	simm.s32 $0xA200;
	s21 =	simm.s32 $0x6F20  }
0x1d1: {  	[tilespmem:s26], [sflag:$0x1] =	stream.indirect.gather [hbm4b:s3+s12], $0x40, s21, s12, $0xb8;
	[tilespmem:$0x19C00] =	vst v63  }
0x1d2: {  	s19 =	simm.s32 $0x6F58;
	s21 =	simm.s32 $0xAE80  }
0x1d3: {  	[tilespmem:s21], [sflag:$0x1] =	stream.indirect.gather [hbm4b:s3+s12], $0x40, s19, s12, $0xb8;
	[tilespmem:$0x19C00] =	vst v63  }
0x1d4: {  	s21 =	simm.s32 $0xBB00;
	s19 =	simm.s32 $0x6F90  }
0x1d5: {  	[tilespmem:s21], [sflag:$0x1] =	stream.indirect.gather [hbm4b:s3+s12], $0x40, s19, s12, $0xb8;
	[tilespmem:$0x19C00] =	vst v63  }
0x1d6: {  	s21 =	simm.s32 $0xC780;
	s19 =	simm.s32 $0x6FC8  }
0x1d7: {  	[tilespmem:s21], [sflag:$0x1] =	stream.indirect.gather [hbm4b:s3+s12], $0x40, s19, s12, $0xb8;
	[tilespmem:$0x19C00] =	vst v63  }
0x1d8: {  	_ =	swait.ge [sflag:s8], $0xC80  }
0x1d9: {  	[sflag:s8] =	ssyncset.done $0x0  }
0x1da: {  	[sflag:s8] =	ssyncadd.s32 $0xFFFFF380  }
0x1db: {  	_ =	swait.ge [sflag:s8], $0xC80  }
0x1dc: {  	[sflag:s8] =	ssyncset.done $0x0  }
0x1dd: {  	[sflag:s8] =	ssyncadd.s32 $0xFFFFF380  }
0x1de: {  	_ =	swait.ge [sflag:s8], $0xC80  }
0x1df: {  	[sflag:s8] =	ssyncset.done $0x0  }
0x1e0: {  	[sflag:s8] =	ssyncadd.s32 $0xFFFFF380  }
0x1e1: {  	_ =	swait.ge [sflag:s8], $0xC80  }
0x1e2: {  	[sflag:s8] =	ssyncset.done $0x0  }
0x1e3: {  	[sflag:s8] =	ssyncadd.s32 $0xFFFFF380  }
0x1e4: {  	_ =	swait.ge [sflag:s8], $0xC80  }
0x1e5: {  	[sflag:s8] =	ssyncset.done $0x0  }
0x1e6: {  	[sflag:s8] =	ssyncadd.s32 $0xFFFFF380  }
0x1e7: {  	_ =	swait.ge [sflag:s8], $0xC80  }
0x1e8: {  	[sflag:s8] =	ssyncset.done $0x0  }
0x1e9: {  	[sflag:s8] =	ssyncadd.s32 $0xFFFFF380  }
0x1ea: {  	_ =	swait.ge [sflag:s8], $0xC80  }
0x1eb: {  	[sflag:s8] =	ssyncset.done $0x0  }
0x1ec: {  	[sflag:s8] =	ssyncadd.s32 $0xFFFFF380  }
0x1ed: {  	_ =	swait.ge [sflag:s8], $0xC80  }
0x1ee: {  	[sflag:s8] =	ssyncset.done $0x0  }
0x1ef: {  	s21 =	rddreg [dreg:$0x5];
	[sflag:s8] =	ssyncadd.s32 $0xFFFFF380  }
0x1f0: {  	[hbm4b:s21+s24] =	stream.strided.scatter [tilespmem:s22], [sflag:$0x5], $0xC80, s29, s24, $0x38;
	[tilespmem:$0x19C00] =	vst v63  }
0x1f1: {  	s22 =	sadd.s32 $0x380, s21  }
0x1f2: {  	[hbm4b:s22+s24] =	stream.strided.scatter [tilespmem:s0], [sflag:$0x5], $0xC80, s29, s24, $0x38;
	[tilespmem:$0x19C00] =	vst v63  }
0x1f3: {  	s0 =	sadd.s32 $0x700, s21  }
0x1f4: {  	[hbm4b:s0+s24] =	stream.strided.scatter [tilespmem:s2], [sflag:$0x5], $0xC80, s29, s24, $0x38;
	[tilespmem:$0x19C00] =	vst v63  }
0x1f5: {  	s22 =	sadd.s32 $0xA80, s21  }
0x1f6: {  	[hbm4b:s22+s24] =	stream.strided.scatter [tilespmem:s4], [sflag:$0x5], $0xC80, s29, s24, $0x38;
	[tilespmem:$0x19C00] =	vst v63  }
0x1f7: {  	s0 =	sadd.s32 $0xE00, s21  }
0x1f8: {  	[hbm4b:s0+s24] =	stream.strided.scatter [tilespmem:s9], [sflag:$0x5], $0xC80, s29, s24, $0x38;
	[tilespmem:$0x19C00] =	vst v63  }
0x1f9: {  	s2 =	sadd.s32 $0x1180, s21  }
0x1fa: {  	[hbm4b:s2+s24] =	stream.strided.scatter [tilespmem:s11], [sflag:$0x5], $0xC80, s29, s24, $0x38;
	[tilespmem:$0x19C00] =	vst v63  }
0x1fb: {  	s4 =	sadd.s32 $0x1500, s21  }
0x1fc: {  	[hbm4b:s4+s24] =	stream.strided.scatter [tilespmem:s5], [sflag:$0x5], $0xC80, s29, s24, $0x38;
	[tilespmem:$0x19C00] =	vst v63  }
0x1fd: {  	s9 =	sadd.s32 $0x1880, s21  }
0x1fe: {  	[hbm4b:s9+s24] =	stream.strided.scatter [tilespmem:s6], [sflag:$0x5], $0xC80, s29, s24, $0x38;
	[tilespmem:$0x19C00] =	vst v63  }
0x1ff: {  	_ =	swait.ge [sflag:s13], $0xC80  }
0x200: {  	[sflag:s13] =	ssyncset.done $0x0  }
0x201: {  	[sflag:s13] =	ssyncadd.s32 $0xFFFFF380  }
0x202: {  	_ =	swait.ge [sflag:s13], $0xC80  }
0x203: {  	[sflag:s13] =	ssyncset.done $0x0  }
0x204: {  	[sflag:s13] =	ssyncadd.s32 $0xFFFFF380  }
0x205: {  	_ =	swait.ge [sflag:s13], $0xC80  }
0x206: {  	[sflag:s13] =	ssyncset.done $0x0  }
0x207: {  	[sflag:s13] =	ssyncadd.s32 $0xFFFFF380  }
0x208: {  	_ =	swait.ge [sflag:s13], $0xC80  }
0x209: {  	[sflag:s13] =	ssyncset.done $0x0  }
0x20a: {  	[sflag:s13] =	ssyncadd.s32 $0xFFFFF380  }
0x20b: {  	_ =	swait.ge [sflag:s13], $0xC80  }
0x20c: {  	[sflag:s13] =	ssyncset.done $0x0  }
0x20d: {  	[sflag:s13] =	ssyncadd.s32 $0xFFFFF380  }
0x20e: {  	_ =	swait.ge [sflag:s13], $0xC80  }
0x20f: {  	[sflag:s13] =	ssyncset.done $0x0  }
0x210: {  	[sflag:s13] =	ssyncadd.s32 $0xFFFFF380  }
0x211: {  	_ =	swait.ge [sflag:s13], $0xC80  }
0x212: {  	[sflag:s13] =	ssyncset.done $0x0  }
0x213: {  	[sflag:s13] =	ssyncadd.s32 $0xFFFFF380  }
0x214: {  	_ =	swait.ge [sflag:s13], $0xC80  }
0x215: {  	[sflag:s13] =	ssyncset.done $0x0  }
0x216: {  	s11 =	rddreg [dreg:$0x6];
	[sflag:s13] =	ssyncadd.s32 $0xFFFFF380  }
0x217: {  	[hbm4b:s11+s24] =	stream.strided.scatter [tilespmem:s7], [sflag:$0x6], $0xC80, s29, s24, $0x38;
	[tilespmem:$0x19C00] =	vst v63  }
0x218: {  	s22 =	sadd.s32 $0x380, s11  }
0x219: {  	[hbm4b:s22+s24] =	stream.strided.scatter [tilespmem:s10], [sflag:$0x6], $0xC80, s29, s24, $0x38;
	[tilespmem:$0x19C00] =	vst v63  }
0x21a: {  	s0 =	sadd.s32 $0x700, s11  }
0x21b: {  	[hbm4b:s0+s24] =	stream.strided.scatter [tilespmem:s15], [sflag:$0x6], $0xC80, s29, s24, $0x38;
	[tilespmem:$0x19C00] =	vst v63  }
0x21c: {  	s2 =	sadd.s32 $0xA80, s11  }
0x21d: {  	[hbm4b:s2+s24] =	stream.strided.scatter [tilespmem:s17], [sflag:$0x6], $0xC80, s29, s24, $0x38;
	[tilespmem:$0x19C00] =	vst v63  }
0x21e: {  	s4 =	sadd.s32 $0xE00, s11  }
0x21f: {  	[hbm4b:s4+s24] =	stream.strided.scatter [tilespmem:s30], [sflag:$0x6], $0xC80, s29, s24, $0x38;
	[tilespmem:$0x19C00] =	vst v63  }
0x220: {  	s5 =	sadd.s32 $0x1180, s11  }
0x221: {  	[hbm4b:s5+s24] =	stream.strided.scatter [tilespmem:s31], [sflag:$0x6], $0xC80, s29, s24, $0x38;
	[tilespmem:$0x19C00] =	vst v63  }
0x222: {  	s6 =	sadd.s32 $0x1500, s11  }
0x223: {  	[hbm4b:s6+s24] =	stream.strided.scatter [tilespmem:s28], [sflag:$0x6], $0xC80, s29, s24, $0x38;
	[tilespmem:$0x19C00] =	vst v63  }
0x224: {  	s7 =	sadd.s32 $0x1880, s11  }
0x225: {  	[hbm4b:s7+s24] =	stream.strided.scatter [tilespmem:s14], [sflag:$0x6], $0xC80, s29, s24, $0x38;
	[tilespmem:$0x19C00] =	vst v63  }
0x226: {  	_ =	swait.ge [sflag:s20], $0xC80  }
0x227: {  	[sflag:s20] =	ssyncset.done $0x0  }
0x228: {  	[sflag:s20] =	ssyncadd.s32 $0xFFFFF380  }
0x229: {  	_ =	swait.ge [sflag:s20], $0xC80  }
0x22a: {  	[sflag:s20] =	ssyncset.done $0x0  }
0x22b: {  	[sflag:s20] =	ssyncadd.s32 $0xFFFFF380  }
0x22c: {  	_ =	swait.ge [sflag:s20], $0xC80  }
0x22d: {  	[sflag:s20] =	ssyncset.done $0x0  }
0x22e: {  	[sflag:s20] =	ssyncadd.s32 $0xFFFFF380  }
0x22f: {  	_ =	swait.ge [sflag:s20], $0xC80  }
0x230: {  	[sflag:s20] =	ssyncset.done $0x0  }
0x231: {  	[sflag:s20] =	ssyncadd.s32 $0xFFFFF380  }
0x232: {  	_ =	swait.ge [sflag:s20], $0xC80  }
0x233: {  	[sflag:s20] =	ssyncset.done $0x0  }
0x234: {  	[sflag:s20] =	ssyncadd.s32 $0xFFFFF380  }
0x235: {  	_ =	swait.ge [sflag:s20], $0xC80  }
0x236: {  	[sflag:s20] =	ssyncset.done $0x0  }
0x237: {  	[sflag:s20] =	ssyncadd.s32 $0xFFFFF380  }
0x238: {  	_ =	swait.ge [sflag:s20], $0xC80  }
0x239: {  	[sflag:s20] =	ssyncset.done $0x0  }
0x23a: {  	[sflag:s20] =	ssyncadd.s32 $0xFFFFF380  }
0x23b: {  	_ =	swait.ge [sflag:s20], $0xC80  }
0x23c: {  	[sflag:s20] =	ssyncset.done $0x0  }
0x23d: {  	s9 =	rddreg [dreg:$0x7];
	[sflag:s20] =	ssyncadd.s32 $0xFFFFF380  }
0x23e: {  	[hbm4b:s9+s24] =	stream.strided.scatter [tilespmem:s23], [sflag:$0x4], $0xC80, s29, s24, $0x38;
	[tilespmem:$0x19C00] =	vst v63  }
0x23f: {  	s10 =	sadd.s32 $0x380, s9  }
0x240: {  	[hbm4b:s10+s24] =	stream.strided.scatter [tilespmem:s25], [sflag:$0x4], $0xC80, s29, s24, $0x38;
	[tilespmem:$0x19C00] =	vst v63  }
0x241: {  	s11 =	sadd.s32 $0x700, s9  }
0x242: {  	[hbm4b:s11+s24] =	stream.strided.scatter [tilespmem:s16], [sflag:$0x4], $0xC80, s29, s24, $0x38;
	[tilespmem:$0x19C00] =	vst v63  }
0x243: {  	s14 =	sadd.s32 $0xA80, s9  }
0x244: {  	[hbm4b:s14+s24] =	stream.strided.scatter [tilespmem:s18], [sflag:$0x4], $0xC80, s29, s24, $0x38;
	[tilespmem:$0x19C00] =	vst v63  }
0x245: {  	s15 =	sadd.s32 $0xE00, s9  }
0x246: {  	[hbm4b:s15+s24] =	stream.strided.scatter [tilespmem:s26], [sflag:$0x4], $0xC80, s29, s24, $0x38;
	[tilespmem:$0x19C00] =	vst v63  }
0x247: {  	s17 =	simm.s32 $0xAE80;
	s16 =	sadd.s32 $0x1180, s9  }
0x248: {  	[hbm4b:s16+s24] =	stream.strided.scatter [tilespmem:s17], [sflag:$0x4], $0xC80, s29, s24, $0x38;
	[tilespmem:$0x19C00] =	vst v63  }
0x249: {  	s22 =	simm.s32 $0xBB00;
	s18 =	sadd.s32 $0x1500, s9  }
0x24a: {  	[hbm4b:s18+s24] =	stream.strided.scatter [tilespmem:s22], [sflag:$0x4], $0xC80, s29, s24, $0x38;
	[tilespmem:$0x19C00] =	vst v63  }
0x24b: {  	s23 =	sadd.s32 $0x1880, s9;
	s25 =	simm.s32 $0xC780  }
0x24c: {  	[hbm4b:s23+s24] =	stream.strided.scatter [tilespmem:s25], [sflag:$0x4], $0xC80, s29, s24, $0x38;
	[tilespmem:$0x19C00] =	vst v63  }
0x24d: {  	_ =	swait.ge [sflag:s1], $0x6400  }
0x24e: {  	[sflag:s1] =	ssyncset.done $0x0  }
0x24f: {  	s26 =	simm.s32 $0x5;
	[sflag:s1] =	ssyncadd.s32 $0xFFFF9C00  }
0x250: {  	_ =	swait.ge [sflag:s26], $0x6400  }
0x251: {  	[sflag:s26] =	ssyncset.done $0x0  }
0x252: {  	s28 =	simm.s32 $0x6;
	[sflag:s26] =	ssyncadd.s32 $0xFFFF9C00  }
0x253: {  	_ =	swait.ge [sflag:s28], $0x6400  }
0x254: {  	s30 =	rddreg [dreg:$0xa]  }
0x255: {  	s31 =	rddreg [dreg:$0x8];
	s1 =	sadd.s32 $0x1, s30  }
0x256: {  	p0 =	sne.s32 s1, s31  }
.Ltmp1:
0x257: {  	_ = 	snop;
	(pc) =	sbr.rel @p0 .LBB2_1-.Ltmp1, $3  }
0x258: {  	_ =	sdelay $0x1  }
0x259: {  	[sflag:s28] =	ssyncset.done $0x0  }
0x25a: {  	[sflag:s28] =	ssyncadd.s32 $0xFFFF9C00  }
0x25b: {  	_ =	sfence.sel $0x180000  }
0x25c: {  	[bflag:$0x0] =	sbarrier.arrive $0xFFFF  }
0x25d: {  	_ =	strace $0x90000047  }
0x25e: {  	s0 =	stileid.u32;
	[bflag:$0x2] =	sbarrier.arrive $0xFFFF  }
0x25f: {  	p0 =	sne.s32 s0, $0x0;
	s0 =	rddreg [dreg:$0x2]  }
0x260: {  	s0 =	sadd.s32 @!p0 $0x100000, s0  }
0x261: {  	[sflag:s0] =	ssyncadd.tile.s32 @!p0 $0x1;
	_ =	shalt  }
.Lfunc_end2:
_tile_overlayer_lowered:
.L_overlay_start_2:
0x262: {  	(tag) =	ssettag $0x2  }
0x263: {  	s0 =	rddreg [dreg:$0x0];
	s2 =	stileid.u32  }
0x264: {  	s1 =	rddreg [dreg:$0x1];
	p0 =	sne.s32 s2, $0x0  }
0x265: {  	s3 =	rddreg [dreg:$0x2];
	[bflag:$0x3] =	sbarrier.arrive $0xFFFF;
	s2 =	simm.s32 @!p0 $0x1C07  }
0x266: {  	[timem:s3], [sflag:s2] =	dma.local @!p0 [hbm:s0], s1  }
0x267: {  	s0 =	simm.s32 @!p0 $0x7  }
0x268: {  	_ =	swait.ge @!p0 [sflag:s0], s1  }
0x269: {  	s1 =	ssub.s32 @!p0 $0x0, s1;
	[sflag:s0] =	ssyncset.done @!p0 $0x0  }
0x26a: {  	[sflag:s0] =	ssyncadd.s32 @!p0 s1  }
0x26b: {  	[bflag:$0x3] =	sbarrier.arrive $0xFFFF  }
0x26c: {  	_ =	shalt  }

// kernel: sparse-core-data-format-call.cloned.1.call-start
scs
called_computation_lowered:
.L_overlay_start_0:
0x0: {  	s2 =	sld [smem:$0x3FD9]  }
0x1: {  	s3 =	sld [smem:$0x3FFE];
	_ =	sdelay $0x1  }
0x2: {  	s1 =	srdreg.scid  }
0x3: {  	s0 =	sand.u32 $0x1, s1  }
0x4: {  	s18 =	sshll.u32 s0, $0xA;
	s2 =	sadd.s32 s3, s2  }
0x5: {  	s2 =	sadd.s32 s2, s18  }
0x6: {  	[smem:$0x3FC6] =	sst s2  }
0x7: {  	_ = 	snop  }
0x8: {  	s2 =	sld [smem:$0x3FD0];
	(tm) =	ssettm $0x1  }
0x9: {  	s19 =	sld [smem:$0x3FFB];
	_ =	sdelay $0x3  }
0xa: {  	_ =	strace s19  }
0xb: {  	s3 =	sld [smem:$0x3FFC];
	_ =	sdelay $0x3  }
0xc: {  	_ =	strace s3  }
0xd: {  	s3 =	sld [smem:$0x3FFD];
	_ =	sdelay $0x3  }
0xe: {  	_ =	strace s3  }
0xf: {  	_ =	strace $0x8FFFFFFF  }
0x10: {  	s20 =	sld [smem:$0x3FDB];
	_ =	sdelay $0x1  }
0x11: {  	s4 =	simm.s32 $_scs_section_size  }
0x12: {  	s5 =	simm.s32 $_size__tile_overlayer_lowered;
	s6 =	simm.s32 $_tile_overlayer_lowered  }
0x13: {  	s23 =	simm.s32 $0x1BFF;
	s22 =	sshll.u32 s6, $0x1;
	s3 =	sadd.s32 s4, s20  }
0x14: {  	s7 =	simm.s32 $0x0;
	s21 =	sshll.u32 s5, $0x1;
	s5 =	sadd.s32 s22, s3  }
0x15: {  	[timem:s7], [sflag:s23] =	dma.local [hbm:s5], s21  }
0x16: {  	_ =	swait.ge [sflag:s23], s21  }
0x17: {  	s4 =	ssub.s32 $0x0, s21;
	[sflag:s23] =	ssyncset.done $0x0  }
0x18: {  	[sflag:s23] =	ssyncadd.s32 s4;
	_ =	sdelay $0x1  }
0x19: {  	s24 =	simm.s32 $0x1B8B  }
0x1a: {  	_ =	swait.ge [sflag:s24], $0x1  }
0x1b: {  	[sflag:s24] =	ssyncset.done $0x0  }
0x1c: {  	s26 =	simm.s32 $0x1B8E;
	s25 =	sld [smem:$0x3FFE];
	[sflag:s24] =	ssyncadd.s32 $0xFFFFFFFF  }
0x1d: {  	s27 =	simm.s32 $execute0_lowered;
	[smem:$0x3FD2] =	sst s26  }
0x1e: {  	s5 =	sshll.u32 s27, $0x1;
	_ =	strace $0x80000049;
	[dreg:$0x1] =	wrdreg $0xFFFFFFFF  }
0x1f: {  	s28 =	simm.s32 $_size_execute0_lowered;
	s3 =	sadd.s32 s3, s5;
	[dreg:$0x0] =	wrdreg $0x0  }
0x20: {  	s5 =	sshll.u32 s28, $0x1;
	[dreg:$0x2] =	wrdreg s3  }
0x21: {  	[dreg:$0x3] =	wrdreg s5  }
0x22: {  	[dreg:$0x4] =	wrdreg $0xC0  }
0x23: {  	_ =	task [dreg:s7], $0x5FFFF  }
0x24: {  	[dreg:$0x1] =	wrdreg $0xFFFFFFFF  }
0x25: {  	[dreg:$0x0] =	wrdreg $0x60  }
0x26: {  	[dreg:$0x2] =	wrdreg s25  }
0x27: {  	[dreg:$0x3] =	wrdreg s2  }
0x28: {  	[dreg:$0x4] =	wrdreg $0x9  }
0x29: {  	_ =	task.clear_ibuf [dreg:s7], $0x5FFFF;
	_ =	strace $0x90000049  }
0x2a: {  	s29 =	simm.s32 $0x9;
	_ =	strace $0x8000004B  }
0x2b: {  	_ =	swait.ge [sflag:s29], $0x1  }
0x2c: {  	[sflag:s29] =	ssyncadd.s32 $0xFFFFFFFF  }
0x2d: {  	_ =	strace $0x9000004B  }
0x2e: {  	_ =	sfence  }
0x2f: {  	s30 =	sld [smem:$0x0];
	_ =	sdelay $0x2  }
0x30: {  	s31 =	sshll.u32 s1, $0xD;
	s1 =	sshrl.u32 s1, $0x2  }
0x31: {  	s3 =	sand.u32 $0x4000, s31;
	s1 =	sadd.s32 s1, s30  }
0x32: {  	s0 =	sor.u32 s3, s0;
	s1 =	sshll.u32 s1, $0x11  }
0x33: {  	s0 =	sor.u32 s1, s0  }
0x34: {  	s0 =	sadd.s32 $0x8F2B, s0  }
0x35: {  	[sflag:s0] =	ssyncadd.remote.s32 $0x1  }
0x36: {  	_ =	sfence.sel $0xFFFF  }
0x37: {  	[dreg:$0x0] =	wrdreg $0xFFFFFFFF;
	(pc) =	sbr.abs _section_cstart, $3  }
0x38: {  	[dreg:$0x1] =	wrdreg $0xFFFFFFFF  }
0x39: {  	_ =	task.clear_ibuf [dreg:s7], $0x2FFFF;
	_ =	strace $0x9FFFFFFF  }
0x3a: {  	(tm) =	ssettm $0x7FFFFFFF  }
0x3b: {  	_ =	shalt  }
tec
execute0_lowered:
.L_overlay_start_1:
0x0: {  	(tag) =	ssettag $0x1  }
0x1: {  	s0 =	srdreg.scid  }
0x2: {  	s1 =	sshll.u32 s0, $0x4  }
0x3: {  	s0 =	stileid.u32;
	s1 =	sand.u32 $0x10, s1  }
0x4: {  	s1 =	sor.u32 s0, s1  }
0x5: {  	s6 =	rddreg [dreg:$0x0];
	s4 =	simm.s32 $0x1;
	s2 =	sshll.u32 s1, $0x7  }
0x6: {  	s7 =	simm.s32 $0x2;
	s12 =	simm.s32 $0x0;
	s1 =	ssub.s32 $0x4000, s2  }
0x7: {  	s8 =	simm.s32 $0x20000;
	s13 =	simm.s32 $0x0;
	s3 =	sand.u32 $0xF80, s1  }
0x8: {  	s9 =	simm.s32 $0x0;
	s5 =	sshrl.u32 s1, $0xC;
	p0 =	sne.s32 s3, $0x0  }
.Ltmp0:
0x9: {  	s1 =	rddreg [dreg:$0x2];
	s4 =	simm.s32 @!p0 $0x0;
	(pc) =	sbr.rel .LBB1_1-.Ltmp0, $4  }
0xa: {  	s11 =	simm.s32 $0x0;
	s3 =	rddreg [dreg:$0x1];
	s5 =	sadd.s32 s4, s5  }
0xb: {  	_ =	strace $0x8000004A;
	s4 =	simm.s32 $0x1;
	s5 =	smul.u32 $0x32, s5  }
0xc: {  	s6 =	sadd.s32 $0xA00, s6;
	s10 =	smov.u32 s2;
	[sflag:s4] =	ssyncpa.u1 $0x0  }
0xd: {  	p0 =	por $0x0, $0x0;
	[sflag:s7] =	ssyncpa.u1 $0x0;
	s7 =	sor.u32 $0x1, s5  }
.LBB1_4:
0xe: {  	s16 =	sshll.u32 s13, $0x3;
	s17 =	sand.u32 $0x78, s13  }
0xf: {  	s30 =	sand.u32 $0x1F800, s13;
	s12 =	sshll.u32 s12, $0x11;
	s16 =	sand.u32 $0x3C00, s16  }
0x10: {  	[tilespmem:s15+$0x810 ss:$0x81] =	vst.msk $0xffff, v2;
	s31 =	sand.u32 $0x7, s13;
	s16 =	sor.u32 s17, s16;
	s17 =	sadd.s32 s3, s30  }
0x11: {  	[tilespmem:s15+$0x1020 ss:$0x81] =	vst.msk $0xffff, v0;
	s13 =	sshll.u32 s31, $0x12;
	s12 =	sadd.s32 s12, s17;
	s16 =	sshrl.u32 s16, $0x3  }
0x12: {  	[tilespmem:s15+$0x0 ss:$0x81] =	vst.msk $0xffff, v1;
	s13 =	sor.u32 $0x400, s13;
	s12 =	sadd.s32 s16, s12  }
0x13: {  	[hbm4b:s12+s13] =	stream.strided.scatter [tilespmem:s14], [sflag:$0x2], $0x2000, s8, s13, $0x20;
	[tilespmem:$0x8080] =	vst v63  }
.LBB1_5:
0x14: {  	s14 =	sadd.s32 $0x1, s9  }
0x15: {  	s12 =	sadd.s32 $0x1000, s10;
	s16 =	smov.u32 s10;
	p2 =	sgt.s32 s14, $0x31  }
0x16: {  	s16 =	smov.u32 @p2 s12  }
0x17: {  	s14 =	simm.s32 @p2 $0x0;
	p2 =	sgt.s32 s16, $0x3FFF  }
0x18: {  	s16 =	smov.u32 @p2 s2;
	p2 =	sne.s32 s11, s7  }
.Ltmp1:
0x19: {  	p1 =	slt.u32 s11, $0x2;
	(pc) =	sbr.rel @!p2 .LBB1_6-.Ltmp1, $4  }
0x1a: {  	s15 =	simm.s32 @!p1 $0x2  }
0x1b: {  	s13 =	smov.u32 s10;
	p0 =	por !p0, !p0;
	_ =	swait.ge @!p1 [sflag:s15], $0x2000  }
0x1c: {  	s12 =	smov.u32 s9;
	[sflag:s15] =	ssyncset.done @!p1 $0x0;
	s9 =	smov.u32 s14  }
0x1d: {  	s11 =	sadd.s32 $0x1, s11;
	[sflag:s15] =	ssyncadd.s32 @!p1 $0xFFFFE000;
	s10 =	smov.u32 s16  }
.LBB1_1:
0x1e: {  	p1 =	sge.u32 s11, s5  }
0x1f: {  	s14 =	sand.u32 @!p1 $0x1FFFFFF, s9  }
0x20: {  	s15 =	smulhi.u32 @!p1 $0x4924925, s14;
	_ =	sdelay $0x1  }
0x21: {  	s15 =	smul.u32 @!p1 $0x38, s15  }
0x22: {  	s16 =	sxor.u32 @!p1 $0xFFFFFFFF, s11;
	s17 =	smul.u32 @!p1 $0x380, s10  }
0x23: {  	s31 =	sadd.s32 $0xFFFFFFFF, s11;
	s16 =	sshll.u32 @!p1 s16, $0xD;
	s14 =	ssub.s32 @!p1 s14, s15  }
0x24: {  	s15 =	sand.u32 @!p1 $0x2000, s16;
	s16 =	sadd.s32 @!p1 s6, s17;
	s14 =	sshll.u32 @!p1 s14, $0x4  }
0x25: {  	s17 =	simm.s32 @!p1 $0x1C00;
	s14 =	sadd.s32 @!p1 s14, s16;
	s16 =	simm.s32 @!p1 $0x40  }
0x26: {  	[tilespmem:s15], [sflag:$0x1] =	stream.strided.gather @!p1 [hbm4b:s14+s16], $0x2000, s17, s16, $0x38;
	[tilespmem:$0x8080] =	vst v63  }
0x27: {  	p1 =	sge.u32 s31, s5  }
.Ltmp2:
0x28: {  	_ = 	snop;
	(pc) =	sbr.rel @p1 .LBB1_5-.Ltmp2, $1  }
0x29: {  	_ =	sdelay $0x3  }
0x2a: {  	s14 =	simm.s32 $0x1  }
0x2b: {  	_ =	swait.ge [sflag:s4], $0x2000;
	s14 =	simm.s32 @!p0 $0x0  }
0x2c: {  	[sflag:s4] =	ssyncset.done $0x0;
	s15 =	sshll.u32 s14, $0xD  }
0x2d: {  	[sflag:s4] =	ssyncadd.s32 $0xFFFFE000;
	s18 =	sor.u32 $0x20, s15  }
0x2e: {  	s14 =	smul.u32 $0x8100, s14;
	v3 =	vld [tilespmem:s18+$0x10]  }
0x2f: {  	s30 =	sand.u32 $0x1, s11;
	v2 =	vld [tilespmem:s18+$0xFFFFFFF0]  }
0x30: {  	s15 =	smul.u32 $0x8100, s30;
	s14 =	sshrl.u32 s14, $0x2;
	v0 =	vld [tilespmem:s18+$0x0]  }
0x31: {  	v1 =	vld [tilespmem:s18+$0xFFFFFFE0];
	s16 =	sor.u32 $0x4000, s14  }
0x32: {  	s31 =	sshrl.u32 s15, $0x2;
	s15 =	sadd.s32 $0x0, s16  }
0x33: {  	s17 =	simm.s32 $0x4;
	s18 =	sadd.s32 $0x40, s18;
	s14 =	sor.u32 $0x4000, s31;
	[tilespmem:s15+$0x1830 ss:$0x81] =	vst.msk $0xffff, v3  }
.LBB1_3:
0x34: {  	v3 =	vld [tilespmem:s18+$0x10];
	p1 =	sne.s32 s17, $0x1FC;
	[tilespmem:s15+$0x810 ss:$0x81] =	vst.msk $0xffff, v2;
	s19 =	smov.u32 s17;
	s17 =	sadd.s32 $0x4, s17  }
.Ltmp3:
0x35: {  	v2 =	vld [tilespmem:s18+$0xFFFFFFF0];
	[tilespmem:s15+$0x1020 ss:$0x81] =	vst.msk $0xffff, v0;
	(pc) =	sbr.rel @p1 .LBB1_3-.Ltmp3, $4  }
0x36: {  	v0 =	vld [tilespmem:s18+$0x0];
	[tilespmem:s15+$0x0 ss:$0x81] =	vst.msk $0xffff, v1  }
0x37: {  	s15 =	sshra.s32 s19, $0x2;
	v1 =	vld [tilespmem:s18+$0xFFFFFFE0]  }
0x38: {  	s15 =	sadd.s32 s15, s16  }
0x39: {  	s18 =	sadd.s32 $0x40, s18;
	[tilespmem:s15+$0x1830 ss:$0x81] =	vst.msk $0xffff, v3  }
.Ltmp4:
0x3a: {  	_ = 	snop;
	(pc) =	sbr.rel .LBB1_4-.Ltmp4, $1  }
0x3b: {  	_ =	sdelay $0x3  }
.LBB1_6:
0x3c: {  	_ =	sfence.sel $0x180000  }
0x3d: {  	s2 =	simm.s32 $0x1;
	[bflag:$0x0] =	sbarrier.arrive $0xFFFF  }
0x3e: {  	s31 =	simm.s32 $0x2;
	[sflag:s2] =	ssyncpa.u1 $0x1  }
0x3f: {  	[sflag:s31] =	ssyncpa.u1 $0x1  }
0x40: {  	p0 =	sne.s32 s0, $0x0;
	_ =	strace $0x9000004A  }
0x41: {  	s0 =	sadd.s32 @!p0 $0x100000, s1;
	[bflag:$0x2] =	sbarrier.arrive $0xFFFF  }
0x42: {  	[sflag:s0] =	ssyncadd.tile.s32 @!p0 $0x1;
	_ =	shalt  }
.Lfunc_end1:
_tile_overlayer_lowered:
.L_overlay_start_2:
0x43: {  	(tag) =	ssettag $0x2  }
0x44: {  	s0 =	rddreg [dreg:$0x0];
	s2 =	stileid.u32  }
0x45: {  	s1 =	rddreg [dreg:$0x1];
	p0 =	sne.s32 s2, $0x0  }
0x46: {  	s3 =	rddreg [dreg:$0x2];
	[bflag:$0x3] =	sbarrier.arrive $0xFFFF;
	s2 =	simm.s32 @!p0 $0x1C01  }
0x47: {  	[timem:s3], [sflag:s2] =	dma.local @!p0 [hbm:s0], s1  }
0x48: {  	s0 =	simm.s32 @!p0 $0x1  }
0x49: {  	_ =	swait.ge @!p0 [sflag:s0], s1  }
0x4a: {  	s1 =	ssub.s32 @!p0 $0x0, s1;
	[sflag:s0] =	ssyncset.done @!p0 $0x0  }
0x4b: {  	[sflag:s0] =	ssyncadd.s32 @!p0 s1  }
0x4c: {  	[bflag:$0x3] =	sbarrier.arrive $0xFFFF  }
0x4d: {  	_ =	shalt  }

</sc_bundles>
